<compile_context>
chip_gen: v7x
topology: tpu7x:2x2x1
jax: 0.10.2.dev20260603
libtpu: 0.0.44.dev20260713+nightly
codegen_flags: <defaults>
</compile_context>

<pallas_src>
import functools

import jax
import jax.numpy as jnp
from jax import lax
from jax.experimental import pallas as pl
from jax.experimental.pallas import tpu as pltpu
from jax.experimental.pallas import tpu_sc as plsc

SAMPLE_B = 1024
WRITE_B = 4096
D = 3 * 32 * 32

NC, NS = 2, 16
NW = NC * NS
ROWS_PER = SAMPLE_B // NW
CHUNK = 16
NCHUNK = ROWS_PER // CHUNK
PAD = 8


def _winner_body(idx_ref, s_ref, w_ref):
    ix = idx_ref[...]
    s = s_ref[...].reshape(1, 128)
    eq = ix == s
    j = lax.broadcasted_iota(jnp.int32, (WRITE_B, 128), 0)
    cand = jnp.where(eq, j, -1)
    w_ref[...] = jnp.max(cand, axis=0, keepdims=True).reshape(1, 1, 128)


def _winner_tc(idx, sample_idx):
    idx2 = idx.reshape(WRITE_B, 1)
    s3 = sample_idx.reshape(SAMPLE_B // 128, 1, 128)
    grid = SAMPLE_B // 128
    w = pl.pallas_call(
        _winner_body,
        grid=(grid,),
        in_specs=[
            pl.BlockSpec((WRITE_B, 1), lambda i: (0, 0)),
            pl.BlockSpec((1, 1, 128), lambda i: (i, 0, 0)),
        ],
        out_specs=pl.BlockSpec((1, 1, 128), lambda i: (i, 0, 0)),
        out_shape=jax.ShapeDtypeStruct((SAMPLE_B // 128, 1, 128), jnp.int32),
    )(idx2, s3)
    return w.reshape(SAMPLE_B)


def _merge_body(sidx_sref, win_sref, mem_ref, val_ref, out_ref, sem):
    def issue(i, carry):
        w = win_sref[i]
        s = sidx_sref[i]

        @pl.when(w >= 0)
        def _():
            pltpu.make_async_copy(
                val_ref.at[jnp.maximum(w, 0)], out_ref.at[i], sem).start()

        @pl.when(w < 0)
        def _():
            pltpu.make_async_copy(mem_ref.at[s], out_ref.at[i], sem).start()

        return carry

    lax.fori_loop(0, SAMPLE_B, issue, 0)

    def drain(i, carry):
        pltpu.make_async_copy(mem_ref.at[0], out_ref.at[0], sem).wait()
        return carry

    lax.fori_loop(0, SAMPLE_B, drain, 0)


def _merge_tc(mem, val, sample_idx, winner):
    row = mem.shape[1:]

    grid_spec = pltpu.PrefetchScalarGridSpec(
        num_scalar_prefetch=2,
        grid=(1,),
        in_specs=[
            pl.BlockSpec(memory_space=pltpu.HBM),
            pl.BlockSpec(memory_space=pltpu.HBM),
        ],
        out_specs=pl.BlockSpec(memory_space=pltpu.HBM),
        scratch_shapes=[pltpu.SemaphoreType.DMA],
    )
    return pl.pallas_call(
        _merge_body,
        grid_spec=grid_spec,
        out_shape=jax.ShapeDtypeStruct((SAMPLE_B,) + row, jnp.float32),
    )(sample_idx, winner, mem, val)


def _sc_gather(mem2, val2, sample_idx, winner):
    mesh = plsc.VectorSubcoreMesh(core_axis_name="c", subcore_axis_name="s")

    @functools.partial(
        pl.kernel,
        mesh=mesh,
        out_type=jax.ShapeDtypeStruct((SAMPLE_B, D), jnp.float32),
        scratch_types=[
            pltpu.VMEM((ROWS_PER,), jnp.int32),
            pltpu.VMEM((ROWS_PER,), jnp.int32),
            pltpu.VMEM((CHUNK, D), jnp.float32),
            pltpu.VMEM((CHUNK, D), jnp.float32),
            pltpu.SemaphoreType.DMA,
            pltpu.SemaphoreType.DMA,
            pltpu.SemaphoreType.DMA,
            pltpu.SemaphoreType.DMA,
        ],
    )
    def k(mem_hbm, val_hbm, sidx_hbm, win_hbm, out_hbm,
          sidx_v, win_v, buf0, buf1, semg0, semg1, semw0, semw1):
        wid = lax.axis_index("s") * NC + lax.axis_index("c")
        base = wid * ROWS_PER

        pltpu.sync_copy(sidx_hbm.at[pl.ds(base, ROWS_PER)], sidx_v)
        pltpu.sync_copy(win_hbm.at[pl.ds(base, ROWS_PER)], win_v)

        bufs = (buf0, buf1)
        semg = (semg0, semg1)
        semw = (semw0, semw1)

        gathers = []
        for c in range(NCHUNK):
            sidx = sidx_v[pl.ds(c * CHUNK, CHUNK)]
            gathers.append(
                pltpu.async_copy(mem_hbm.at[sidx], bufs[c % 2], semg[c % 2]))

        writes = []
        for c in range(NCHUNK):
            buf = bufs[c % 2]
            gathers[c].wait()
            wv = win_v[pl.ds(c * CHUNK, CHUNK)]
            for rr in range(CHUNK):
                w_r = wv[rr]

                @pl.when(w_r >= 0)
                def _(w_r=w_r, buf=buf, rr=rr):
                    pltpu.sync_copy(val_hbm.at[w_r], buf.at[rr])

            writes.append(pltpu.async_copy(
                buf, out_hbm.at[pl.ds(base + c * CHUNK, CHUNK)], semw[c % 2]))
        for wr in writes:
            wr.wait()

    return k(mem2, val2, sample_idx, winner)


RCHUNK = 4


def _sc_native_merge(mem, val, sample_idx, winner):
    mesh = plsc.VectorSubcoreMesh(core_axis_name="c", subcore_axis_name="s")
    row_shape = mem.shape[1:]

    @functools.partial(
        pl.kernel,
        mesh=mesh,
        out_type=jax.ShapeDtypeStruct((SAMPLE_B,) + row_shape, jnp.float32),
        scratch_types=[
            pltpu.VMEM((ROWS_PER,), jnp.int32),
            pltpu.VMEM((ROWS_PER,), jnp.int32),
            pltpu.VMEM((RCHUNK,) + row_shape, jnp.float32),
            pltpu.VMEM((RCHUNK,) + row_shape, jnp.float32),
            pltpu.SemaphoreType.DMA,
            pltpu.SemaphoreType.DMA,
        ],
    )
    def k(mem_hbm, val_hbm, sidx_hbm, win_hbm, out_hbm,
          sidx_v, win_v, buf0, buf1, sem0, sem1):
        wid = lax.axis_index("s") * NC + lax.axis_index("c")
        base = wid * ROWS_PER
        pltpu.sync_copy(sidx_hbm.at[pl.ds(base, ROWS_PER)], sidx_v)
        pltpu.sync_copy(win_hbm.at[pl.ds(base, ROWS_PER)], win_v)

        bufs = (buf0, buf1)
        sems = (sem0, sem1)
        nchunk = ROWS_PER // RCHUNK
        pending = [None, None]

        for c in range(nchunk):
            buf, sem = bufs[c % 2], sems[c % 2]
            if pending[c % 2] is not None:
                pending[c % 2].wait()
            wv = win_v[pl.ds(c * RCHUNK // 16 * 16, 16)]
            sv = sidx_v[pl.ds(c * RCHUNK // 16 * 16, 16)]
            for rr in range(RCHUNK):
                r = c * RCHUNK + rr
                w_r = wv[r % 16]
                s_r = sv[r % 16]

                @pl.when(w_r >= 0)
                def _(w_r=w_r, buf=buf, rr=rr):
                    pltpu.sync_copy(val_hbm.at[w_r], buf.at[rr])

                @pl.when(w_r < 0)
                def _(s_r=s_r, buf=buf, rr=rr):
                    pltpu.sync_copy(mem_hbm.at[s_r], buf.at[rr])

            pending[c % 2] = pltpu.async_copy(
                buf, out_hbm.at[pl.ds(base + c * RCHUNK, RCHUNK)], sem)

        pending[nchunk % 2].wait()
        pending[(nchunk + 1) % 2].wait()

    return k(mem, val, sample_idx, winner)


def kernel(mem, idx, val, sample_idx):
    cap = mem.shape[0]
    mem2 = mem.reshape(cap, D)
    val2 = val.reshape(WRITE_B, D)
    winner = _winner_tc(idx, sample_idx)
    out2 = _sc_gather(mem2, val2, sample_idx, winner)
    return out2.reshape(SAMPLE_B, *mem.shape[1:])

# --- scband reference (transcript-rebuilt; emitter-appended) ---
"""Pipeline reference for scband-balanced-buffer-30803505446956 (READ-ONLY COPY).

The authoritative reference and input builder live on the scoring server;
editing this copy changes nothing except your own understanding.
"""

import jax, jax.numpy as jnp
import numpy as np

CAPACITY = 16384
INPUT_SHAPE = (3, 32, 32)
WRITE_B = 4096
SAMPLE_B = 1024


def setup_inputs(seed: int = 0) -> dict:
    key = jax.random.key(seed)
    k1, k2, k3, k4 = jax.random.split(key, 4)
    # bx buffer state (registered buffer in the torch module)
    mem = jax.random.normal(k1, (CAPACITY,) + INPUT_SHAPE, dtype=jnp.float32)
    # indices in the buffer where new batch elements are placed (add_reservoir idx_buffer)
    idx = jax.random.randint(k2, (WRITE_B,), 0, CAPACITY, dtype=jnp.int32)
    # new batch data batch['x'] (add_reservoir)
    val = jax.random.normal(k3, (WRITE_B,) + INPUT_SHAPE, dtype=jnp.float32)
    # indices sampled for replay (get_data indicies)
    sample_idx = jax.random.randint(k4, (SAMPLE_B,), 0, CAPACITY, dtype=jnp.int32)
    return {"mem": mem, "idx": idx, "val": val, "sample_idx": sample_idx}


def reference(mem, idx, val, sample_idx):
    # add_reservoir core op: buffer[idx_buffer] = batch_x[idx_new_data]
    # (scatter-overwrite of new samples into the replay buffer at chosen slots)
    updated = mem.at[idx].set(val)
    # get_data core op: buffers['bx'][indicies] (gather of replay samples)
    out = jnp.take(updated, sample_idx, axis=0)
    return out

if __name__ == "__main__":
    import jax
    _d = setup_inputs()
    print(jax.jit(kernel)(*tuple(_d.values())))

</pallas_src>

<mosaic_0001>
#map = affine_map<(d0, d1) -> (0, 0)>
#map1 = affine_map<(d0, d1) -> (0)>
module attributes {stable_mosaic.version = 14 : i64} {
  func.func @k(%arg0: i32, %arg1: i32, %arg2: memref<16384x3072xf32, #tpu.memory_space<hbm>>, %arg3: memref<4096x3072xf32, #tpu.memory_space<hbm>>, %arg4: memref<1024xi32, #tpu.memory_space<hbm>>, %arg5: memref<1024xi32, #tpu.memory_space<hbm>>, %arg6: memref<1024x3072xf32, #tpu.memory_space<hbm>>, %arg7: memref<32xi32, #tpu.memory_space<vmem>>, %arg8: memref<32xi32, #tpu.memory_space<vmem>>, %arg9: memref<16x3072xf32, #tpu.memory_space<vmem>>, %arg10: memref<16x3072xf32, #tpu.memory_space<vmem>>, %arg11: memref<!tpu.dma_semaphore, #tpu.memory_space<semaphore_mem>>, %arg12: memref<!tpu.dma_semaphore, #tpu.memory_space<semaphore_mem>>, %arg13: memref<!tpu.dma_semaphore, #tpu.memory_space<semaphore_mem>>, %arg14: memref<!tpu.dma_semaphore, #tpu.memory_space<semaphore_mem>>) attributes {dimension_semantics = [#tpu.dimension_semantics<core_parallel>, #tpu.dimension_semantics<subcore_parallel>], iteration_bounds = array<i64: 2, 16>, scalar_prefetch = 0 : i64, scratch_operands = 8 : i64, tpu.core_type = #tpu.core_type<sc_vector_subcore>, window_params = [{transform_indices = #map}, {transform_indices = #map}, {transform_indices = #map1}, {transform_indices = #map1}, {transform_indices = #map}]} {
    %mul3A = arith.constant 2 : i32
    %mul3A_0 = arith.muli %arg1, %mul3A : i32
    %add3A = arith.addi %mul3A_0, %arg0 : i32
    %mul3A_1 = arith.constant 32 : i32
    %mul3A_2 = arith.muli %add3A, %mul3A_1 : i32
    "tpu.region"() ({
      %run_scoped3A = tpu.sem_alloc : memref<!tpu.dma_semaphore, #tpu.memory_space<semaphore_mem>>
      %dma_start3A_263 = tpu.memref_slice %arg4[%mul3A_2] : memref<1024xi32, #tpu.memory_space<hbm>> -> memref<32xi32, #tpu.memory_space<hbm>>
      %dma_start3A_264 = tpu.memref_slice %arg4[%mul3A_2] : memref<1024xi32, #tpu.memory_space<hbm>> -> memref<32xi32, #tpu.memory_space<hbm>>
      tpu.enqueue_dma source(%dma_start3A_264 : memref<32xi32, #tpu.memory_space<hbm>>) target(%arg7 : memref<32xi32, #tpu.memory_space<vmem>>) target_semaphore(%run_scoped3A : memref<!tpu.dma_semaphore, #tpu.memory_space<semaphore_mem>>)
      %dma_wait3A_265 = tpu.memref_slice %arg4[%mul3A_2] : memref<1024xi32, #tpu.memory_space<hbm>> -> memref<32xi32, #tpu.memory_space<hbm>>
      %dma_wait3A_266 = tpu.memref_slice %arg4[%mul3A_2] : memref<1024xi32, #tpu.memory_space<hbm>> -> memref<32xi32, #tpu.memory_space<hbm>>
      tpu.wait_dma2 semaphore(%run_scoped3A : memref<!tpu.dma_semaphore, #tpu.memory_space<semaphore_mem>>) src(%dma_wait3A_266 : memref<32xi32, #tpu.memory_space<hbm>>) dst(%arg7 : memref<32xi32, #tpu.memory_space<vmem>>)
      tpu.yield
    }) : () -> ()
    "tpu.region"() ({
      %run_scoped3A = tpu.sem_alloc : memref<!tpu.dma_semaphore, #tpu.memory_space<semaphore_mem>>
      %dma_start3A_263 = tpu.memref_slice %arg5[%mul3A_2] : memref<1024xi32, #tpu.memory_space<hbm>> -> memref<32xi32, #tpu.memory_space<hbm>>
      %dma_start3A_264 = tpu.memref_slice %arg5[%mul3A_2] : memref<1024xi32, #tpu.memory_space<hbm>> -> memref<32xi32, #tpu.memory_space<hbm>>
      tpu.enqueue_dma source(%dma_start3A_264 : memref<32xi32, #tpu.memory_space<hbm>>) target(%arg8 : memref<32xi32, #tpu.memory_space<vmem>>) target_semaphore(%run_scoped3A : memref<!tpu.dma_semaphore, #tpu.memory_space<semaphore_mem>>)
      %dma_wait3A_265 = tpu.memref_slice %arg5[%mul3A_2] : memref<1024xi32, #tpu.memory_space<hbm>> -> memref<32xi32, #tpu.memory_space<hbm>>
      %dma_wait3A_266 = tpu.memref_slice %arg5[%mul3A_2] : memref<1024xi32, #tpu.memory_space<hbm>> -> memref<32xi32, #tpu.memory_space<hbm>>
      tpu.wait_dma2 semaphore(%run_scoped3A : memref<!tpu.dma_semaphore, #tpu.memory_space<semaphore_mem>>) src(%dma_wait3A_266 : memref<32xi32, #tpu.memory_space<hbm>>) dst(%arg8 : memref<32xi32, #tpu.memory_space<vmem>>)
      tpu.yield
    }) : () -> ()
    %get3A = arith.constant 0 : index
    %get3A_3 = tpu.vector_load %arg7[%get3A] {strides = array<i32>} : memref<32xi32, #tpu.memory_space<vmem>>, vector<16xi32>,
    %get3A_4 = vector.shape_cast %get3A_3 : vector<16xi32> to vector<16xi32>
    %dma_start3A = arith.constant 0 : i32
    %dma_start3A_5 = arith.constant 0 : i32
    %dma_start3A_6 = tpu.memref_slice %arg2[%dma_start3A, %dma_start3A_5] : memref<16384x3072xf32, #tpu.memory_space<hbm>> -> memref<16384x3072xf32, #tpu.memory_space<hbm>>
    tpu.enqueue_indirect_dma source(%dma_start3A_6 : memref<16384x3072xf32, #tpu.memory_space<hbm>>) target(%arg9 : memref<16x3072xf32, #tpu.memory_space<vmem>>) offsets(%get3A_4 : vector<16xi32>) semaphore(%arg11 : memref<!tpu.dma_semaphore, #tpu.memory_space<semaphore_mem>>)
    %get3A_7 = arith.constant 16 : index
    %get3A_8 = tpu.vector_load %arg7[%get3A_7] {strides = array<i32>} : memref<32xi32, #tpu.memory_space<vmem>>, vector<16xi32>,
    %get3A_9 = vector.shape_cast %get3A_8 : vector<16xi32> to vector<16xi32>
    %dma_start3A_10 = arith.constant 0 : i32
    %dma_start3A_11 = arith.constant 0 : i32
    %dma_start3A_12 = tpu.memref_slice %arg2[%dma_start3A_10, %dma_start3A_11] : memref<16384x3072xf32, #tpu.memory_space<hbm>> -> memref<16384x3072xf32, #tpu.memory_space<hbm>>
    tpu.enqueue_indirect_dma source(%dma_start3A_12 : memref<16384x3072xf32, #tpu.memory_space<hbm>>) target(%arg10 : memref<16x3072xf32, #tpu.memory_space<vmem>>) offsets(%get3A_9 : vector<16xi32>) semaphore(%arg12 : memref<!tpu.dma_semaphore, #tpu.memory_space<semaphore_mem>>)
    %dma_wait3A = arith.constant 0 : i32
    %dma_wait3A_13 = arith.constant 0 : i32
    %dma_wait3A_14 = tpu.memref_slice %arg2[%dma_wait3A, %dma_wait3A_13] : memref<16384x3072xf32, #tpu.memory_space<hbm>> -> memref<16384x3072xf32, #tpu.memory_space<hbm>>
    tpu.wait_indirect_dma semaphore(%arg11 : memref<!tpu.dma_semaphore, #tpu.memory_space<semaphore_mem>>) src(%dma_wait3A_14 : memref<16384x3072xf32, #tpu.memory_space<hbm>>) dst(%arg9 : memref<16x3072xf32, #tpu.memory_space<vmem>>)
    %get3A_15 = arith.constant 0 : index
    %get3A_16 = tpu.vector_load %arg8[%get3A_15] {strides = array<i32>} : memref<32xi32, #tpu.memory_space<vmem>>, vector<16xi32>,
    %get3A_17 = vector.shape_cast %get3A_16 : vector<16xi32> to vector<16xi32>
    %slice3A = vector.extract_strided_slice %get3A_17 {offsets = [0], sizes = [1], strides = [1]} : vector<16xi32> to vector<1xi32>
    %squeeze3A = vector.extract %slice3A[0] : i32 from vector<1xi32>
    %ge3A = arith.constant 0 : i32
    %ge3A_18 = arith.cmpi sge, %squeeze3A, %ge3A : i32
    %convert_element_type3A = arith.extui %ge3A_18 : i1 to i32
    %cond3A = arith.constant 0 : i32
    %cond3A_19 = arith.cmpi ne, %convert_element_type3A, %cond3A : i32
    scf.if %cond3A_19 {
      %run_scoped3A = arith.constant 0 : i32
      "tpu.region"() ({
        %run_scoped3A_263 = tpu.sem_alloc : memref<!tpu.dma_semaphore, #tpu.memory_space<semaphore_mem>>
        %dma_start3A_264 = arith.constant 0 : i32
        %dma_start3A_265 = tpu.memref_slice %arg9[%run_scoped3A, %dma_start3A_264] : memref<16x3072xf32, #tpu.memory_space<vmem>> -> memref<1x3072xf32, #tpu.memory_space<vmem>>
        %dma_start3A_266 = tpu.memref_squeeze %dma_start3A_265 : memref<1x3072xf32, #tpu.memory_space<vmem>> -> memref<3072xf32, #tpu.memory_space<vmem>>
        %dma_start3A_267 = arith.constant 0 : i32
        %dma_start3A_268 = tpu.memref_slice %arg3[%squeeze3A, %dma_start3A_267] : memref<4096x3072xf32, #tpu.memory_space<hbm>> -> memref<1x3072xf32, #tpu.memory_space<hbm>>
        %dma_start3A_269 = tpu.memref_squeeze %dma_start3A_268 : memref<1x3072xf32, #tpu.memory_space<hbm>> -> memref<3072xf32, #tpu.memory_space<hbm>>
        %dma_start3A_270 = arith.constant 0 : i32
        %dma_start3A_271 = tpu.memref_slice %arg9[%run_scoped3A, %dma_start3A_270] : memref<16x3072xf32, #tpu.memory_space<vmem>> -> memref<1x3072xf32, #tpu.memory_space<vmem>>
        %dma_start3A_272 = tpu.memref_squeeze %dma_start3A_271 : memref<1x3072xf32, #tpu.memory_space<vmem>> -> memref<3072xf32, #tpu.memory_space<vmem>>
        %dma_start3A_273 = arith.constant 0 : i32
        %dma_start3A_274 = tpu.memref_slice %arg3[%squeeze3A, %dma_start3A_273] : memref<4096x3072xf32, #tpu.memory_space<hbm>> -> memref<1x3072xf32, #tpu.memory_space<hbm>>
        %dma_start3A_275 = tpu.memref_squeeze %dma_start3A_274 : memref<1x3072xf32, #tpu.memory_space<hbm>> -> memref<3072xf32, #tpu.memory_space<hbm>>
        tpu.enqueue_dma source(%dma_start3A_275 : memref<3072xf32, #tpu.memory_space<hbm>>) target(%dma_start3A_272 : memref<3072xf32, #tpu.memory_space<vmem>>) target_semaphore(%run_scoped3A_263 : memref<!tpu.dma_semaphore, #tpu.memory_space<semaphore_mem>>)
        %dma_wait3A_276 = arith.constant 0 : i32
        %dma_wait3A_277 = tpu.memref_slice %arg9[%run_scoped3A, %dma_wait3A_276] : memref<16x3072xf32, #tpu.memory_space<vmem>> -> memref<1x3072xf32, #tpu.memory_space<vmem>>
        %dma_wait3A_278 = tpu.memref_squeeze %dma_wait3A_277 : memref<1x3072xf32, #tpu.memory_space<vmem>> -> memref<3072xf32, #tpu.memory_space<vmem>>
        %dma_wait3A_279 = arith.constant 0 : i32
        %dma_wait3A_280 = tpu.memref_slice %arg3[%squeeze3A, %dma_wait3A_279] : memref<4096x3072xf32, #tpu.memory_space<hbm>> -> memref<1x3072xf32, #tpu.memory_space<hbm>>
        %dma_wait3A_281 = tpu.memref_squeeze %dma_wait3A_280 : memref<1x3072xf32, #tpu.memory_space<hbm>> -> memref<3072xf32, #tpu.memory_space<hbm>>
        %dma_wait3A_282 = arith.constant 0 : i32
        %dma_wait3A_283 = tpu.memref_slice %arg9[%run_scoped3A, %dma_wait3A_282] : memref<16x3072xf32, #tpu.memory_space<vmem>> -> memref<1x3072xf32, #tpu.memory_space<vmem>>
        %dma_wait3A_284 = tpu.memref_squeeze %dma_wait3A_283 : memref<1x3072xf32, #tpu.memory_space<vmem>> -> memref<3072xf32, #tpu.memory_space<vmem>>
        %dma_wait3A_285 = arith.constant 0 : i32
        %dma_wait3A_286 = tpu.memref_slice %arg3[%squeeze3A, %dma_wait3A_285] : memref<4096x3072xf32, #tpu.memory_space<hbm>> -> memref<1x3072xf32, #tpu.memory_space<hbm>>
        %dma_wait3A_287 = tpu.memref_squeeze %dma_wait3A_286 : memref<1x3072xf32, #tpu.memory_space<hbm>> -> memref<3072xf32, #tpu.memory_space<hbm>>
        tpu.wait_dma2 semaphore(%run_scoped3A_263 : memref<!tpu.dma_semaphore, #tpu.memory_space<semaphore_mem>>) src(%dma_wait3A_287 : memref<3072xf32, #tpu.memory_space<hbm>>) dst(%dma_wait3A_284 : memref<3072xf32, #tpu.memory_space<vmem>>)
        tpu.yield
      }) : () -> ()
    } else {
    }
    %slice3A_20 = vector.extract_strided_slice %get3A_17 {offsets = [1], sizes = [1], strides = [1]} : vector<16xi32> to vector<1xi32>
    %squeeze3A_21 = vector.extract %slice3A_20[0] : i32 from vector<1xi32>
    %ge3A_22 = arith.constant 0 : i32
    %ge3A_23 = arith.cmpi sge, %squeeze3A_21, %ge3A_22 : i32
    %convert_element_type3A_24 = arith.extui %ge3A_23 : i1 to i32
    %cond3A_25 = arith.constant 0 : i32
    %cond3A_26 = arith.cmpi ne, %convert_element_type3A_24, %cond3A_25 : i32
    scf.if %cond3A_26 {
      %run_scoped3A = arith.constant 1 : i32
      "tpu.region"() ({
        %run_scoped3A_263 = tpu.sem_alloc : memref<!tpu.dma_semaphore, #tpu.memory_space<semaphore_mem>>
        %dma_start3A_264 = arith.constant 0 : i32
        %dma_start3A_265 = tpu.memref_slice %arg9[%run_scoped3A, %dma_start3A_264] : memref<16x3072xf32, #tpu.memory_space<vmem>> -> memref<1x3072xf32, #tpu.memory_space<vmem>>
        %dma_start3A_266 = tpu.memref_squeeze %dma_start3A_265 : memref<1x3072xf32, #tpu.memory_space<vmem>> -> memref<3072xf32, #tpu.memory_space<vmem>>
        %dma_start3A_267 = arith.constant 0 : i32
        %dma_start3A_268 = tpu.memref_slice %arg3[%squeeze3A_21, %dma_start3A_267] : memref<4096x3072xf32, #tpu.memory_space<hbm>> -> memref<1x3072xf32, #tpu.memory_space<hbm>>
        %dma_start3A_269 = tpu.memref_squeeze %dma_start3A_268 : memref<1x3072xf32, #tpu.memory_space<hbm>> -> memref<3072xf32, #tpu.memory_space<hbm>>
        %dma_start3A_270 = arith.constant 0 : i32
        %dma_start3A_271 = tpu.memref_slice %arg9[%run_scoped3A, %dma_start3A_270] : memref<16x3072xf32, #tpu.memory_space<vmem>> -> memref<1x3072xf32, #tpu.memory_space<vmem>>
        %dma_start3A_272 = tpu.memref_squeeze %dma_start3A_271 : memref<1x3072xf32, #tpu.memory_space<vmem>> -> memref<3072xf32, #tpu.memory_space<vmem>>
        %dma_start3A_273 = arith.constant 0 : i32
        %dma_start3A_274 = tpu.memref_slice %arg3[%squeeze3A_21, %dma_start3A_273] : memref<4096x3072xf32, #tpu.memory_space<hbm>> -> memref<1x3072xf32, #tpu.memory_space<hbm>>
        %dma_start3A_275 = tpu.memref_squeeze %dma_start3A_274 : memref<1x3072xf32, #tpu.memory_space<hbm>> -> memref<3072xf32, #tpu.memory_space<hbm>>
        tpu.enqueue_dma source(%dma_start3A_275 : memref<3072xf32, #tpu.memory_space<hbm>>) target(%dma_start3A_272 : memref<3072xf32, #tpu.memory_space<vmem>>) target_semaphore(%run_scoped3A_263 : memref<!tpu.dma_semaphore, #tpu.memory_space<semaphore_mem>>)
        %dma_wait3A_276 = arith.constant 0 : i32
        %dma_wait3A_277 = tpu.memref_slice %arg9[%run_scoped3A, %dma_wait3A_276] : memref<16x3072xf32, #tpu.memory_space<vmem>> -> memref<1x3072xf32, #tpu.memory_space<vmem>>
        %dma_wait3A_278 = tpu.memref_squeeze %dma_wait3A_277 : memref<1x3072xf32, #tpu.memory_space<vmem>> -> memref<3072xf32, #tpu.memory_space<vmem>>
        %dma_wait3A_279 = arith.constant 0 : i32
        %dma_wait3A_280 = tpu.memref_slice %arg3[%squeeze3A_21, %dma_wait3A_279] : memref<4096x3072xf32, #tpu.memory_space<hbm>> -> memref<1x3072xf32, #tpu.memory_space<hbm>>
        %dma_wait3A_281 = tpu.memref_squeeze %dma_wait3A_280 : memref<1x3072xf32, #tpu.memory_space<hbm>> -> memref<3072xf32, #tpu.memory_space<hbm>>
        %dma_wait3A_282 = arith.constant 0 : i32
        %dma_wait3A_283 = tpu.memref_slice %arg9[%run_scoped3A, %dma_wait3A_282] : memref<16x3072xf32, #tpu.memory_space<vmem>> -> memref<1x3072xf32, #tpu.memory_space<vmem>>
        %dma_wait3A_284 = tpu.memref_squeeze %dma_wait3A_283 : memref<1x3072xf32, #tpu.memory_space<vmem>> -> memref<3072xf32, #tpu.memory_space<vmem>>
        %dma_wait3A_285 = arith.constant 0 : i32
        %dma_wait3A_286 = tpu.memref_slice %arg3[%squeeze3A_21, %dma_wait3A_285] : memref<4096x3072xf32, #tpu.memory_space<hbm>> -> memref<1x3072xf32, #tpu.memory_space<hbm>>
        %dma_wait3A_287 = tpu.memref_squeeze %dma_wait3A_286 : memref<1x3072xf32, #tpu.memory_space<hbm>> -> memref<3072xf32, #tpu.memory_space<hbm>>
        tpu.wait_dma2 semaphore(%run_scoped3A_263 : memref<!tpu.dma_semaphore, #tpu.memory_space<semaphore_mem>>) src(%dma_wait3A_287 : memref<3072xf32, #tpu.memory_space<hbm>>) dst(%dma_wait3A_284 : memref<3072xf32, #tpu.memory_space<vmem>>)
        tpu.yield
      }) : () -> ()
    } else {
    }
    %slice3A_27 = vector.extract_strided_slice %get3A_17 {offsets = [2], sizes = [1], strides = [1]} : vector<16xi32> to vector<1xi32>
    %squeeze3A_28 = vector.extract %slice3A_27[0] : i32 from vector<1xi32>
    %ge3A_29 = arith.constant 0 : i32
    %ge3A_30 = arith.cmpi sge, %squeeze3A_28, %ge3A_29 : i32
    %convert_element_type3A_31 = arith.extui %ge3A_30 : i1 to i32
    %cond3A_32 = arith.constant 0 : i32
    %cond3A_33 = arith.cmpi ne, %convert_element_type3A_31, %cond3A_32 : i32
    scf.if %cond3A_33 {
      %run_scoped3A = arith.constant 2 : i32
      "tpu.region"() ({
        %run_scoped3A_263 = tpu.sem_alloc : memref<!tpu.dma_semaphore, #tpu.memory_space<semaphore_mem>>
        %dma_start3A_264 = arith.constant 0 : i32
        %dma_start3A_265 = tpu.memref_slice %arg9[%run_scoped3A, %dma_start3A_264] : memref<16x3072xf32, #tpu.memory_space<vmem>> -> memref<1x3072xf32, #tpu.memory_space<vmem>>
        %dma_start3A_266 = tpu.memref_squeeze %dma_start3A_265 : memref<1x3072xf32, #tpu.memory_space<vmem>> -> memref<3072xf32, #tpu.memory_space<vmem>>
        %dma_start3A_267 = arith.constant 0 : i32
        %dma_start3A_268 = tpu.memref_slice %arg3[%squeeze3A_28, %dma_start3A_267] : memref<4096x3072xf32, #tpu.memory_space<hbm>> -> memref<1x3072xf32, #tpu.memory_space<hbm>>
        %dma_start3A_269 = tpu.memref_squeeze %dma_start3A_268 : memref<1x3072xf32, #tpu.memory_space<hbm>> -> memref<3072xf32, #tpu.memory_space<hbm>>
        %dma_start3A_270 = arith.constant 0 : i32
        %dma_start3A_271 = tpu.memref_slice %arg9[%run_scoped3A, %dma_start3A_270] : memref<16x3072xf32, #tpu.memory_space<vmem>> -> memref<1x3072xf32, #tpu.memory_space<vmem>>
        %dma_start3A_272 = tpu.memref_squeeze %dma_start3A_271 : memref<1x3072xf32, #tpu.memory_space<vmem>> -> memref<3072xf32, #tpu.memory_space<vmem>>
        %dma_start3A_273 = arith.constant 0 : i32
        %dma_start3A_274 = tpu.memref_slice %arg3[%squeeze3A_28, %dma_start3A_273] : memref<4096x3072xf32, #tpu.memory_space<hbm>> -> memref<1x3072xf32, #tpu.memory_space<hbm>>
        %dma_start3A_275 = tpu.memref_squeeze %dma_start3A_274 : memref<1x3072xf32, #tpu.memory_space<hbm>> -> memref<3072xf32, #tpu.memory_space<hbm>>
        tpu.enqueue_dma source(%dma_start3A_275 : memref<3072xf32, #tpu.memory_space<hbm>>) target(%dma_start3A_272 : memref<3072xf32, #tpu.memory_space<vmem>>) target_semaphore(%run_scoped3A_263 : memref<!tpu.dma_semaphore, #tpu.memory_space<semaphore_mem>>)
        %dma_wait3A_276 = arith.constant 0 : i32
        %dma_wait3A_277 = tpu.memref_slice %arg9[%run_scoped3A, %dma_wait3A_276] : memref<16x3072xf32, #tpu.memory_space<vmem>> -> memref<1x3072xf32, #tpu.memory_space<vmem>>
        %dma_wait3A_278 = tpu.memref_squeeze %dma_wait3A_277 : memref<1x3072xf32, #tpu.memory_space<vmem>> -> memref<3072xf32, #tpu.memory_space<vmem>>
        %dma_wait3A_279 = arith.constant 0 : i32
        %dma_wait3A_280 = tpu.memref_slice %arg3[%squeeze3A_28, %dma_wait3A_279] : memref<4096x3072xf32, #tpu.memory_space<hbm>> -> memref<1x3072xf32, #tpu.memory_space<hbm>>
        %dma_wait3A_281 = tpu.memref_squeeze %dma_wait3A_280 : memref<1x3072xf32, #tpu.memory_space<hbm>> -> memref<3072xf32, #tpu.memory_space<hbm>>
        %dma_wait3A_282 = arith.constant 0 : i32
        %dma_wait3A_283 = tpu.memref_slice %arg9[%run_scoped3A, %dma_wait3A_282] : memref<16x3072xf32, #tpu.memory_space<vmem>> -> memref<1x3072xf32, #tpu.memory_space<vmem>>
        %dma_wait3A_284 = tpu.memref_squeeze %dma_wait3A_283 : memref<1x3072xf32, #tpu.memory_space<vmem>> -> memref<3072xf32, #tpu.memory_space<vmem>>
        %dma_wait3A_285 = arith.constant 0 : i32
        %dma_wait3A_286 = tpu.memref_slice %arg3[%squeeze3A_28, %dma_wait3A_285] : memref<4096x3072xf32, #tpu.memory_space<hbm>> -> memref<1x3072xf32, #tpu.memory_space<hbm>>
        %dma_wait3A_287 = tpu.memref_squeeze %dma_wait3A_286 : memref<1x3072xf32, #tpu.memory_space<hbm>> -> memref<3072xf32, #tpu.memory_space<hbm>>
        tpu.wait_dma2 semaphore(%run_scoped3A_263 : memref<!tpu.dma_semaphore, #tpu.memory_space<semaphore_mem>>) src(%dma_wait3A_287 : memref<3072xf32, #tpu.memory_space<hbm>>) dst(%dma_wait3A_284 : memref<3072xf32, #tpu.memory_space<vmem>>)
        tpu.yield
      }) : () -> ()
    } else {
    }
    %slice3A_34 = vector.extract_strided_slice %get3A_17 {offsets = [3], sizes = [1], strides = [1]} : vector<16xi32> to vector<1xi32>
    %squeeze3A_35 = vector.extract %slice3A_34[0] : i32 from vector<1xi32>
    %ge3A_36 = arith.constant 0 : i32
    %ge3A_37 = arith.cmpi sge, %squeeze3A_35, %ge3A_36 : i32
    %convert_element_type3A_38 = arith.extui %ge3A_37 : i1 to i32
    %cond3A_39 = arith.constant 0 : i32
    %cond3A_40 = arith.cmpi ne, %convert_element_type3A_38, %cond3A_39 : i32
    scf.if %cond3A_40 {
      %run_scoped3A = arith.constant 3 : i32
      "tpu.region"() ({
        %run_scoped3A_263 = tpu.sem_alloc : memref<!tpu.dma_semaphore, #tpu.memory_space<semaphore_mem>>
        %dma_start3A_264 = arith.constant 0 : i32
        %dma_start3A_265 = tpu.memref_slice %arg9[%run_scoped3A, %dma_start3A_264] : memref<16x3072xf32, #tpu.memory_space<vmem>> -> memref<1x3072xf32, #tpu.memory_space<vmem>>
        %dma_start3A_266 = tpu.memref_squeeze %dma_start3A_265 : memref<1x3072xf32, #tpu.memory_space<vmem>> -> memref<3072xf32, #tpu.memory_space<vmem>>
        %dma_start3A_267 = arith.constant 0 : i32
        %dma_start3A_268 = tpu.memref_slice %arg3[%squeeze3A_35, %dma_start3A_267] : memref<4096x3072xf32, #tpu.memory_space<hbm>> -> memref<1x3072xf32, #tpu.memory_space<hbm>>
        %dma_start3A_269 = tpu.memref_squeeze %dma_start3A_268 : memref<1x3072xf32, #tpu.memory_space<hbm>> -> memref<3072xf32, #tpu.memory_space<hbm>>
        %dma_start3A_270 = arith.constant 0 : i32
        %dma_start3A_271 = tpu.memref_slice %arg9[%run_scoped3A, %dma_start3A_270] : memref<16x3072xf32, #tpu.memory_space<vmem>> -> memref<1x3072xf32, #tpu.memory_space<vmem>>
        %dma_start3A_272 = tpu.memref_squeeze %dma_start3A_271 : memref<1x3072xf32, #tpu.memory_space<vmem>> -> memref<3072xf32, #tpu.memory_space<vmem>>
        %dma_start3A_273 = arith.constant 0 : i32
        %dma_start3A_274 = tpu.memref_slice %arg3[%squeeze3A_35, %dma_start3A_273] : memref<4096x3072xf32, #tpu.memory_space<hbm>> -> memref<1x3072xf32, #tpu.memory_space<hbm>>
        %dma_start3A_275 = tpu.memref_squeeze %dma_start3A_274 : memref<1x3072xf32, #tpu.memory_space<hbm>> -> memref<3072xf32, #tpu.memory_space<hbm>>
        tpu.enqueue_dma source(%dma_start3A_275 : memref<3072xf32, #tpu.memory_space<hbm>>) target(%dma_start3A_272 : memref<3072xf32, #tpu.memory_space<vmem>>) target_semaphore(%run_scoped3A_263 : memref<!tpu.dma_semaphore, #tpu.memory_space<semaphore_mem>>)
        %dma_wait3A_276 = arith.constant 0 : i32
        %dma_wait3A_277 = tpu.memref_slice %arg9[%run_scoped3A, %dma_wait3A_276] : memref<16x3072xf32, #tpu.memory_space<vmem>> -> memref<1x3072xf32, #tpu.memory_space<vmem>>
        %dma_wait3A_278 = tpu.memref_squeeze %dma_wait3A_277 : memref<1x3072xf32, #tpu.memory_space<vmem>> -> memref<3072xf32, #tpu.memory_space<vmem>>
        %dma_wait3A_279 = arith.constant 0 : i32
        %dma_wait3A_280 = tpu.memref_slice %arg3[%squeeze3A_35, %dma_wait3A_279] : memref<4096x3072xf32, #tpu.memory_space<hbm>> -> memref<1x3072xf32, #tpu.memory_space<hbm>>
        %dma_wait3A_281 = tpu.memref_squeeze %dma_wait3A_280 : memref<1x3072xf32, #tpu.memory_space<hbm>> -> memref<3072xf32, #tpu.memory_space<hbm>>
        %dma_wait3A_282 = arith.constant 0 : i32
        %dma_wait3A_283 = tpu.memref_slice %arg9[%run_scoped3A, %dma_wait3A_282] : memref<16x3072xf32, #tpu.memory_space<vmem>> -> memref<1x3072xf32, #tpu.memory_space<vmem>>
        %dma_wait3A_284 = tpu.memref_squeeze %dma_wait3A_283 : memref<1x3072xf32, #tpu.memory_space<vmem>> -> memref<3072xf32, #tpu.memory_space<vmem>>
        %dma_wait3A_285 = arith.constant 0 : i32
        %dma_wait3A_286 = tpu.memref_slice %arg3[%squeeze3A_35, %dma_wait3A_285] : memref<4096x3072xf32, #tpu.memory_space<hbm>> -> memref<1x3072xf32, #tpu.memory_space<hbm>>
        %dma_wait3A_287 = tpu.memref_squeeze %dma_wait3A_286 : memref<1x3072xf32, #tpu.memory_space<hbm>> -> memref<3072xf32, #tpu.memory_space<hbm>>
        tpu.wait_dma2 semaphore(%run_scoped3A_263 : memref<!tpu.dma_semaphore, #tpu.memory_space<semaphore_mem>>) src(%dma_wait3A_287 : memref<3072xf32, #tpu.memory_space<hbm>>) dst(%dma_wait3A_284 : memref<3072xf32, #tpu.memory_space<vmem>>)
        tpu.yield
      }) : () -> ()
    } else {
    }
    %slice3A_41 = vector.extract_strided_slice %get3A_17 {offsets = [4], sizes = [1], strides = [1]} : vector<16xi32> to vector<1xi32>
    %squeeze3A_42 = vector.extract %slice3A_41[0] : i32 from vector<1xi32>
    %ge3A_43 = arith.constant 0 : i32
    %ge3A_44 = arith.cmpi sge, %squeeze3A_42, %ge3A_43 : i32
    %convert_element_type3A_45 = arith.extui %ge3A_44 : i1 to i32
    %cond3A_46 = arith.constant 0 : i32
    %cond3A_47 = arith.cmpi ne, %convert_element_type3A_45, %cond3A_46 : i32
    scf.if %cond3A_47 {
      %run_scoped3A = arith.constant 4 : i32
      "tpu.region"() ({
        %run_scoped3A_263 = tpu.sem_alloc : memref<!tpu.dma_semaphore, #tpu.memory_space<semaphore_mem>>
        %dma_start3A_264 = arith.constant 0 : i32
        %dma_start3A_265 = tpu.memref_slice %arg9[%run_scoped3A, %dma_start3A_264] : memref<16x3072xf32, #tpu.memory_space<vmem>> -> memref<1x3072xf32, #tpu.memory_space<vmem>>
        %dma_start3A_266 = tpu.memref_squeeze %dma_start3A_265 : memref<1x3072xf32, #tpu.memory_space<vmem>> -> memref<3072xf32, #tpu.memory_space<vmem>>
        %dma_start3A_267 = arith.constant 0 : i32
        %dma_start3A_268 = tpu.memref_slice %arg3[%squeeze3A_42, %dma_start3A_267] : memref<4096x3072xf32, #tpu.memory_space<hbm>> -> memref<1x3072xf32, #tpu.memory_space<hbm>>
        %dma_start3A_269 = tpu.memref_squeeze %dma_start3A_268 : memref<1x3072xf32, #tpu.memory_space<hbm>> -> memref<3072xf32, #tpu.memory_space<hbm>>
        %dma_start3A_270 = arith.constant 0 : i32
        %dma_start3A_271 = tpu.memref_slice %arg9[%run_scoped3A, %dma_start3A_270] : memref<16x3072xf32, #tpu.memory_space<vmem>> -> memref<1x3072xf32, #tpu.memory_space<vmem>>
        %dma_start3A_272 = tpu.memref_squeeze %dma_start3A_271 : memref<1x3072xf32, #tpu.memory_space<vmem>> -> memref<3072xf32, #tpu.memory_space<vmem>>
        %dma_start3A_273 = arith.constant 0 : i32
        %dma_start3A_274 = tpu.memref_slice %arg3[%squeeze3A_42, %dma_start3A_273] : memref<4096x3072xf32, #tpu.memory_space<hbm>> -> memref<1x3072xf32, #tpu.memory_space<hbm>>
        %dma_start3A_275 = tpu.memref_squeeze %dma_start3A_274 : memref<1x3072xf32, #tpu.memory_space<hbm>> -> memref<3072xf32, #tpu.memory_space<hbm>>
        tpu.enqueue_dma source(%dma_start3A_275 : memref<3072xf32, #tpu.memory_space<hbm>>) target(%dma_start3A_272 : memref<3072xf32, #tpu.memory_space<vmem>>) target_semaphore(%run_scoped3A_263 : memref<!tpu.dma_semaphore, #tpu.memory_space<semaphore_mem>>)
        %dma_wait3A_276 = arith.constant 0 : i32
        %dma_wait3A_277 = tpu.memref_slice %arg9[%run_scoped3A, %dma_wait3A_276] : memref<16x3072xf32, #tpu.memory_space<vmem>> -> memref<1x3072xf32, #tpu.memory_space<vmem>>
        %dma_wait3A_278 = tpu.memref_squeeze %dma_wait3A_277 : memref<1x3072xf32, #tpu.memory_space<vmem>> -> memref<3072xf32, #tpu.memory_space<vmem>>
        %dma_wait3A_279 = arith.constant 0 : i32
        %dma_wait3A_280 = tpu.memref_slice %arg3[%squeeze3A_42, %dma_wait3A_279] : memref<4096x3072xf32, #tpu.memory_space<hbm>> -> memref<1x3072xf32, #tpu.memory_space<hbm>>
        %dma_wait3A_281 = tpu.memref_squeeze %dma_wait3A_280 : memref<1x3072xf32, #tpu.memory_space<hbm>> -> memref<3072xf32, #tpu.memory_space<hbm>>
        %dma_wait3A_282 = arith.constant 0 : i32
        %dma_wait3A_283 = tpu.memref_slice %arg9[%run_scoped3A, %dma_wait3A_282] : memref<16x3072xf32, #tpu.memory_space<vmem>> -> memref<1x3072xf32, #tpu.memory_space<vmem>>
        %dma_wait3A_284 = tpu.memref_squeeze %dma_wait3A_283 : memref<1x3072xf32, #tpu.memory_space<vmem>> -> memref<3072xf32, #tpu.memory_space<vmem>>
        %dma_wait3A_285 = arith.constant 0 : i32
        %dma_wait3A_286 = tpu.memref_slice %arg3[%squeeze3A_42, %dma_wait3A_285] : memref<4096x3072xf32, #tpu.memory_space<hbm>> -> memref<1x3072xf32, #tpu.memory_space<hbm>>
        %dma_wait3A_287 = tpu.memref_squeeze %dma_wait3A_286 : memref<1x3072xf32, #tpu.memory_space<hbm>> -> memref<3072xf32, #tpu.memory_space<hbm>>
        tpu.wait_dma2 semaphore(%run_scoped3A_263 : memref<!tpu.dma_semaphore, #tpu.memory_space<semaphore_mem>>) src(%dma_wait3A_287 : memref<3072xf32, #tpu.memory_space<hbm>>) dst(%dma_wait3A_284 : memref<3072xf32, #tpu.memory_space<vmem>>)
        tpu.yield
      }) : () -> ()
    } else {
    }
    %slice3A_48 = vector.extract_strided_slice %get3A_17 {offsets = [5], sizes = [1], strides = [1]} : vector<16xi32> to vector<1xi32>
    %squeeze3A_49 = vector.extract %slice3A_48[0] : i32 from vector<1xi32>
    %ge3A_50 = arith.constant 0 : i32
    %ge3A_51 = arith.cmpi sge, %squeeze3A_49, %ge3A_50 : i32
    %convert_element_type3A_52 = arith.extui %ge3A_51 : i1 to i32
    %cond3A_53 = arith.constant 0 : i32
    %cond3A_54 = arith.cmpi ne, %convert_element_type3A_52, %cond3A_53 : i32
    scf.if %cond3A_54 {
      %run_scoped3A = arith.constant 5 : i32
      "tpu.region"() ({
        %run_scoped3A_263 = tpu.sem_alloc : memref<!tpu.dma_semaphore, #tpu.memory_space<semaphore_mem>>
        %dma_start3A_264 = arith.constant 0 : i32
        %dma_start3A_265 = tpu.memref_slice %arg9[%run_scoped3A, %dma_start3A_264] : memref<16x3072xf32, #tpu.memory_space<vmem>> -> memref<1x3072xf32, #tpu.memory_space<vmem>>
        %dma_start3A_266 = tpu.memref_squeeze %dma_start3A_265 : memref<1x3072xf32, #tpu.memory_space<vmem>> -> memref<3072xf32, #tpu.memory_space<vmem>>
        %dma_start3A_267 = arith.constant 0 : i32
        %dma_start3A_268 = tpu.memref_slice %arg3[%squeeze3A_49, %dma_start3A_267] : memref<4096x3072xf32, #tpu.memory_space<hbm>> -> memref<1x3072xf32, #tpu.memory_space<hbm>>
        %dma_start3A_269 = tpu.memref_squeeze %dma_start3A_268 : memref<1x3072xf32, #tpu.memory_space<hbm>> -> memref<3072xf32, #tpu.memory_space<hbm>>
        %dma_start3A_270 = arith.constant 0 : i32
        %dma_start3A_271 = tpu.memref_slice %arg9[%run_scoped3A, %dma_start3A_270] : memref<16x3072xf32, #tpu.memory_space<vmem>> -> memref<1x3072xf32, #tpu.memory_space<vmem>>
        %dma_start3A_272 = tpu.memref_squeeze %dma_start3A_271 : memref<1x3072xf32, #tpu.memory_space<vmem>> -> memref<3072xf32, #tpu.memory_space<vmem>>
        %dma_start3A_273 = arith.constant 0 : i32
        %dma_start3A_274 = tpu.memref_slice %arg3[%squeeze3A_49, %dma_start3A_273] : memref<4096x3072xf32, #tpu.memory_space<hbm>> -> memref<1x3072xf32, #tpu.memory_space<hbm>>
        %dma_start3A_275 = tpu.memref_squeeze %dma_start3A_274 : memref<1x3072xf32, #tpu.memory_space<hbm>> -> memref<3072xf32, #tpu.memory_space<hbm>>
        tpu.enqueue_dma source(%dma_start3A_275 : memref<3072xf32, #tpu.memory_space<hbm>>) target(%dma_start3A_272 : memref<3072xf32, #tpu.memory_space<vmem>>) target_semaphore(%run_scoped3A_263 : memref<!tpu.dma_semaphore, #tpu.memory_space<semaphore_mem>>)
        %dma_wait3A_276 = arith.constant 0 : i32
        %dma_wait3A_277 = tpu.memref_slice %arg9[%run_scoped3A, %dma_wait3A_276] : memref<16x3072xf32, #tpu.memory_space<vmem>> -> memref<1x3072xf32, #tpu.memory_space<vmem>>
        %dma_wait3A_278 = tpu.memref_squeeze %dma_wait3A_277 : memref<1x3072xf32, #tpu.memory_space<vmem>> -> memref<3072xf32, #tpu.memory_space<vmem>>
        %dma_wait3A_279 = arith.constant 0 : i32
        %dma_wait3A_280 = tpu.memref_slice %arg3[%squeeze3A_49, %dma_wait3A_279] : memref<4096x3072xf32, #tpu.memory_space<hbm>> -> memref<1x3072xf32, #tpu.memory_space<hbm>>
        %dma_wait3A_281 = tpu.memref_squeeze %dma_wait3A_280 : memref<1x3072xf32, #tpu.memory_space<hbm>> -> memref<3072xf32, #tpu.memory_space<hbm>>
        %dma_wait3A_282 = arith.constant 0 : i32
        %dma_wait3A_283 = tpu.memref_slice %arg9[%run_scoped3A, %dma_wait3A_282] : memref<16x3072xf32, #tpu.memory_space<vmem>> -> memref<1x3072xf32, #tpu.memory_space<vmem>>
        %dma_wait3A_284 = tpu.memref_squeeze %dma_wait3A_283 : memref<1x3072xf32, #tpu.memory_space<vmem>> -> memref<3072xf32, #tpu.memory_space<vmem>>
        %dma_wait3A_285 = arith.constant 0 : i32
        %dma_wait3A_286 = tpu.memref_slice %arg3[%squeeze3A_49, %dma_wait3A_285] : memref<4096x3072xf32, #tpu.memory_space<hbm>> -> memref<1x3072xf32, #tpu.memory_space<hbm>>
        %dma_wait3A_287 = tpu.memref_squeeze %dma_wait3A_286 : memref<1x3072xf32, #tpu.memory_space<hbm>> -> memref<3072xf32, #tpu.memory_space<hbm>>
        tpu.wait_dma2 semaphore(%run_scoped3A_263 : memref<!tpu.dma_semaphore, #tpu.memory_space<semaphore_mem>>) src(%dma_wait3A_287 : memref<3072xf32, #tpu.memory_space<hbm>>) dst(%dma_wait3A_284 : memref<3072xf32, #tpu.memory_space<vmem>>)
        tpu.yield
      }) : () -> ()
    } else {
    }
    %slice3A_55 = vector.extract_strided_slice %get3A_17 {offsets = [6], sizes = [1], strides = [1]} : vector<16xi32> to vector<1xi32>
    %squeeze3A_56 = vector.extract %slice3A_55[0] : i32 from vector<1xi32>
    %ge3A_57 = arith.constant 0 : i32
    %ge3A_58 = arith.cmpi sge, %squeeze3A_56, %ge3A_57 : i32
    %convert_element_type3A_59 = arith.extui %ge3A_58 : i1 to i32
    %cond3A_60 = arith.constant 0 : i32
    %cond3A_61 = arith.cmpi ne, %convert_element_type3A_59, %cond3A_60 : i32
    scf.if %cond3A_61 {
      %run_scoped3A = arith.constant 6 : i32
      "tpu.region"() ({
        %run_scoped3A_263 = tpu.sem_alloc : memref<!tpu.dma_semaphore, #tpu.memory_space<semaphore_mem>>
        %dma_start3A_264 = arith.constant 0 : i32
        %dma_start3A_265 = tpu.memref_slice %arg9[%run_scoped3A, %dma_start3A_264] : memref<16x3072xf32, #tpu.memory_space<vmem>> -> memref<1x3072xf32, #tpu.memory_space<vmem>>
        %dma_start3A_266 = tpu.memref_squeeze %dma_start3A_265 : memref<1x3072xf32, #tpu.memory_space<vmem>> -> memref<3072xf32, #tpu.memory_space<vmem>>
        %dma_start3A_267 = arith.constant 0 : i32
        %dma_start3A_268 = tpu.memref_slice %arg3[%squeeze3A_56, %dma_start3A_267] : memref<4096x3072xf32, #tpu.memory_space<hbm>> -> memref<1x3072xf32, #tpu.memory_space<hbm>>
        %dma_start3A_269 = tpu.memref_squeeze %dma_start3A_268 : memref<1x3072xf32, #tpu.memory_space<hbm>> -> memref<3072xf32, #tpu.memory_space<hbm>>
        %dma_start3A_270 = arith.constant 0 : i32
        %dma_start3A_271 = tpu.memref_slice %arg9[%run_scoped3A, %dma_start3A_270] : memref<16x3072xf32, #tpu.memory_space<vmem>> -> memref<1x3072xf32, #tpu.memory_space<vmem>>
        %dma_start3A_272 = tpu.memref_squeeze %dma_start3A_271 : memref<1x3072xf32, #tpu.memory_space<vmem>> -> memref<3072xf32, #tpu.memory_space<vmem>>
        %dma_start3A_273 = arith.constant 0 : i32
        %dma_start3A_274 = tpu.memref_slice %arg3[%squeeze3A_56, %dma_start3A_273] : memref<4096x3072xf32, #tpu.memory_space<hbm>> -> memref<1x3072xf32, #tpu.memory_space<hbm>>
        %dma_start3A_275 = tpu.memref_squeeze %dma_start3A_274 : memref<1x3072xf32, #tpu.memory_space<hbm>> -> memref<3072xf32, #tpu.memory_space<hbm>>
        tpu.enqueue_dma source(%dma_start3A_275 : memref<3072xf32, #tpu.memory_space<hbm>>) target(%dma_start3A_272 : memref<3072xf32, #tpu.memory_space<vmem>>) target_semaphore(%run_scoped3A_263 : memref<!tpu.dma_semaphore, #tpu.memory_space<semaphore_mem>>)
        %dma_wait3A_276 = arith.constant 0 : i32
        %dma_wait3A_277 = tpu.memref_slice %arg9[%run_scoped3A, %dma_wait3A_276] : memref<16x3072xf32, #tpu.memory_space<vmem>> -> memref<1x3072xf32, #tpu.memory_space<vmem>>
        %dma_wait3A_278 = tpu.memref_squeeze %dma_wait3A_277 : memref<1x3072xf32, #tpu.memory_space<vmem>> -> memref<3072xf32, #tpu.memory_space<vmem>>
        %dma_wait3A_279 = arith.constant 0 : i32
        %dma_wait3A_280 = tpu.memref_slice %arg3[%squeeze3A_56, %dma_wait3A_279] : memref<4096x3072xf32, #tpu.memory_space<hbm>> -> memref<1x3072xf32, #tpu.memory_space<hbm>>
        %dma_wait3A_281 = tpu.memref_squeeze %dma_wait3A_280 : memref<1x3072xf32, #tpu.memory_space<hbm>> -> memref<3072xf32, #tpu.memory_space<hbm>>
        %dma_wait3A_282 = arith.constant 0 : i32
        %dma_wait3A_283 = tpu.memref_slice %arg9[%run_scoped3A, %dma_wait3A_282] : memref<16x3072xf32, #tpu.memory_space<vmem>> -> memref<1x3072xf32, #tpu.memory_space<vmem>>
        %dma_wait3A_284 = tpu.memref_squeeze %dma_wait3A_283 : memref<1x3072xf32, #tpu.memory_space<vmem>> -> memref<3072xf32, #tpu.memory_space<vmem>>
        %dma_wait3A_285 = arith.constant 0 : i32
        %dma_wait3A_286 = tpu.memref_slice %arg3[%squeeze3A_56, %dma_wait3A_285] : memref<4096x3072xf32, #tpu.memory_space<hbm>> -> memref<1x3072xf32, #tpu.memory_space<hbm>>
        %dma_wait3A_287 = tpu.memref_squeeze %dma_wait3A_286 : memref<1x3072xf32, #tpu.memory_space<hbm>> -> memref<3072xf32, #tpu.memory_space<hbm>>
        tpu.wait_dma2 semaphore(%run_scoped3A_263 : memref<!tpu.dma_semaphore, #tpu.memory_space<semaphore_mem>>) src(%dma_wait3A_287 : memref<3072xf32, #tpu.memory_space<hbm>>) dst(%dma_wait3A_284 : memref<3072xf32, #tpu.memory_space<vmem>>)
        tpu.yield
      }) : () -> ()
    } else {
    }
    %slice3A_62 = vector.extract_strided_slice %get3A_17 {offsets = [7], sizes = [1], strides = [1]} : vector<16xi32> to vector<1xi32>
    %squeeze3A_63 = vector.extract %slice3A_62[0] : i32 from vector<1xi32>
    %ge3A_64 = arith.constant 0 : i32
    %ge3A_65 = arith.cmpi sge, %squeeze3A_63, %ge3A_64 : i32
    %convert_element_type3A_66 = arith.extui %ge3A_65 : i1 to i32
    %cond3A_67 = arith.constant 0 : i32
    %cond3A_68 = arith.cmpi ne, %convert_element_type3A_66, %cond3A_67 : i32
    scf.if %cond3A_68 {
      %run_scoped3A = arith.constant 7 : i32
      "tpu.region"() ({
        %run_scoped3A_263 = tpu.sem_alloc : memref<!tpu.dma_semaphore, #tpu.memory_space<semaphore_mem>>
        %dma_start3A_264 = arith.constant 0 : i32
        %dma_start3A_265 = tpu.memref_slice %arg9[%run_scoped3A, %dma_start3A_264] : memref<16x3072xf32, #tpu.memory_space<vmem>> -> memref<1x3072xf32, #tpu.memory_space<vmem>>
        %dma_start3A_266 = tpu.memref_squeeze %dma_start3A_265 : memref<1x3072xf32, #tpu.memory_space<vmem>> -> memref<3072xf32, #tpu.memory_space<vmem>>
        %dma_start3A_267 = arith.constant 0 : i32
        %dma_start3A_268 = tpu.memref_slice %arg3[%squeeze3A_63, %dma_start3A_267] : memref<4096x3072xf32, #tpu.memory_space<hbm>> -> memref<1x3072xf32, #tpu.memory_space<hbm>>
        %dma_start3A_269 = tpu.memref_squeeze %dma_start3A_268 : memref<1x3072xf32, #tpu.memory_space<hbm>> -> memref<3072xf32, #tpu.memory_space<hbm>>
        %dma_start3A_270 = arith.constant 0 : i32
        %dma_start3A_271 = tpu.memref_slice %arg9[%run_scoped3A, %dma_start3A_270] : memref<16x3072xf32, #tpu.memory_space<vmem>> -> memref<1x3072xf32, #tpu.memory_space<vmem>>
        %dma_start3A_272 = tpu.memref_squeeze %dma_start3A_271 : memref<1x3072xf32, #tpu.memory_space<vmem>> -> memref<3072xf32, #tpu.memory_space<vmem>>
        %dma_start3A_273 = arith.constant 0 : i32
        %dma_start3A_274 = tpu.memref_slice %arg3[%squeeze3A_63, %dma_start3A_273] : memref<4096x3072xf32, #tpu.memory_space<hbm>> -> memref<1x3072xf32, #tpu.memory_space<hbm>>
        %dma_start3A_275 = tpu.memref_squeeze %dma_start3A_274 : memref<1x3072xf32, #tpu.memory_space<hbm>> -> memref<3072xf32, #tpu.memory_space<hbm>>
        tpu.enqueue_dma source(%dma_start3A_275 : memref<3072xf32, #tpu.memory_space<hbm>>) target(%dma_start3A_272 : memref<3072xf32, #tpu.memory_space<vmem>>) target_semaphore(%run_scoped3A_263 : memref<!tpu.dma_semaphore, #tpu.memory_space<semaphore_mem>>)
        %dma_wait3A_276 = arith.constant 0 : i32
        %dma_wait3A_277 = tpu.memref_slice %arg9[%run_scoped3A, %dma_wait3A_276] : memref<16x3072xf32, #tpu.memory_space<vmem>> -> memref<1x3072xf32, #tpu.memory_space<vmem>>
        %dma_wait3A_278 = tpu.memref_squeeze %dma_wait3A_277 : memref<1x3072xf32, #tpu.memory_space<vmem>> -> memref<3072xf32, #tpu.memory_space<vmem>>
        %dma_wait3A_279 = arith.constant 0 : i32
        %dma_wait3A_280 = tpu.memref_slice %arg3[%squeeze3A_63, %dma_wait3A_279] : memref<4096x3072xf32, #tpu.memory_space<hbm>> -> memref<1x3072xf32, #tpu.memory_space<hbm>>
        %dma_wait3A_281 = tpu.memref_squeeze %dma_wait3A_280 : memref<1x3072xf32, #tpu.memory_space<hbm>> -> memref<3072xf32, #tpu.memory_space<hbm>>
        %dma_wait3A_282 = arith.constant 0 : i32
        %dma_wait3A_283 = tpu.memref_slice %arg9[%run_scoped3A, %dma_wait3A_282] : memref<16x3072xf32, #tpu.memory_space<vmem>> -> memref<1x3072xf32, #tpu.memory_space<vmem>>
        %dma_wait3A_284 = tpu.memref_squeeze %dma_wait3A_283 : memref<1x3072xf32, #tpu.memory_space<vmem>> -> memref<3072xf32, #tpu.memory_space<vmem>>
        %dma_wait3A_285 = arith.constant 0 : i32
        %dma_wait3A_286 = tpu.memref_slice %arg3[%squeeze3A_63, %dma_wait3A_285] : memref<4096x3072xf32, #tpu.memory_space<hbm>> -> memref<1x3072xf32, #tpu.memory_space<hbm>>
        %dma_wait3A_287 = tpu.memref_squeeze %dma_wait3A_286 : memref<1x3072xf32, #tpu.memory_space<hbm>> -> memref<3072xf32, #tpu.memory_space<hbm>>
        tpu.wait_dma2 semaphore(%run_scoped3A_263 : memref<!tpu.dma_semaphore, #tpu.memory_space<semaphore_mem>>) src(%dma_wait3A_287 : memref<3072xf32, #tpu.memory_space<hbm>>) dst(%dma_wait3A_284 : memref<3072xf32, #tpu.memory_space<vmem>>)
        tpu.yield
      }) : () -> ()
    } else {
    }
    %slice3A_69 = vector.extract_strided_slice %get3A_17 {offsets = [8], sizes = [1], strides = [1]} : vector<16xi32> to vector<1xi32>
    %squeeze3A_70 = vector.extract %slice3A_69[0] : i32 from vector<1xi32>
    %ge3A_71 = arith.constant 0 : i32
    %ge3A_72 = arith.cmpi sge, %squeeze3A_70, %ge3A_71 : i32
    %convert_element_type3A_73 = arith.extui %ge3A_72 : i1 to i32
    %cond3A_74 = arith.constant 0 : i32
    %cond3A_75 = arith.cmpi ne, %convert_element_type3A_73, %cond3A_74 : i32
    scf.if %cond3A_75 {
      %run_scoped3A = arith.constant 8 : i32
      "tpu.region"() ({
        %run_scoped3A_263 = tpu.sem_alloc : memref<!tpu.dma_semaphore, #tpu.memory_space<semaphore_mem>>
        %dma_start3A_264 = arith.constant 0 : i32
        %dma_start3A_265 = tpu.memref_slice %arg9[%run_scoped3A, %dma_start3A_264] : memref<16x3072xf32, #tpu.memory_space<vmem>> -> memref<1x3072xf32, #tpu.memory_space<vmem>>
        %dma_start3A_266 = tpu.memref_squeeze %dma_start3A_265 : memref<1x3072xf32, #tpu.memory_space<vmem>> -> memref<3072xf32, #tpu.memory_space<vmem>>
        %dma_start3A_267 = arith.constant 0 : i32
        %dma_start3A_268 = tpu.memref_slice %arg3[%squeeze3A_70, %dma_start3A_267] : memref<4096x3072xf32, #tpu.memory_space<hbm>> -> memref<1x3072xf32, #tpu.memory_space<hbm>>
        %dma_start3A_269 = tpu.memref_squeeze %dma_start3A_268 : memref<1x3072xf32, #tpu.memory_space<hbm>> -> memref<3072xf32, #tpu.memory_space<hbm>>
        %dma_start3A_270 = arith.constant 0 : i32
        %dma_start3A_271 = tpu.memref_slice %arg9[%run_scoped3A, %dma_start3A_270] : memref<16x3072xf32, #tpu.memory_space<vmem>> -> memref<1x3072xf32, #tpu.memory_space<vmem>>
        %dma_start3A_272 = tpu.memref_squeeze %dma_start3A_271 : memref<1x3072xf32, #tpu.memory_space<vmem>> -> memref<3072xf32, #tpu.memory_space<vmem>>
        %dma_start3A_273 = arith.constant 0 : i32
        %dma_start3A_274 = tpu.memref_slice %arg3[%squeeze3A_70, %dma_start3A_273] : memref<4096x3072xf32, #tpu.memory_space<hbm>> -> memref<1x3072xf32, #tpu.memory_space<hbm>>
        %dma_start3A_275 = tpu.memref_squeeze %dma_start3A_274 : memref<1x3072xf32, #tpu.memory_space<hbm>> -> memref<3072xf32, #tpu.memory_space<hbm>>
        tpu.enqueue_dma source(%dma_start3A_275 : memref<3072xf32, #tpu.memory_space<hbm>>) target(%dma_start3A_272 : memref<3072xf32, #tpu.memory_space<vmem>>) target_semaphore(%run_scoped3A_263 : memref<!tpu.dma_semaphore, #tpu.memory_space<semaphore_mem>>)
        %dma_wait3A_276 = arith.constant 0 : i32
        %dma_wait3A_277 = tpu.memref_slice %arg9[%run_scoped3A, %dma_wait3A_276] : memref<16x3072xf32, #tpu.memory_space<vmem>> -> memref<1x3072xf32, #tpu.memory_space<vmem>>
        %dma_wait3A_278 = tpu.memref_squeeze %dma_wait3A_277 : memref<1x3072xf32, #tpu.memory_space<vmem>> -> memref<3072xf32, #tpu.memory_space<vmem>>
        %dma_wait3A_279 = arith.constant 0 : i32
        %dma_wait3A_280 = tpu.memref_slice %arg3[%squeeze3A_70, %dma_wait3A_279] : memref<4096x3072xf32, #tpu.memory_space<hbm>> -> memref<1x3072xf32, #tpu.memory_space<hbm>>
        %dma_wait3A_281 = tpu.memref_squeeze %dma_wait3A_280 : memref<1x3072xf32, #tpu.memory_space<hbm>> -> memref<3072xf32, #tpu.memory_space<hbm>>
        %dma_wait3A_282 = arith.constant 0 : i32
        %dma_wait3A_283 = tpu.memref_slice %arg9[%run_scoped3A, %dma_wait3A_282] : memref<16x3072xf32, #tpu.memory_space<vmem>> -> memref<1x3072xf32, #tpu.memory_space<vmem>>
        %dma_wait3A_284 = tpu.memref_squeeze %dma_wait3A_283 : memref<1x3072xf32, #tpu.memory_space<vmem>> -> memref<3072xf32, #tpu.memory_space<vmem>>
        %dma_wait3A_285 = arith.constant 0 : i32
        %dma_wait3A_286 = tpu.memref_slice %arg3[%squeeze3A_70, %dma_wait3A_285] : memref<4096x3072xf32, #tpu.memory_space<hbm>> -> memref<1x3072xf32, #tpu.memory_space<hbm>>
        %dma_wait3A_287 = tpu.memref_squeeze %dma_wait3A_286 : memref<1x3072xf32, #tpu.memory_space<hbm>> -> memref<3072xf32, #tpu.memory_space<hbm>>
        tpu.wait_dma2 semaphore(%run_scoped3A_263 : memref<!tpu.dma_semaphore, #tpu.memory_space<semaphore_mem>>) src(%dma_wait3A_287 : memref<3072xf32, #tpu.memory_space<hbm>>) dst(%dma_wait3A_284 : memref<3072xf32, #tpu.memory_space<vmem>>)
        tpu.yield
      }) : () -> ()
    } else {
    }
    %slice3A_76 = vector.extract_strided_slice %get3A_17 {offsets = [9], sizes = [1], strides = [1]} : vector<16xi32> to vector<1xi32>
    %squeeze3A_77 = vector.extract %slice3A_76[0] : i32 from vector<1xi32>
    %ge3A_78 = arith.constant 0 : i32
    %ge3A_79 = arith.cmpi sge, %squeeze3A_77, %ge3A_78 : i32
    %convert_element_type3A_80 = arith.extui %ge3A_79 : i1 to i32
    %cond3A_81 = arith.constant 0 : i32
    %cond3A_82 = arith.cmpi ne, %convert_element_type3A_80, %cond3A_81 : i32
    scf.if %cond3A_82 {
      %run_scoped3A = arith.constant 9 : i32
      "tpu.region"() ({
        %run_scoped3A_263 = tpu.sem_alloc : memref<!tpu.dma_semaphore, #tpu.memory_space<semaphore_mem>>
        %dma_start3A_264 = arith.constant 0 : i32
        %dma_start3A_265 = tpu.memref_slice %arg9[%run_scoped3A, %dma_start3A_264] : memref<16x3072xf32, #tpu.memory_space<vmem>> -> memref<1x3072xf32, #tpu.memory_space<vmem>>
        %dma_start3A_266 = tpu.memref_squeeze %dma_start3A_265 : memref<1x3072xf32, #tpu.memory_space<vmem>> -> memref<3072xf32, #tpu.memory_space<vmem>>
        %dma_start3A_267 = arith.constant 0 : i32
        %dma_start3A_268 = tpu.memref_slice %arg3[%squeeze3A_77, %dma_start3A_267] : memref<4096x3072xf32, #tpu.memory_space<hbm>> -> memref<1x3072xf32, #tpu.memory_space<hbm>>
        %dma_start3A_269 = tpu.memref_squeeze %dma_start3A_268 : memref<1x3072xf32, #tpu.memory_space<hbm>> -> memref<3072xf32, #tpu.memory_space<hbm>>
        %dma_start3A_270 = arith.constant 0 : i32
        %dma_start3A_271 = tpu.memref_slice %arg9[%run_scoped3A, %dma_start3A_270] : memref<16x3072xf32, #tpu.memory_space<vmem>> -> memref<1x3072xf32, #tpu.memory_space<vmem>>
        %dma_start3A_272 = tpu.memref_squeeze %dma_start3A_271 : memref<1x3072xf32, #tpu.memory_space<vmem>> -> memref<3072xf32, #tpu.memory_space<vmem>>
        %dma_start3A_273 = arith.constant 0 : i32
        %dma_start3A_274 = tpu.memref_slice %arg3[%squeeze3A_77, %dma_start3A_273] : memref<4096x3072xf32, #tpu.memory_space<hbm>> -> memref<1x3072xf32, #tpu.memory_space<hbm>>
        %dma_start3A_275 = tpu.memref_squeeze %dma_start3A_274 : memref<1x3072xf32, #tpu.memory_space<hbm>> -> memref<3072xf32, #tpu.memory_space<hbm>>
        tpu.enqueue_dma source(%dma_start3A_275 : memref<3072xf32, #tpu.memory_space<hbm>>) target(%dma_start3A_272 : memref<3072xf32, #tpu.memory_space<vmem>>) target_semaphore(%run_scoped3A_263 : memref<!tpu.dma_semaphore, #tpu.memory_space<semaphore_mem>>)
        %dma_wait3A_276 = arith.constant 0 : i32
        %dma_wait3A_277 = tpu.memref_slice %arg9[%run_scoped3A, %dma_wait3A_276] : memref<16x3072xf32, #tpu.memory_space<vmem>> -> memref<1x3072xf32, #tpu.memory_space<vmem>>
        %dma_wait3A_278 = tpu.memref_squeeze %dma_wait3A_277 : memref<1x3072xf32, #tpu.memory_space<vmem>> -> memref<3072xf32, #tpu.memory_space<vmem>>
        %dma_wait3A_279 = arith.constant 0 : i32
        %dma_wait3A_280 = tpu.memref_slice %arg3[%squeeze3A_77, %dma_wait3A_279] : memref<4096x3072xf32, #tpu.memory_space<hbm>> -> memref<1x3072xf32, #tpu.memory_space<hbm>>
        %dma_wait3A_281 = tpu.memref_squeeze %dma_wait3A_280 : memref<1x3072xf32, #tpu.memory_space<hbm>> -> memref<3072xf32, #tpu.memory_space<hbm>>
        %dma_wait3A_282 = arith.constant 0 : i32
        %dma_wait3A_283 = tpu.memref_slice %arg9[%run_scoped3A, %dma_wait3A_282] : memref<16x3072xf32, #tpu.memory_space<vmem>> -> memref<1x3072xf32, #tpu.memory_space<vmem>>
        %dma_wait3A_284 = tpu.memref_squeeze %dma_wait3A_283 : memref<1x3072xf32, #tpu.memory_space<vmem>> -> memref<3072xf32, #tpu.memory_space<vmem>>
        %dma_wait3A_285 = arith.constant 0 : i32
        %dma_wait3A_286 = tpu.memref_slice %arg3[%squeeze3A_77, %dma_wait3A_285] : memref<4096x3072xf32, #tpu.memory_space<hbm>> -> memref<1x3072xf32, #tpu.memory_space<hbm>>
        %dma_wait3A_287 = tpu.memref_squeeze %dma_wait3A_286 : memref<1x3072xf32, #tpu.memory_space<hbm>> -> memref<3072xf32, #tpu.memory_space<hbm>>
        tpu.wait_dma2 semaphore(%run_scoped3A_263 : memref<!tpu.dma_semaphore, #tpu.memory_space<semaphore_mem>>) src(%dma_wait3A_287 : memref<3072xf32, #tpu.memory_space<hbm>>) dst(%dma_wait3A_284 : memref<3072xf32, #tpu.memory_space<vmem>>)
        tpu.yield
      }) : () -> ()
    } else {
    }
    %slice3A_83 = vector.extract_strided_slice %get3A_17 {offsets = [10], sizes = [1], strides = [1]} : vector<16xi32> to vector<1xi32>
    %squeeze3A_84 = vector.extract %slice3A_83[0] : i32 from vector<1xi32>
    %ge3A_85 = arith.constant 0 : i32
    %ge3A_86 = arith.cmpi sge, %squeeze3A_84, %ge3A_85 : i32
    %convert_element_type3A_87 = arith.extui %ge3A_86 : i1 to i32
    %cond3A_88 = arith.constant 0 : i32
    %cond3A_89 = arith.cmpi ne, %convert_element_type3A_87, %cond3A_88 : i32
    scf.if %cond3A_89 {
      %run_scoped3A = arith.constant 10 : i32
      "tpu.region"() ({
        %run_scoped3A_263 = tpu.sem_alloc : memref<!tpu.dma_semaphore, #tpu.memory_space<semaphore_mem>>
        %dma_start3A_264 = arith.constant 0 : i32
        %dma_start3A_265 = tpu.memref_slice %arg9[%run_scoped3A, %dma_start3A_264] : memref<16x3072xf32, #tpu.memory_space<vmem>> -> memref<1x3072xf32, #tpu.memory_space<vmem>>
        %dma_start3A_266 = tpu.memref_squeeze %dma_start3A_265 : memref<1x3072xf32, #tpu.memory_space<vmem>> -> memref<3072xf32, #tpu.memory_space<vmem>>
        %dma_start3A_267 = arith.constant 0 : i32
        %dma_start3A_268 = tpu.memref_slice %arg3[%squeeze3A_84, %dma_start3A_267] : memref<4096x3072xf32, #tpu.memory_space<hbm>> -> memref<1x3072xf32, #tpu.memory_space<hbm>>
        %dma_start3A_269 = tpu.memref_squeeze %dma_start3A_268 : memref<1x3072xf32, #tpu.memory_space<hbm>> -> memref<3072xf32, #tpu.memory_space<hbm>>
        %dma_start3A_270 = arith.constant 0 : i32
        %dma_start3A_271 = tpu.memref_slice %arg9[%run_scoped3A, %dma_start3A_270] : memref<16x3072xf32, #tpu.memory_space<vmem>> -> memref<1x3072xf32, #tpu.memory_space<vmem>>
        %dma_start3A_272 = tpu.memref_squeeze %dma_start3A_271 : memref<1x3072xf32, #tpu.memory_space<vmem>> -> memref<3072xf32, #tpu.memory_space<vmem>>
        %dma_start3A_273 = arith.constant 0 : i32
        %dma_start3A_274 = tpu.memref_slice %arg3[%squeeze3A_84, %dma_start3A_273] : memref<4096x3072xf32, #tpu.memory_space<hbm>> -> memref<1x3072xf32, #tpu.memory_space<hbm>>
        %dma_start3A_275 = tpu.memref_squeeze %dma_start3A_274 : memref<1x3072xf32, #tpu.memory_space<hbm>> -> memref<3072xf32, #tpu.memory_space<hbm>>
        tpu.enqueue_dma source(%dma_start3A_275 : memref<3072xf32, #tpu.memory_space<hbm>>) target(%dma_start3A_272 : memref<3072xf32, #tpu.memory_space<vmem>>) target_semaphore(%run_scoped3A_263 : memref<!tpu.dma_semaphore, #tpu.memory_space<semaphore_mem>>)
        %dma_wait3A_276 = arith.constant 0 : i32
        %dma_wait3A_277 = tpu.memref_slice %arg9[%run_scoped3A, %dma_wait3A_276] : memref<16x3072xf32, #tpu.memory_space<vmem>> -> memref<1x3072xf32, #tpu.memory_space<vmem>>
        %dma_wait3A_278 = tpu.memref_squeeze %dma_wait3A_277 : memref<1x3072xf32, #tpu.memory_space<vmem>> -> memref<3072xf32, #tpu.memory_space<vmem>>
        %dma_wait3A_279 = arith.constant 0 : i32
        %dma_wait3A_280 = tpu.memref_slice %arg3[%squeeze3A_84, %dma_wait3A_279] : memref<4096x3072xf32, #tpu.memory_space<hbm>> -> memref<1x3072xf32, #tpu.memory_space<hbm>>
        %dma_wait3A_281 = tpu.memref_squeeze %dma_wait3A_280 : memref<1x3072xf32, #tpu.memory_space<hbm>> -> memref<3072xf32, #tpu.memory_space<hbm>>
        %dma_wait3A_282 = arith.constant 0 : i32
        %dma_wait3A_283 = tpu.memref_slice %arg9[%run_scoped3A, %dma_wait3A_282] : memref<16x3072xf32, #tpu.memory_space<vmem>> -> memref<1x3072xf32, #tpu.memory_space<vmem>>
        %dma_wait3A_284 = tpu.memref_squeeze %dma_wait3A_283 : memref<1x3072xf32, #tpu.memory_space<vmem>> -> memref<3072xf32, #tpu.memory_space<vmem>>
        %dma_wait3A_285 = arith.constant 0 : i32
        %dma_wait3A_286 = tpu.memref_slice %arg3[%squeeze3A_84, %dma_wait3A_285] : memref<4096x3072xf32, #tpu.memory_space<hbm>> -> memref<1x3072xf32, #tpu.memory_space<hbm>>
        %dma_wait3A_287 = tpu.memref_squeeze %dma_wait3A_286 : memref<1x3072xf32, #tpu.memory_space<hbm>> -> memref<3072xf32, #tpu.memory_space<hbm>>
        tpu.wait_dma2 semaphore(%run_scoped3A_263 : memref<!tpu.dma_semaphore, #tpu.memory_space<semaphore_mem>>) src(%dma_wait3A_287 : memref<3072xf32, #tpu.memory_space<hbm>>) dst(%dma_wait3A_284 : memref<3072xf32, #tpu.memory_space<vmem>>)
        tpu.yield
      }) : () -> ()
    } else {
    }
    %slice3A_90 = vector.extract_strided_slice %get3A_17 {offsets = [11], sizes = [1], strides = [1]} : vector<16xi32> to vector<1xi32>
    %squeeze3A_91 = vector.extract %slice3A_90[0] : i32 from vector<1xi32>
    %ge3A_92 = arith.constant 0 : i32
    %ge3A_93 = arith.cmpi sge, %squeeze3A_91, %ge3A_92 : i32
    %convert_element_type3A_94 = arith.extui %ge3A_93 : i1 to i32
    %cond3A_95 = arith.constant 0 : i32
    %cond3A_96 = arith.cmpi ne, %convert_element_type3A_94, %cond3A_95 : i32
    scf.if %cond3A_96 {
      %run_scoped3A = arith.constant 11 : i32
      "tpu.region"() ({
        %run_scoped3A_263 = tpu.sem_alloc : memref<!tpu.dma_semaphore, #tpu.memory_space<semaphore_mem>>
        %dma_start3A_264 = arith.constant 0 : i32
        %dma_start3A_265 = tpu.memref_slice %arg9[%run_scoped3A, %dma_start3A_264] : memref<16x3072xf32, #tpu.memory_space<vmem>> -> memref<1x3072xf32, #tpu.memory_space<vmem>>
        %dma_start3A_266 = tpu.memref_squeeze %dma_start3A_265 : memref<1x3072xf32, #tpu.memory_space<vmem>> -> memref<3072xf32, #tpu.memory_space<vmem>>
        %dma_start3A_267 = arith.constant 0 : i32
        %dma_start3A_268 = tpu.memref_slice %arg3[%squeeze3A_91, %dma_start3A_267] : memref<4096x3072xf32, #tpu.memory_space<hbm>> -> memref<1x3072xf32, #tpu.memory_space<hbm>>
        %dma_start3A_269 = tpu.memref_squeeze %dma_start3A_268 : memref<1x3072xf32, #tpu.memory_space<hbm>> -> memref<3072xf32, #tpu.memory_space<hbm>>
        %dma_start3A_270 = arith.constant 0 : i32
        %dma_start3A_271 = tpu.memref_slice %arg9[%run_scoped3A, %dma_start3A_270] : memref<16x3072xf32, #tpu.memory_space<vmem>> -> memref<1x3072xf32, #tpu.memory_space<vmem>>
        %dma_start3A_272 = tpu.memref_squeeze %dma_start3A_271 : memref<1x3072xf32, #tpu.memory_space<vmem>> -> memref<3072xf32, #tpu.memory_space<vmem>>
        %dma_start3A_273 = arith.constant 0 : i32
        %dma_start3A_274 = tpu.memref_slice %arg3[%squeeze3A_91, %dma_start3A_273] : memref<4096x3072xf32, #tpu.memory_space<hbm>> -> memref<1x3072xf32, #tpu.memory_space<hbm>>
        %dma_start3A_275 = tpu.memref_squeeze %dma_start3A_274 : memref<1x3072xf32, #tpu.memory_space<hbm>> -> memref<3072xf32, #tpu.memory_space<hbm>>
        tpu.enqueue_dma source(%dma_start3A_275 : memref<3072xf32, #tpu.memory_space<hbm>>) target(%dma_start3A_272 : memref<3072xf32, #tpu.memory_space<vmem>>) target_semaphore(%run_scoped3A_263 : memref<!tpu.dma_semaphore, #tpu.memory_space<semaphore_mem>>)
        %dma_wait3A_276 = arith.constant 0 : i32
        %dma_wait3A_277 = tpu.memref_slice %arg9[%run_scoped3A, %dma_wait3A_276] : memref<16x3072xf32, #tpu.memory_space<vmem>> -> memref<1x3072xf32, #tpu.memory_space<vmem>>
        %dma_wait3A_278 = tpu.memref_squeeze %dma_wait3A_277 : memref<1x3072xf32, #tpu.memory_space<vmem>> -> memref<3072xf32, #tpu.memory_space<vmem>>
        %dma_wait3A_279 = arith.constant 0 : i32
        %dma_wait3A_280 = tpu.memref_slice %arg3[%squeeze3A_91, %dma_wait3A_279] : memref<4096x3072xf32, #tpu.memory_space<hbm>> -> memref<1x3072xf32, #tpu.memory_space<hbm>>
        %dma_wait3A_281 = tpu.memref_squeeze %dma_wait3A_280 : memref<1x3072xf32, #tpu.memory_space<hbm>> -> memref<3072xf32, #tpu.memory_space<hbm>>
        %dma_wait3A_282 = arith.constant 0 : i32
        %dma_wait3A_283 = tpu.memref_slice %arg9[%run_scoped3A, %dma_wait3A_282] : memref<16x3072xf32, #tpu.memory_space<vmem>> -> memref<1x3072xf32, #tpu.memory_space<vmem>>
        %dma_wait3A_284 = tpu.memref_squeeze %dma_wait3A_283 : memref<1x3072xf32, #tpu.memory_space<vmem>> -> memref<3072xf32, #tpu.memory_space<vmem>>
        %dma_wait3A_285 = arith.constant 0 : i32
        %dma_wait3A_286 = tpu.memref_slice %arg3[%squeeze3A_91, %dma_wait3A_285] : memref<4096x3072xf32, #tpu.memory_space<hbm>> -> memref<1x3072xf32, #tpu.memory_space<hbm>>
        %dma_wait3A_287 = tpu.memref_squeeze %dma_wait3A_286 : memref<1x3072xf32, #tpu.memory_space<hbm>> -> memref<3072xf32, #tpu.memory_space<hbm>>
        tpu.wait_dma2 semaphore(%run_scoped3A_263 : memref<!tpu.dma_semaphore, #tpu.memory_space<semaphore_mem>>) src(%dma_wait3A_287 : memref<3072xf32, #tpu.memory_space<hbm>>) dst(%dma_wait3A_284 : memref<3072xf32, #tpu.memory_space<vmem>>)
        tpu.yield
      }) : () -> ()
    } else {
    }
    %slice3A_97 = vector.extract_strided_slice %get3A_17 {offsets = [12], sizes = [1], strides = [1]} : vector<16xi32> to vector<1xi32>
    %squeeze3A_98 = vector.extract %slice3A_97[0] : i32 from vector<1xi32>
    %ge3A_99 = arith.constant 0 : i32
    %ge3A_100 = arith.cmpi sge, %squeeze3A_98, %ge3A_99 : i32
    %convert_element_type3A_101 = arith.extui %ge3A_100 : i1 to i32
    %cond3A_102 = arith.constant 0 : i32
    %cond3A_103 = arith.cmpi ne, %convert_element_type3A_101, %cond3A_102 : i32
    scf.if %cond3A_103 {
      %run_scoped3A = arith.constant 12 : i32
      "tpu.region"() ({
        %run_scoped3A_263 = tpu.sem_alloc : memref<!tpu.dma_semaphore, #tpu.memory_space<semaphore_mem>>
        %dma_start3A_264 = arith.constant 0 : i32
        %dma_start3A_265 = tpu.memref_slice %arg9[%run_scoped3A, %dma_start3A_264] : memref<16x3072xf32, #tpu.memory_space<vmem>> -> memref<1x3072xf32, #tpu.memory_space<vmem>>
        %dma_start3A_266 = tpu.memref_squeeze %dma_start3A_265 : memref<1x3072xf32, #tpu.memory_space<vmem>> -> memref<3072xf32, #tpu.memory_space<vmem>>
        %dma_start3A_267 = arith.constant 0 : i32
        %dma_start3A_268 = tpu.memref_slice %arg3[%squeeze3A_98, %dma_start3A_267] : memref<4096x3072xf32, #tpu.memory_space<hbm>> -> memref<1x3072xf32, #tpu.memory_space<hbm>>
        %dma_start3A_269 = tpu.memref_squeeze %dma_start3A_268 : memref<1x3072xf32, #tpu.memory_space<hbm>> -> memref<3072xf32, #tpu.memory_space<hbm>>
        %dma_start3A_270 = arith.constant 0 : i32
        %dma_start3A_271 = tpu.memref_slice %arg9[%run_scoped3A, %dma_start3A_270] : memref<16x3072xf32, #tpu.memory_space<vmem>> -> memref<1x3072xf32, #tpu.memory_space<vmem>>
        %dma_start3A_272 = tpu.memref_squeeze %dma_start3A_271 : memref<1x3072xf32, #tpu.memory_space<vmem>> -> memref<3072xf32, #tpu.memory_space<vmem>>
        %dma_start3A_273 = arith.constant 0 : i32
        %dma_start3A_274 = tpu.memref_slice %arg3[%squeeze3A_98, %dma_start3A_273] : memref<4096x3072xf32, #tpu.memory_space<hbm>> -> memref<1x3072xf32, #tpu.memory_space<hbm>>
        %dma_start3A_275 = tpu.memref_squeeze %dma_start3A_274 : memref<1x3072xf32, #tpu.memory_space<hbm>> -> memref<3072xf32, #tpu.memory_space<hbm>>
        tpu.enqueue_dma source(%dma_start3A_275 : memref<3072xf32, #tpu.memory_space<hbm>>) target(%dma_start3A_272 : memref<3072xf32, #tpu.memory_space<vmem>>) target_semaphore(%run_scoped3A_263 : memref<!tpu.dma_semaphore, #tpu.memory_space<semaphore_mem>>)
        %dma_wait3A_276 = arith.constant 0 : i32
        %dma_wait3A_277 = tpu.memref_slice %arg9[%run_scoped3A, %dma_wait3A_276] : memref<16x3072xf32, #tpu.memory_space<vmem>> -> memref<1x3072xf32, #tpu.memory_space<vmem>>
        %dma_wait3A_278 = tpu.memref_squeeze %dma_wait3A_277 : memref<1x3072xf32, #tpu.memory_space<vmem>> -> memref<3072xf32, #tpu.memory_space<vmem>>
        %dma_wait3A_279 = arith.constant 0 : i32
        %dma_wait3A_280 = tpu.memref_slice %arg3[%squeeze3A_98, %dma_wait3A_279] : memref<4096x3072xf32, #tpu.memory_space<hbm>> -> memref<1x3072xf32, #tpu.memory_space<hbm>>
        %dma_wait3A_281 = tpu.memref_squeeze %dma_wait3A_280 : memref<1x3072xf32, #tpu.memory_space<hbm>> -> memref<3072xf32, #tpu.memory_space<hbm>>
        %dma_wait3A_282 = arith.constant 0 : i32
        %dma_wait3A_283 = tpu.memref_slice %arg9[%run_scoped3A, %dma_wait3A_282] : memref<16x3072xf32, #tpu.memory_space<vmem>> -> memref<1x3072xf32, #tpu.memory_space<vmem>>
        %dma_wait3A_284 = tpu.memref_squeeze %dma_wait3A_283 : memref<1x3072xf32, #tpu.memory_space<vmem>> -> memref<3072xf32, #tpu.memory_space<vmem>>
        %dma_wait3A_285 = arith.constant 0 : i32
        %dma_wait3A_286 = tpu.memref_slice %arg3[%squeeze3A_98, %dma_wait3A_285] : memref<4096x3072xf32, #tpu.memory_space<hbm>> -> memref<1x3072xf32, #tpu.memory_space<hbm>>
        %dma_wait3A_287 = tpu.memref_squeeze %dma_wait3A_286 : memref<1x3072xf32, #tpu.memory_space<hbm>> -> memref<3072xf32, #tpu.memory_space<hbm>>
        tpu.wait_dma2 semaphore(%run_scoped3A_263 : memref<!tpu.dma_semaphore, #tpu.memory_space<semaphore_mem>>) src(%dma_wait3A_287 : memref<3072xf32, #tpu.memory_space<hbm>>) dst(%dma_wait3A_284 : memref<3072xf32, #tpu.memory_space<vmem>>)
        tpu.yield
      }) : () -> ()
    } else {
    }
    %slice3A_104 = vector.extract_strided_slice %get3A_17 {offsets = [13], sizes = [1], strides = [1]} : vector<16xi32> to vector<1xi32>
    %squeeze3A_105 = vector.extract %slice3A_104[0] : i32 from vector<1xi32>
    %ge3A_106 = arith.constant 0 : i32
    %ge3A_107 = arith.cmpi sge, %squeeze3A_105, %ge3A_106 : i32
    %convert_element_type3A_108 = arith.extui %ge3A_107 : i1 to i32
    %cond3A_109 = arith.constant 0 : i32
    %cond3A_110 = arith.cmpi ne, %convert_element_type3A_108, %cond3A_109 : i32
    scf.if %cond3A_110 {
      %run_scoped3A = arith.constant 13 : i32
      "tpu.region"() ({
        %run_scoped3A_263 = tpu.sem_alloc : memref<!tpu.dma_semaphore, #tpu.memory_space<semaphore_mem>>
        %dma_start3A_264 = arith.constant 0 : i32
        %dma_start3A_265 = tpu.memref_slice %arg9[%run_scoped3A, %dma_start3A_264] : memref<16x3072xf32, #tpu.memory_space<vmem>> -> memref<1x3072xf32, #tpu.memory_space<vmem>>
        %dma_start3A_266 = tpu.memref_squeeze %dma_start3A_265 : memref<1x3072xf32, #tpu.memory_space<vmem>> -> memref<3072xf32, #tpu.memory_space<vmem>>
        %dma_start3A_267 = arith.constant 0 : i32
        %dma_start3A_268 = tpu.memref_slice %arg3[%squeeze3A_105, %dma_start3A_267] : memref<4096x3072xf32, #tpu.memory_space<hbm>> -> memref<1x3072xf32, #tpu.memory_space<hbm>>
        %dma_start3A_269 = tpu.memref_squeeze %dma_start3A_268 : memref<1x3072xf32, #tpu.memory_space<hbm>> -> memref<3072xf32, #tpu.memory_space<hbm>>
        %dma_start3A_270 = arith.constant 0 : i32
        %dma_start3A_271 = tpu.memref_slice %arg9[%run_scoped3A, %dma_start3A_270] : memref<16x3072xf32, #tpu.memory_space<vmem>> -> memref<1x3072xf32, #tpu.memory_space<vmem>>
        %dma_start3A_272 = tpu.memref_squeeze %dma_start3A_271 : memref<1x3072xf32, #tpu.memory_space<vmem>> -> memref<3072xf32, #tpu.memory_space<vmem>>
        %dma_start3A_273 = arith.constant 0 : i32
        %dma_start3A_274 = tpu.memref_slice %arg3[%squeeze3A_105, %dma_start3A_273] : memref<4096x3072xf32, #tpu.memory_space<hbm>> -> memref<1x3072xf32, #tpu.memory_space<hbm>>
        %dma_start3A_275 = tpu.memref_squeeze %dma_start3A_274 : memref<1x3072xf32, #tpu.memory_space<hbm>> -> memref<3072xf32, #tpu.memory_space<hbm>>
        tpu.enqueue_dma source(%dma_start3A_275 : memref<3072xf32, #tpu.memory_space<hbm>>) target(%dma_start3A_272 : memref<3072xf32, #tpu.memory_space<vmem>>) target_semaphore(%run_scoped3A_263 : memref<!tpu.dma_semaphore, #tpu.memory_space<semaphore_mem>>)
        %dma_wait3A_276 = arith.constant 0 : i32
        %dma_wait3A_277 = tpu.memref_slice %arg9[%run_scoped3A, %dma_wait3A_276] : memref<16x3072xf32, #tpu.memory_space<vmem>> -> memref<1x3072xf32, #tpu.memory_space<vmem>>
        %dma_wait3A_278 = tpu.memref_squeeze %dma_wait3A_277 : memref<1x3072xf32, #tpu.memory_space<vmem>> -> memref<3072xf32, #tpu.memory_space<vmem>>
        %dma_wait3A_279 = arith.constant 0 : i32
        %dma_wait3A_280 = tpu.memref_slice %arg3[%squeeze3A_105, %dma_wait3A_279] : memref<4096x3072xf32, #tpu.memory_space<hbm>> -> memref<1x3072xf32, #tpu.memory_space<hbm>>
        %dma_wait3A_281 = tpu.memref_squeeze %dma_wait3A_280 : memref<1x3072xf32, #tpu.memory_space<hbm>> -> memref<3072xf32, #tpu.memory_space<hbm>>
        %dma_wait3A_282 = arith.constant 0 : i32
        %dma_wait3A_283 = tpu.memref_slice %arg9[%run_scoped3A, %dma_wait3A_282] : memref<16x3072xf32, #tpu.memory_space<vmem>> -> memref<1x3072xf32, #tpu.memory_space<vmem>>
        %dma_wait3A_284 = tpu.memref_squeeze %dma_wait3A_283 : memref<1x3072xf32, #tpu.memory_space<vmem>> -> memref<3072xf32, #tpu.memory_space<vmem>>
        %dma_wait3A_285 = arith.constant 0 : i32
        %dma_wait3A_286 = tpu.memref_slice %arg3[%squeeze3A_105, %dma_wait3A_285] : memref<4096x3072xf32, #tpu.memory_space<hbm>> -> memref<1x3072xf32, #tpu.memory_space<hbm>>
        %dma_wait3A_287 = tpu.memref_squeeze %dma_wait3A_286 : memref<1x3072xf32, #tpu.memory_space<hbm>> -> memref<3072xf32, #tpu.memory_space<hbm>>
        tpu.wait_dma2 semaphore(%run_scoped3A_263 : memref<!tpu.dma_semaphore, #tpu.memory_space<semaphore_mem>>) src(%dma_wait3A_287 : memref<3072xf32, #tpu.memory_space<hbm>>) dst(%dma_wait3A_284 : memref<3072xf32, #tpu.memory_space<vmem>>)
        tpu.yield
      }) : () -> ()
    } else {
    }
    %slice3A_111 = vector.extract_strided_slice %get3A_17 {offsets = [14], sizes = [1], strides = [1]} : vector<16xi32> to vector<1xi32>
    %squeeze3A_112 = vector.extract %slice3A_111[0] : i32 from vector<1xi32>
    %ge3A_113 = arith.constant 0 : i32
    %ge3A_114 = arith.cmpi sge, %squeeze3A_112, %ge3A_113 : i32
    %convert_element_type3A_115 = arith.extui %ge3A_114 : i1 to i32
    %cond3A_116 = arith.constant 0 : i32
    %cond3A_117 = arith.cmpi ne, %convert_element_type3A_115, %cond3A_116 : i32
    scf.if %cond3A_117 {
      %run_scoped3A = arith.constant 14 : i32
      "tpu.region"() ({
        %run_scoped3A_263 = tpu.sem_alloc : memref<!tpu.dma_semaphore, #tpu.memory_space<semaphore_mem>>
        %dma_start3A_264 = arith.constant 0 : i32
        %dma_start3A_265 = tpu.memref_slice %arg9[%run_scoped3A, %dma_start3A_264] : memref<16x3072xf32, #tpu.memory_space<vmem>> -> memref<1x3072xf32, #tpu.memory_space<vmem>>
        %dma_start3A_266 = tpu.memref_squeeze %dma_start3A_265 : memref<1x3072xf32, #tpu.memory_space<vmem>> -> memref<3072xf32, #tpu.memory_space<vmem>>
        %dma_start3A_267 = arith.constant 0 : i32
        %dma_start3A_268 = tpu.memref_slice %arg3[%squeeze3A_112, %dma_start3A_267] : memref<4096x3072xf32, #tpu.memory_space<hbm>> -> memref<1x3072xf32, #tpu.memory_space<hbm>>
        %dma_start3A_269 = tpu.memref_squeeze %dma_start3A_268 : memref<1x3072xf32, #tpu.memory_space<hbm>> -> memref<3072xf32, #tpu.memory_space<hbm>>
        %dma_start3A_270 = arith.constant 0 : i32
        %dma_start3A_271 = tpu.memref_slice %arg9[%run_scoped3A, %dma_start3A_270] : memref<16x3072xf32, #tpu.memory_space<vmem>> -> memref<1x3072xf32, #tpu.memory_space<vmem>>
        %dma_start3A_272 = tpu.memref_squeeze %dma_start3A_271 : memref<1x3072xf32, #tpu.memory_space<vmem>> -> memref<3072xf32, #tpu.memory_space<vmem>>
        %dma_start3A_273 = arith.constant 0 : i32
        %dma_start3A_274 = tpu.memref_slice %arg3[%squeeze3A_112, %dma_start3A_273] : memref<4096x3072xf32, #tpu.memory_space<hbm>> -> memref<1x3072xf32, #tpu.memory_space<hbm>>
        %dma_start3A_275 = tpu.memref_squeeze %dma_start3A_274 : memref<1x3072xf32, #tpu.memory_space<hbm>> -> memref<3072xf32, #tpu.memory_space<hbm>>
        tpu.enqueue_dma source(%dma_start3A_275 : memref<3072xf32, #tpu.memory_space<hbm>>) target(%dma_start3A_272 : memref<3072xf32, #tpu.memory_space<vmem>>) target_semaphore(%run_scoped3A_263 : memref<!tpu.dma_semaphore, #tpu.memory_space<semaphore_mem>>)
        %dma_wait3A_276 = arith.constant 0 : i32
        %dma_wait3A_277 = tpu.memref_slice %arg9[%run_scoped3A, %dma_wait3A_276] : memref<16x3072xf32, #tpu.memory_space<vmem>> -> memref<1x3072xf32, #tpu.memory_space<vmem>>
        %dma_wait3A_278 = tpu.memref_squeeze %dma_wait3A_277 : memref<1x3072xf32, #tpu.memory_space<vmem>> -> memref<3072xf32, #tpu.memory_space<vmem>>
        %dma_wait3A_279 = arith.constant 0 : i32
        %dma_wait3A_280 = tpu.memref_slice %arg3[%squeeze3A_112, %dma_wait3A_279] : memref<4096x3072xf32, #tpu.memory_space<hbm>> -> memref<1x3072xf32, #tpu.memory_space<hbm>>
        %dma_wait3A_281 = tpu.memref_squeeze %dma_wait3A_280 : memref<1x3072xf32, #tpu.memory_space<hbm>> -> memref<3072xf32, #tpu.memory_space<hbm>>
        %dma_wait3A_282 = arith.constant 0 : i32
        %dma_wait3A_283 = tpu.memref_slice %arg9[%run_scoped3A, %dma_wait3A_282] : memref<16x3072xf32, #tpu.memory_space<vmem>> -> memref<1x3072xf32, #tpu.memory_space<vmem>>
        %dma_wait3A_284 = tpu.memref_squeeze %dma_wait3A_283 : memref<1x3072xf32, #tpu.memory_space<vmem>> -> memref<3072xf32, #tpu.memory_space<vmem>>
        %dma_wait3A_285 = arith.constant 0 : i32
        %dma_wait3A_286 = tpu.memref_slice %arg3[%squeeze3A_112, %dma_wait3A_285] : memref<4096x3072xf32, #tpu.memory_space<hbm>> -> memref<1x3072xf32, #tpu.memory_space<hbm>>
        %dma_wait3A_287 = tpu.memref_squeeze %dma_wait3A_286 : memref<1x3072xf32, #tpu.memory_space<hbm>> -> memref<3072xf32, #tpu.memory_space<hbm>>
        tpu.wait_dma2 semaphore(%run_scoped3A_263 : memref<!tpu.dma_semaphore, #tpu.memory_space<semaphore_mem>>) src(%dma_wait3A_287 : memref<3072xf32, #tpu.memory_space<hbm>>) dst(%dma_wait3A_284 : memref<3072xf32, #tpu.memory_space<vmem>>)
        tpu.yield
      }) : () -> ()
    } else {
    }
    %slice3A_118 = vector.extract_strided_slice %get3A_17 {offsets = [15], sizes = [1], strides = [1]} : vector<16xi32> to vector<1xi32>
    %squeeze3A_119 = vector.extract %slice3A_118[0] : i32 from vector<1xi32>
    %ge3A_120 = arith.constant 0 : i32
    %ge3A_121 = arith.cmpi sge, %squeeze3A_119, %ge3A_120 : i32
    %convert_element_type3A_122 = arith.extui %ge3A_121 : i1 to i32
    %cond3A_123 = arith.constant 0 : i32
    %cond3A_124 = arith.cmpi ne, %convert_element_type3A_122, %cond3A_123 : i32
    scf.if %cond3A_124 {
      %run_scoped3A = arith.constant 15 : i32
      "tpu.region"() ({
        %run_scoped3A_263 = tpu.sem_alloc : memref<!tpu.dma_semaphore, #tpu.memory_space<semaphore_mem>>
        %dma_start3A_264 = arith.constant 0 : i32
        %dma_start3A_265 = tpu.memref_slice %arg9[%run_scoped3A, %dma_start3A_264] : memref<16x3072xf32, #tpu.memory_space<vmem>> -> memref<1x3072xf32, #tpu.memory_space<vmem>>
        %dma_start3A_266 = tpu.memref_squeeze %dma_start3A_265 : memref<1x3072xf32, #tpu.memory_space<vmem>> -> memref<3072xf32, #tpu.memory_space<vmem>>
        %dma_start3A_267 = arith.constant 0 : i32
        %dma_start3A_268 = tpu.memref_slice %arg3[%squeeze3A_119, %dma_start3A_267] : memref<4096x3072xf32, #tpu.memory_space<hbm>> -> memref<1x3072xf32, #tpu.memory_space<hbm>>
        %dma_start3A_269 = tpu.memref_squeeze %dma_start3A_268 : memref<1x3072xf32, #tpu.memory_space<hbm>> -> memref<3072xf32, #tpu.memory_space<hbm>>
        %dma_start3A_270 = arith.constant 0 : i32
        %dma_start3A_271 = tpu.memref_slice %arg9[%run_scoped3A, %dma_start3A_270] : memref<16x3072xf32, #tpu.memory_space<vmem>> -> memref<1x3072xf32, #tpu.memory_space<vmem>>
        %dma_start3A_272 = tpu.memref_squeeze %dma_start3A_271 : memref<1x3072xf32, #tpu.memory_space<vmem>> -> memref<3072xf32, #tpu.memory_space<vmem>>
        %dma_start3A_273 = arith.constant 0 : i32
        %dma_start3A_274 = tpu.memref_slice %arg3[%squeeze3A_119, %dma_start3A_273] : memref<4096x3072xf32, #tpu.memory_space<hbm>> -> memref<1x3072xf32, #tpu.memory_space<hbm>>
        %dma_start3A_275 = tpu.memref_squeeze %dma_start3A_274 : memref<1x3072xf32, #tpu.memory_space<hbm>> -> memref<3072xf32, #tpu.memory_space<hbm>>
        tpu.enqueue_dma source(%dma_start3A_275 : memref<3072xf32, #tpu.memory_space<hbm>>) target(%dma_start3A_272 : memref<3072xf32, #tpu.memory_space<vmem>>) target_semaphore(%run_scoped3A_263 : memref<!tpu.dma_semaphore, #tpu.memory_space<semaphore_mem>>)
        %dma_wait3A_276 = arith.constant 0 : i32
        %dma_wait3A_277 = tpu.memref_slice %arg9[%run_scoped3A, %dma_wait3A_276] : memref<16x3072xf32, #tpu.memory_space<vmem>> -> memref<1x3072xf32, #tpu.memory_space<vmem>>
        %dma_wait3A_278 = tpu.memref_squeeze %dma_wait3A_277 : memref<1x3072xf32, #tpu.memory_space<vmem>> -> memref<3072xf32, #tpu.memory_space<vmem>>
        %dma_wait3A_279 = arith.constant 0 : i32
        %dma_wait3A_280 = tpu.memref_slice %arg3[%squeeze3A_119, %dma_wait3A_279] : memref<4096x3072xf32, #tpu.memory_space<hbm>> -> memref<1x3072xf32, #tpu.memory_space<hbm>>
        %dma_wait3A_281 = tpu.memref_squeeze %dma_wait3A_280 : memref<1x3072xf32, #tpu.memory_space<hbm>> -> memref<3072xf32, #tpu.memory_space<hbm>>
        %dma_wait3A_282 = arith.constant 0 : i32
        %dma_wait3A_283 = tpu.memref_slice %arg9[%run_scoped3A, %dma_wait3A_282] : memref<16x3072xf32, #tpu.memory_space<vmem>> -> memref<1x3072xf32, #tpu.memory_space<vmem>>
        %dma_wait3A_284 = tpu.memref_squeeze %dma_wait3A_283 : memref<1x3072xf32, #tpu.memory_space<vmem>> -> memref<3072xf32, #tpu.memory_space<vmem>>
        %dma_wait3A_285 = arith.constant 0 : i32
        %dma_wait3A_286 = tpu.memref_slice %arg3[%squeeze3A_119, %dma_wait3A_285] : memref<4096x3072xf32, #tpu.memory_space<hbm>> -> memref<1x3072xf32, #tpu.memory_space<hbm>>
        %dma_wait3A_287 = tpu.memref_squeeze %dma_wait3A_286 : memref<1x3072xf32, #tpu.memory_space<hbm>> -> memref<3072xf32, #tpu.memory_space<hbm>>
        tpu.wait_dma2 semaphore(%run_scoped3A_263 : memref<!tpu.dma_semaphore, #tpu.memory_space<semaphore_mem>>) src(%dma_wait3A_287 : memref<3072xf32, #tpu.memory_space<hbm>>) dst(%dma_wait3A_284 : memref<3072xf32, #tpu.memory_space<vmem>>)
        tpu.yield
      }) : () -> ()
    } else {
    }
    %add3A_125 = arith.constant 0 : i32
    %add3A_126 = arith.addi %mul3A_2, %add3A_125 : i32
    %dma_start3A_127 = arith.constant 0 : i32
    %dma_start3A_128 = tpu.memref_slice %arg6[%add3A_126, %dma_start3A_127] : memref<1024x3072xf32, #tpu.memory_space<hbm>> -> memref<16x3072xf32, #tpu.memory_space<hbm>>
    %dma_start3A_129 = arith.constant 0 : i32
    %dma_start3A_130 = tpu.memref_slice %arg6[%add3A_126, %dma_start3A_129] : memref<1024x3072xf32, #tpu.memory_space<hbm>> -> memref<16x3072xf32, #tpu.memory_space<hbm>>
    tpu.enqueue_dma source(%arg9 : memref<16x3072xf32, #tpu.memory_space<vmem>>) target(%dma_start3A_130 : memref<16x3072xf32, #tpu.memory_space<hbm>>) target_semaphore(%arg13 : memref<!tpu.dma_semaphore, #tpu.memory_space<semaphore_mem>>)
    %dma_wait3A_131 = arith.constant 0 : i32
    %dma_wait3A_132 = arith.constant 0 : i32
    %dma_wait3A_133 = tpu.memref_slice %arg2[%dma_wait3A_131, %dma_wait3A_132] : memref<16384x3072xf32, #tpu.memory_space<hbm>> -> memref<16384x3072xf32, #tpu.memory_space<hbm>>
    tpu.wait_indirect_dma semaphore(%arg12 : memref<!tpu.dma_semaphore, #tpu.memory_space<semaphore_mem>>) src(%dma_wait3A_133 : memref<16384x3072xf32, #tpu.memory_space<hbm>>) dst(%arg10 : memref<16x3072xf32, #tpu.memory_space<vmem>>)
    %get3A_134 = arith.constant 16 : index
    %get3A_135 = tpu.vector_load %arg8[%get3A_134] {strides = array<i32>} : memref<32xi32, #tpu.memory_space<vmem>>, vector<16xi32>,
    %get3A_136 = vector.shape_cast %get3A_135 : vector<16xi32> to vector<16xi32>
    %slice3A_137 = vector.extract_strided_slice %get3A_136 {offsets = [0], sizes = [1], strides = [1]} : vector<16xi32> to vector<1xi32>
    %squeeze3A_138 = vector.extract %slice3A_137[0] : i32 from vector<1xi32>
    %ge3A_139 = arith.constant 0 : i32
    %ge3A_140 = arith.cmpi sge, %squeeze3A_138, %ge3A_139 : i32
    %convert_element_type3A_141 = arith.extui %ge3A_140 : i1 to i32
    %cond3A_142 = arith.constant 0 : i32
    %cond3A_143 = arith.cmpi ne, %convert_element_type3A_141, %cond3A_142 : i32
    scf.if %cond3A_143 {
      %run_scoped3A = arith.constant 0 : i32
      "tpu.region"() ({
        %run_scoped3A_263 = tpu.sem_alloc : memref<!tpu.dma_semaphore, #tpu.memory_space<semaphore_mem>>
        %dma_start3A_264 = arith.constant 0 : i32
        %dma_start3A_265 = tpu.memref_slice %arg10[%run_scoped3A, %dma_start3A_264] : memref<16x3072xf32, #tpu.memory_space<vmem>> -> memref<1x3072xf32, #tpu.memory_space<vmem>>
        %dma_start3A_266 = tpu.memref_squeeze %dma_start3A_265 : memref<1x3072xf32, #tpu.memory_space<vmem>> -> memref<3072xf32, #tpu.memory_space<vmem>>
        %dma_start3A_267 = arith.constant 0 : i32
        %dma_start3A_268 = tpu.memref_slice %arg3[%squeeze3A_138, %dma_start3A_267] : memref<4096x3072xf32, #tpu.memory_space<hbm>> -> memref<1x3072xf32, #tpu.memory_space<hbm>>
        %dma_start3A_269 = tpu.memref_squeeze %dma_start3A_268 : memref<1x3072xf32, #tpu.memory_space<hbm>> -> memref<3072xf32, #tpu.memory_space<hbm>>
        %dma_start3A_270 = arith.constant 0 : i32
        %dma_start3A_271 = tpu.memref_slice %arg10[%run_scoped3A, %dma_start3A_270] : memref<16x3072xf32, #tpu.memory_space<vmem>> -> memref<1x3072xf32, #tpu.memory_space<vmem>>
        %dma_start3A_272 = tpu.memref_squeeze %dma_start3A_271 : memref<1x3072xf32, #tpu.memory_space<vmem>> -> memref<3072xf32, #tpu.memory_space<vmem>>
        %dma_start3A_273 = arith.constant 0 : i32
        %dma_start3A_274 = tpu.memref_slice %arg3[%squeeze3A_138, %dma_start3A_273] : memref<4096x3072xf32, #tpu.memory_space<hbm>> -> memref<1x3072xf32, #tpu.memory_space<hbm>>
        %dma_start3A_275 = tpu.memref_squeeze %dma_start3A_274 : memref<1x3072xf32, #tpu.memory_space<hbm>> -> memref<3072xf32, #tpu.memory_space<hbm>>
        tpu.enqueue_dma source(%dma_start3A_275 : memref<3072xf32, #tpu.memory_space<hbm>>) target(%dma_start3A_272 : memref<3072xf32, #tpu.memory_space<vmem>>) target_semaphore(%run_scoped3A_263 : memref<!tpu.dma_semaphore, #tpu.memory_space<semaphore_mem>>)
        %dma_wait3A_276 = arith.constant 0 : i32
        %dma_wait3A_277 = tpu.memref_slice %arg10[%run_scoped3A, %dma_wait3A_276] : memref<16x3072xf32, #tpu.memory_space<vmem>> -> memref<1x3072xf32, #tpu.memory_space<vmem>>
        %dma_wait3A_278 = tpu.memref_squeeze %dma_wait3A_277 : memref<1x3072xf32, #tpu.memory_space<vmem>> -> memref<3072xf32, #tpu.memory_space<vmem>>
        %dma_wait3A_279 = arith.constant 0 : i32
        %dma_wait3A_280 = tpu.memref_slice %arg3[%squeeze3A_138, %dma_wait3A_279] : memref<4096x3072xf32, #tpu.memory_space<hbm>> -> memref<1x3072xf32, #tpu.memory_space<hbm>>
        %dma_wait3A_281 = tpu.memref_squeeze %dma_wait3A_280 : memref<1x3072xf32, #tpu.memory_space<hbm>> -> memref<3072xf32, #tpu.memory_space<hbm>>
        %dma_wait3A_282 = arith.constant 0 : i32
        %dma_wait3A_283 = tpu.memref_slice %arg10[%run_scoped3A, %dma_wait3A_282] : memref<16x3072xf32, #tpu.memory_space<vmem>> -> memref<1x3072xf32, #tpu.memory_space<vmem>>
        %dma_wait3A_284 = tpu.memref_squeeze %dma_wait3A_283 : memref<1x3072xf32, #tpu.memory_space<vmem>> -> memref<3072xf32, #tpu.memory_space<vmem>>
        %dma_wait3A_285 = arith.constant 0 : i32
        %dma_wait3A_286 = tpu.memref_slice %arg3[%squeeze3A_138, %dma_wait3A_285] : memref<4096x3072xf32, #tpu.memory_space<hbm>> -> memref<1x3072xf32, #tpu.memory_space<hbm>>
        %dma_wait3A_287 = tpu.memref_squeeze %dma_wait3A_286 : memref<1x3072xf32, #tpu.memory_space<hbm>> -> memref<3072xf32, #tpu.memory_space<hbm>>
        tpu.wait_dma2 semaphore(%run_scoped3A_263 : memref<!tpu.dma_semaphore, #tpu.memory_space<semaphore_mem>>) src(%dma_wait3A_287 : memref<3072xf32, #tpu.memory_space<hbm>>) dst(%dma_wait3A_284 : memref<3072xf32, #tpu.memory_space<vmem>>)
        tpu.yield
      }) : () -> ()
    } else {
    }
    %slice3A_144 = vector.extract_strided_slice %get3A_136 {offsets = [1], sizes = [1], strides = [1]} : vector<16xi32> to vector<1xi32>
    %squeeze3A_145 = vector.extract %slice3A_144[0] : i32 from vector<1xi32>
    %ge3A_146 = arith.constant 0 : i32
    %ge3A_147 = arith.cmpi sge, %squeeze3A_145, %ge3A_146 : i32
    %convert_element_type3A_148 = arith.extui %ge3A_147 : i1 to i32
    %cond3A_149 = arith.constant 0 : i32
    %cond3A_150 = arith.cmpi ne, %convert_element_type3A_148, %cond3A_149 : i32
    scf.if %cond3A_150 {
      %run_scoped3A = arith.constant 1 : i32
      "tpu.region"() ({
        %run_scoped3A_263 = tpu.sem_alloc : memref<!tpu.dma_semaphore, #tpu.memory_space<semaphore_mem>>
        %dma_start3A_264 = arith.constant 0 : i32
        %dma_start3A_265 = tpu.memref_slice %arg10[%run_scoped3A, %dma_start3A_264] : memref<16x3072xf32, #tpu.memory_space<vmem>> -> memref<1x3072xf32, #tpu.memory_space<vmem>>
        %dma_start3A_266 = tpu.memref_squeeze %dma_start3A_265 : memref<1x3072xf32, #tpu.memory_space<vmem>> -> memref<3072xf32, #tpu.memory_space<vmem>>
        %dma_start3A_267 = arith.constant 0 : i32
        %dma_start3A_268 = tpu.memref_slice %arg3[%squeeze3A_145, %dma_start3A_267] : memref<4096x3072xf32, #tpu.memory_space<hbm>> -> memref<1x3072xf32, #tpu.memory_space<hbm>>
        %dma_start3A_269 = tpu.memref_squeeze %dma_start3A_268 : memref<1x3072xf32, #tpu.memory_space<hbm>> -> memref<3072xf32, #tpu.memory_space<hbm>>
        %dma_start3A_270 = arith.constant 0 : i32
        %dma_start3A_271 = tpu.memref_slice %arg10[%run_scoped3A, %dma_start3A_270] : memref<16x3072xf32, #tpu.memory_space<vmem>> -> memref<1x3072xf32, #tpu.memory_space<vmem>>
        %dma_start3A_272 = tpu.memref_squeeze %dma_start3A_271 : memref<1x3072xf32, #tpu.memory_space<vmem>> -> memref<3072xf32, #tpu.memory_space<vmem>>
        %dma_start3A_273 = arith.constant 0 : i32
        %dma_start3A_274 = tpu.memref_slice %arg3[%squeeze3A_145, %dma_start3A_273] : memref<4096x3072xf32, #tpu.memory_space<hbm>> -> memref<1x3072xf32, #tpu.memory_space<hbm>>
        %dma_start3A_275 = tpu.memref_squeeze %dma_start3A_274 : memref<1x3072xf32, #tpu.memory_space<hbm>> -> memref<3072xf32, #tpu.memory_space<hbm>>
        tpu.enqueue_dma source(%dma_start3A_275 : memref<3072xf32, #tpu.memory_space<hbm>>) target(%dma_start3A_272 : memref<3072xf32, #tpu.memory_space<vmem>>) target_semaphore(%run_scoped3A_263 : memref<!tpu.dma_semaphore, #tpu.memory_space<semaphore_mem>>)
        %dma_wait3A_276 = arith.constant 0 : i32
        %dma_wait3A_277 = tpu.memref_slice %arg10[%run_scoped3A, %dma_wait3A_276] : memref<16x3072xf32, #tpu.memory_space<vmem>> -> memref<1x3072xf32, #tpu.memory_space<vmem>>
        %dma_wait3A_278 = tpu.memref_squeeze %dma_wait3A_277 : memref<1x3072xf32, #tpu.memory_space<vmem>> -> memref<3072xf32, #tpu.memory_space<vmem>>
        %dma_wait3A_279 = arith.constant 0 : i32
        %dma_wait3A_280 = tpu.memref_slice %arg3[%squeeze3A_145, %dma_wait3A_279] : memref<4096x3072xf32, #tpu.memory_space<hbm>> -> memref<1x3072xf32, #tpu.memory_space<hbm>>
        %dma_wait3A_281 = tpu.memref_squeeze %dma_wait3A_280 : memref<1x3072xf32, #tpu.memory_space<hbm>> -> memref<3072xf32, #tpu.memory_space<hbm>>
        %dma_wait3A_282 = arith.constant 0 : i32
        %dma_wait3A_283 = tpu.memref_slice %arg10[%run_scoped3A, %dma_wait3A_282] : memref<16x3072xf32, #tpu.memory_space<vmem>> -> memref<1x3072xf32, #tpu.memory_space<vmem>>
        %dma_wait3A_284 = tpu.memref_squeeze %dma_wait3A_283 : memref<1x3072xf32, #tpu.memory_space<vmem>> -> memref<3072xf32, #tpu.memory_space<vmem>>
        %dma_wait3A_285 = arith.constant 0 : i32
        %dma_wait3A_286 = tpu.memref_slice %arg3[%squeeze3A_145, %dma_wait3A_285] : memref<4096x3072xf32, #tpu.memory_space<hbm>> -> memref<1x3072xf32, #tpu.memory_space<hbm>>
        %dma_wait3A_287 = tpu.memref_squeeze %dma_wait3A_286 : memref<1x3072xf32, #tpu.memory_space<hbm>> -> memref<3072xf32, #tpu.memory_space<hbm>>
        tpu.wait_dma2 semaphore(%run_scoped3A_263 : memref<!tpu.dma_semaphore, #tpu.memory_space<semaphore_mem>>) src(%dma_wait3A_287 : memref<3072xf32, #tpu.memory_space<hbm>>) dst(%dma_wait3A_284 : memref<3072xf32, #tpu.memory_space<vmem>>)
        tpu.yield
      }) : () -> ()
    } else {
    }
    %slice3A_151 = vector.extract_strided_slice %get3A_136 {offsets = [2], sizes = [1], strides = [1]} : vector<16xi32> to vector<1xi32>
    %squeeze3A_152 = vector.extract %slice3A_151[0] : i32 from vector<1xi32>
    %ge3A_153 = arith.constant 0 : i32
    %ge3A_154 = arith.cmpi sge, %squeeze3A_152, %ge3A_153 : i32
    %convert_element_type3A_155 = arith.extui %ge3A_154 : i1 to i32
    %cond3A_156 = arith.constant 0 : i32
    %cond3A_157 = arith.cmpi ne, %convert_element_type3A_155, %cond3A_156 : i32
    scf.if %cond3A_157 {
      %run_scoped3A = arith.constant 2 : i32
      "tpu.region"() ({
        %run_scoped3A_263 = tpu.sem_alloc : memref<!tpu.dma_semaphore, #tpu.memory_space<semaphore_mem>>
        %dma_start3A_264 = arith.constant 0 : i32
        %dma_start3A_265 = tpu.memref_slice %arg10[%run_scoped3A, %dma_start3A_264] : memref<16x3072xf32, #tpu.memory_space<vmem>> -> memref<1x3072xf32, #tpu.memory_space<vmem>>
        %dma_start3A_266 = tpu.memref_squeeze %dma_start3A_265 : memref<1x3072xf32, #tpu.memory_space<vmem>> -> memref<3072xf32, #tpu.memory_space<vmem>>
        %dma_start3A_267 = arith.constant 0 : i32
        %dma_start3A_268 = tpu.memref_slice %arg3[%squeeze3A_152, %dma_start3A_267] : memref<4096x3072xf32, #tpu.memory_space<hbm>> -> memref<1x3072xf32, #tpu.memory_space<hbm>>
        %dma_start3A_269 = tpu.memref_squeeze %dma_start3A_268 : memref<1x3072xf32, #tpu.memory_space<hbm>> -> memref<3072xf32, #tpu.memory_space<hbm>>
        %dma_start3A_270 = arith.constant 0 : i32
        %dma_start3A_271 = tpu.memref_slice %arg10[%run_scoped3A, %dma_start3A_270] : memref<16x3072xf32, #tpu.memory_space<vmem>> -> memref<1x3072xf32, #tpu.memory_space<vmem>>
        %dma_start3A_272 = tpu.memref_squeeze %dma_start3A_271 : memref<1x3072xf32, #tpu.memory_space<vmem>> -> memref<3072xf32, #tpu.memory_space<vmem>>
        %dma_start3A_273 = arith.constant 0 : i32
        %dma_start3A_274 = tpu.memref_slice %arg3[%squeeze3A_152, %dma_start3A_273] : memref<4096x3072xf32, #tpu.memory_space<hbm>> -> memref<1x3072xf32, #tpu.memory_space<hbm>>
        %dma_start3A_275 = tpu.memref_squeeze %dma_start3A_274 : memref<1x3072xf32, #tpu.memory_space<hbm>> -> memref<3072xf32, #tpu.memory_space<hbm>>
        tpu.enqueue_dma source(%dma_start3A_275 : memref<3072xf32, #tpu.memory_space<hbm>>) target(%dma_start3A_272 : memref<3072xf32, #tpu.memory_space<vmem>>) target_semaphore(%run_scoped3A_263 : memref<!tpu.dma_semaphore, #tpu.memory_space<semaphore_mem>>)
        %dma_wait3A_276 = arith.constant 0 : i32
        %dma_wait3A_277 = tpu.memref_slice %arg10[%run_scoped3A, %dma_wait3A_276] : memref<16x3072xf32, #tpu.memory_space<vmem>> -> memref<1x3072xf32, #tpu.memory_space<vmem>>
        %dma_wait3A_278 = tpu.memref_squeeze %dma_wait3A_277 : memref<1x3072xf32, #tpu.memory_space<vmem>> -> memref<3072xf32, #tpu.memory_space<vmem>>
        %dma_wait3A_279 = arith.constant 0 : i32
        %dma_wait3A_280 = tpu.memref_slice %arg3[%squeeze3A_152, %dma_wait3A_279] : memref<4096x3072xf32, #tpu.memory_space<hbm>> -> memref<1x3072xf32, #tpu.memory_space<hbm>>
        %dma_wait3A_281 = tpu.memref_squeeze %dma_wait3A_280 : memref<1x3072xf32, #tpu.memory_space<hbm>> -> memref<3072xf32, #tpu.memory_space<hbm>>
        %dma_wait3A_282 = arith.constant 0 : i32
        %dma_wait3A_283 = tpu.memref_slice %arg10[%run_scoped3A, %dma_wait3A_282] : memref<16x3072xf32, #tpu.memory_space<vmem>> -> memref<1x3072xf32, #tpu.memory_space<vmem>>
        %dma_wait3A_284 = tpu.memref_squeeze %dma_wait3A_283 : memref<1x3072xf32, #tpu.memory_space<vmem>> -> memref<3072xf32, #tpu.memory_space<vmem>>
        %dma_wait3A_285 = arith.constant 0 : i32
        %dma_wait3A_286 = tpu.memref_slice %arg3[%squeeze3A_152, %dma_wait3A_285] : memref<4096x3072xf32, #tpu.memory_space<hbm>> -> memref<1x3072xf32, #tpu.memory_space<hbm>>
        %dma_wait3A_287 = tpu.memref_squeeze %dma_wait3A_286 : memref<1x3072xf32, #tpu.memory_space<hbm>> -> memref<3072xf32, #tpu.memory_space<hbm>>
        tpu.wait_dma2 semaphore(%run_scoped3A_263 : memref<!tpu.dma_semaphore, #tpu.memory_space<semaphore_mem>>) src(%dma_wait3A_287 : memref<3072xf32, #tpu.memory_space<hbm>>) dst(%dma_wait3A_284 : memref<3072xf32, #tpu.memory_space<vmem>>)
        tpu.yield
      }) : () -> ()
    } else {
    }
    %slice3A_158 = vector.extract_strided_slice %get3A_136 {offsets = [3], sizes = [1], strides = [1]} : vector<16xi32> to vector<1xi32>
    %squeeze3A_159 = vector.extract %slice3A_158[0] : i32 from vector<1xi32>
    %ge3A_160 = arith.constant 0 : i32
    %ge3A_161 = arith.cmpi sge, %squeeze3A_159, %ge3A_160 : i32
    %convert_element_type3A_162 = arith.extui %ge3A_161 : i1 to i32
    %cond3A_163 = arith.constant 0 : i32
    %cond3A_164 = arith.cmpi ne, %convert_element_type3A_162, %cond3A_163 : i32
    scf.if %cond3A_164 {
      %run_scoped3A = arith.constant 3 : i32
      "tpu.region"() ({
        %run_scoped3A_263 = tpu.sem_alloc : memref<!tpu.dma_semaphore, #tpu.memory_space<semaphore_mem>>
        %dma_start3A_264 = arith.constant 0 : i32
        %dma_start3A_265 = tpu.memref_slice %arg10[%run_scoped3A, %dma_start3A_264] : memref<16x3072xf32, #tpu.memory_space<vmem>> -> memref<1x3072xf32, #tpu.memory_space<vmem>>
        %dma_start3A_266 = tpu.memref_squeeze %dma_start3A_265 : memref<1x3072xf32, #tpu.memory_space<vmem>> -> memref<3072xf32, #tpu.memory_space<vmem>>
        %dma_start3A_267 = arith.constant 0 : i32
        %dma_start3A_268 = tpu.memref_slice %arg3[%squeeze3A_159, %dma_start3A_267] : memref<4096x3072xf32, #tpu.memory_space<hbm>> -> memref<1x3072xf32, #tpu.memory_space<hbm>>
        %dma_start3A_269 = tpu.memref_squeeze %dma_start3A_268 : memref<1x3072xf32, #tpu.memory_space<hbm>> -> memref<3072xf32, #tpu.memory_space<hbm>>
        %dma_start3A_270 = arith.constant 0 : i32
        %dma_start3A_271 = tpu.memref_slice %arg10[%run_scoped3A, %dma_start3A_270] : memref<16x3072xf32, #tpu.memory_space<vmem>> -> memref<1x3072xf32, #tpu.memory_space<vmem>>
        %dma_start3A_272 = tpu.memref_squeeze %dma_start3A_271 : memref<1x3072xf32, #tpu.memory_space<vmem>> -> memref<3072xf32, #tpu.memory_space<vmem>>
        %dma_start3A_273 = arith.constant 0 : i32
        %dma_start3A_274 = tpu.memref_slice %arg3[%squeeze3A_159, %dma_start3A_273] : memref<4096x3072xf32, #tpu.memory_space<hbm>> -> memref<1x3072xf32, #tpu.memory_space<hbm>>
        %dma_start3A_275 = tpu.memref_squeeze %dma_start3A_274 : memref<1x3072xf32, #tpu.memory_space<hbm>> -> memref<3072xf32, #tpu.memory_space<hbm>>
        tpu.enqueue_dma source(%dma_start3A_275 : memref<3072xf32, #tpu.memory_space<hbm>>) target(%dma_start3A_272 : memref<3072xf32, #tpu.memory_space<vmem>>) target_semaphore(%run_scoped3A_263 : memref<!tpu.dma_semaphore, #tpu.memory_space<semaphore_mem>>)
        %dma_wait3A_276 = arith.constant 0 : i32
        %dma_wait3A_277 = tpu.memref_slice %arg10[%run_scoped3A, %dma_wait3A_276] : memref<16x3072xf32, #tpu.memory_space<vmem>> -> memref<1x3072xf32, #tpu.memory_space<vmem>>
        %dma_wait3A_278 = tpu.memref_squeeze %dma_wait3A_277 : memref<1x3072xf32, #tpu.memory_space<vmem>> -> memref<3072xf32, #tpu.memory_space<vmem>>
        %dma_wait3A_279 = arith.constant 0 : i32
        %dma_wait3A_280 = tpu.memref_slice %arg3[%squeeze3A_159, %dma_wait3A_279] : memref<4096x3072xf32, #tpu.memory_space<hbm>> -> memref<1x3072xf32, #tpu.memory_space<hbm>>
        %dma_wait3A_281 = tpu.memref_squeeze %dma_wait3A_280 : memref<1x3072xf32, #tpu.memory_space<hbm>> -> memref<3072xf32, #tpu.memory_space<hbm>>
        %dma_wait3A_282 = arith.constant 0 : i32
        %dma_wait3A_283 = tpu.memref_slice %arg10[%run_scoped3A, %dma_wait3A_282] : memref<16x3072xf32, #tpu.memory_space<vmem>> -> memref<1x3072xf32, #tpu.memory_space<vmem>>
        %dma_wait3A_284 = tpu.memref_squeeze %dma_wait3A_283 : memref<1x3072xf32, #tpu.memory_space<vmem>> -> memref<3072xf32, #tpu.memory_space<vmem>>
        %dma_wait3A_285 = arith.constant 0 : i32
        %dma_wait3A_286 = tpu.memref_slice %arg3[%squeeze3A_159, %dma_wait3A_285] : memref<4096x3072xf32, #tpu.memory_space<hbm>> -> memref<1x3072xf32, #tpu.memory_space<hbm>>
        %dma_wait3A_287 = tpu.memref_squeeze %dma_wait3A_286 : memref<1x3072xf32, #tpu.memory_space<hbm>> -> memref<3072xf32, #tpu.memory_space<hbm>>
        tpu.wait_dma2 semaphore(%run_scoped3A_263 : memref<!tpu.dma_semaphore, #tpu.memory_space<semaphore_mem>>) src(%dma_wait3A_287 : memref<3072xf32, #tpu.memory_space<hbm>>) dst(%dma_wait3A_284 : memref<3072xf32, #tpu.memory_space<vmem>>)
        tpu.yield
      }) : () -> ()
    } else {
    }
    %slice3A_165 = vector.extract_strided_slice %get3A_136 {offsets = [4], sizes = [1], strides = [1]} : vector<16xi32> to vector<1xi32>
    %squeeze3A_166 = vector.extract %slice3A_165[0] : i32 from vector<1xi32>
    %ge3A_167 = arith.constant 0 : i32
    %ge3A_168 = arith.cmpi sge, %squeeze3A_166, %ge3A_167 : i32
    %convert_element_type3A_169 = arith.extui %ge3A_168 : i1 to i32
    %cond3A_170 = arith.constant 0 : i32
    %cond3A_171 = arith.cmpi ne, %convert_element_type3A_169, %cond3A_170 : i32
    scf.if %cond3A_171 {
      %run_scoped3A = arith.constant 4 : i32
      "tpu.region"() ({
        %run_scoped3A_263 = tpu.sem_alloc : memref<!tpu.dma_semaphore, #tpu.memory_space<semaphore_mem>>
        %dma_start3A_264 = arith.constant 0 : i32
        %dma_start3A_265 = tpu.memref_slice %arg10[%run_scoped3A, %dma_start3A_264] : memref<16x3072xf32, #tpu.memory_space<vmem>> -> memref<1x3072xf32, #tpu.memory_space<vmem>>
        %dma_start3A_266 = tpu.memref_squeeze %dma_start3A_265 : memref<1x3072xf32, #tpu.memory_space<vmem>> -> memref<3072xf32, #tpu.memory_space<vmem>>
        %dma_start3A_267 = arith.constant 0 : i32
        %dma_start3A_268 = tpu.memref_slice %arg3[%squeeze3A_166, %dma_start3A_267] : memref<4096x3072xf32, #tpu.memory_space<hbm>> -> memref<1x3072xf32, #tpu.memory_space<hbm>>
        %dma_start3A_269 = tpu.memref_squeeze %dma_start3A_268 : memref<1x3072xf32, #tpu.memory_space<hbm>> -> memref<3072xf32, #tpu.memory_space<hbm>>
        %dma_start3A_270 = arith.constant 0 : i32
        %dma_start3A_271 = tpu.memref_slice %arg10[%run_scoped3A, %dma_start3A_270] : memref<16x3072xf32, #tpu.memory_space<vmem>> -> memref<1x3072xf32, #tpu.memory_space<vmem>>
        %dma_start3A_272 = tpu.memref_squeeze %dma_start3A_271 : memref<1x3072xf32, #tpu.memory_space<vmem>> -> memref<3072xf32, #tpu.memory_space<vmem>>
        %dma_start3A_273 = arith.constant 0 : i32
        %dma_start3A_274 = tpu.memref_slice %arg3[%squeeze3A_166, %dma_start3A_273] : memref<4096x3072xf32, #tpu.memory_space<hbm>> -> memref<1x3072xf32, #tpu.memory_space<hbm>>
        %dma_start3A_275 = tpu.memref_squeeze %dma_start3A_274 : memref<1x3072xf32, #tpu.memory_space<hbm>> -> memref<3072xf32, #tpu.memory_space<hbm>>
        tpu.enqueue_dma source(%dma_start3A_275 : memref<3072xf32, #tpu.memory_space<hbm>>) target(%dma_start3A_272 : memref<3072xf32, #tpu.memory_space<vmem>>) target_semaphore(%run_scoped3A_263 : memref<!tpu.dma_semaphore, #tpu.memory_space<semaphore_mem>>)
        %dma_wait3A_276 = arith.constant 0 : i32
        %dma_wait3A_277 = tpu.memref_slice %arg10[%run_scoped3A, %dma_wait3A_276] : memref<16x3072xf32, #tpu.memory_space<vmem>> -> memref<1x3072xf32, #tpu.memory_space<vmem>>
        %dma_wait3A_278 = tpu.memref_squeeze %dma_wait3A_277 : memref<1x3072xf32, #tpu.memory_space<vmem>> -> memref<3072xf32, #tpu.memory_space<vmem>>
        %dma_wait3A_279 = arith.constant 0 : i32
        %dma_wait3A_280 = tpu.memref_slice %arg3[%squeeze3A_166, %dma_wait3A_279] : memref<4096x3072xf32, #tpu.memory_space<hbm>> -> memref<1x3072xf32, #tpu.memory_space<hbm>>
        %dma_wait3A_281 = tpu.memref_squeeze %dma_wait3A_280 : memref<1x3072xf32, #tpu.memory_space<hbm>> -> memref<3072xf32, #tpu.memory_space<hbm>>
        %dma_wait3A_282 = arith.constant 0 : i32
        %dma_wait3A_283 = tpu.memref_slice %arg10[%run_scoped3A, %dma_wait3A_282] : memref<16x3072xf32, #tpu.memory_space<vmem>> -> memref<1x3072xf32, #tpu.memory_space<vmem>>
        %dma_wait3A_284 = tpu.memref_squeeze %dma_wait3A_283 : memref<1x3072xf32, #tpu.memory_space<vmem>> -> memref<3072xf32, #tpu.memory_space<vmem>>
        %dma_wait3A_285 = arith.constant 0 : i32
        %dma_wait3A_286 = tpu.memref_slice %arg3[%squeeze3A_166, %dma_wait3A_285] : memref<4096x3072xf32, #tpu.memory_space<hbm>> -> memref<1x3072xf32, #tpu.memory_space<hbm>>
        %dma_wait3A_287 = tpu.memref_squeeze %dma_wait3A_286 : memref<1x3072xf32, #tpu.memory_space<hbm>> -> memref<3072xf32, #tpu.memory_space<hbm>>
        tpu.wait_dma2 semaphore(%run_scoped3A_263 : memref<!tpu.dma_semaphore, #tpu.memory_space<semaphore_mem>>) src(%dma_wait3A_287 : memref<3072xf32, #tpu.memory_space<hbm>>) dst(%dma_wait3A_284 : memref<3072xf32, #tpu.memory_space<vmem>>)
        tpu.yield
      }) : () -> ()
    } else {
    }
    %slice3A_172 = vector.extract_strided_slice %get3A_136 {offsets = [5], sizes = [1], strides = [1]} : vector<16xi32> to vector<1xi32>
    %squeeze3A_173 = vector.extract %slice3A_172[0] : i32 from vector<1xi32>
    %ge3A_174 = arith.constant 0 : i32
    %ge3A_175 = arith.cmpi sge, %squeeze3A_173, %ge3A_174 : i32
    %convert_element_type3A_176 = arith.extui %ge3A_175 : i1 to i32
    %cond3A_177 = arith.constant 0 : i32
    %cond3A_178 = arith.cmpi ne, %convert_element_type3A_176, %cond3A_177 : i32
    scf.if %cond3A_178 {
      %run_scoped3A = arith.constant 5 : i32
      "tpu.region"() ({
        %run_scoped3A_263 = tpu.sem_alloc : memref<!tpu.dma_semaphore, #tpu.memory_space<semaphore_mem>>
        %dma_start3A_264 = arith.constant 0 : i32
        %dma_start3A_265 = tpu.memref_slice %arg10[%run_scoped3A, %dma_start3A_264] : memref<16x3072xf32, #tpu.memory_space<vmem>> -> memref<1x3072xf32, #tpu.memory_space<vmem>>
        %dma_start3A_266 = tpu.memref_squeeze %dma_start3A_265 : memref<1x3072xf32, #tpu.memory_space<vmem>> -> memref<3072xf32, #tpu.memory_space<vmem>>
        %dma_start3A_267 = arith.constant 0 : i32
        %dma_start3A_268 = tpu.memref_slice %arg3[%squeeze3A_173, %dma_start3A_267] : memref<4096x3072xf32, #tpu.memory_space<hbm>> -> memref<1x3072xf32, #tpu.memory_space<hbm>>
        %dma_start3A_269 = tpu.memref_squeeze %dma_start3A_268 : memref<1x3072xf32, #tpu.memory_space<hbm>> -> memref<3072xf32, #tpu.memory_space<hbm>>
        %dma_start3A_270 = arith.constant 0 : i32
        %dma_start3A_271 = tpu.memref_slice %arg10[%run_scoped3A, %dma_start3A_270] : memref<16x3072xf32, #tpu.memory_space<vmem>> -> memref<1x3072xf32, #tpu.memory_space<vmem>>
        %dma_start3A_272 = tpu.memref_squeeze %dma_start3A_271 : memref<1x3072xf32, #tpu.memory_space<vmem>> -> memref<3072xf32, #tpu.memory_space<vmem>>
        %dma_start3A_273 = arith.constant 0 : i32
        %dma_start3A_274 = tpu.memref_slice %arg3[%squeeze3A_173, %dma_start3A_273] : memref<4096x3072xf32, #tpu.memory_space<hbm>> -> memref<1x3072xf32, #tpu.memory_space<hbm>>
        %dma_start3A_275 = tpu.memref_squeeze %dma_start3A_274 : memref<1x3072xf32, #tpu.memory_space<hbm>> -> memref<3072xf32, #tpu.memory_space<hbm>>
        tpu.enqueue_dma source(%dma_start3A_275 : memref<3072xf32, #tpu.memory_space<hbm>>) target(%dma_start3A_272 : memref<3072xf32, #tpu.memory_space<vmem>>) target_semaphore(%run_scoped3A_263 : memref<!tpu.dma_semaphore, #tpu.memory_space<semaphore_mem>>)
        %dma_wait3A_276 = arith.constant 0 : i32
        %dma_wait3A_277 = tpu.memref_slice %arg10[%run_scoped3A, %dma_wait3A_276] : memref<16x3072xf32, #tpu.memory_space<vmem>> -> memref<1x3072xf32, #tpu.memory_space<vmem>>
        %dma_wait3A_278 = tpu.memref_squeeze %dma_wait3A_277 : memref<1x3072xf32, #tpu.memory_space<vmem>> -> memref<3072xf32, #tpu.memory_space<vmem>>
        %dma_wait3A_279 = arith.constant 0 : i32
        %dma_wait3A_280 = tpu.memref_slice %arg3[%squeeze3A_173, %dma_wait3A_279] : memref<4096x3072xf32, #tpu.memory_space<hbm>> -> memref<1x3072xf32, #tpu.memory_space<hbm>>
        %dma_wait3A_281 = tpu.memref_squeeze %dma_wait3A_280 : memref<1x3072xf32, #tpu.memory_space<hbm>> -> memref<3072xf32, #tpu.memory_space<hbm>>
        %dma_wait3A_282 = arith.constant 0 : i32
        %dma_wait3A_283 = tpu.memref_slice %arg10[%run_scoped3A, %dma_wait3A_282] : memref<16x3072xf32, #tpu.memory_space<vmem>> -> memref<1x3072xf32, #tpu.memory_space<vmem>>
        %dma_wait3A_284 = tpu.memref_squeeze %dma_wait3A_283 : memref<1x3072xf32, #tpu.memory_space<vmem>> -> memref<3072xf32, #tpu.memory_space<vmem>>
        %dma_wait3A_285 = arith.constant 0 : i32
        %dma_wait3A_286 = tpu.memref_slice %arg3[%squeeze3A_173, %dma_wait3A_285] : memref<4096x3072xf32, #tpu.memory_space<hbm>> -> memref<1x3072xf32, #tpu.memory_space<hbm>>
        %dma_wait3A_287 = tpu.memref_squeeze %dma_wait3A_286 : memref<1x3072xf32, #tpu.memory_space<hbm>> -> memref<3072xf32, #tpu.memory_space<hbm>>
        tpu.wait_dma2 semaphore(%run_scoped3A_263 : memref<!tpu.dma_semaphore, #tpu.memory_space<semaphore_mem>>) src(%dma_wait3A_287 : memref<3072xf32, #tpu.memory_space<hbm>>) dst(%dma_wait3A_284 : memref<3072xf32, #tpu.memory_space<vmem>>)
        tpu.yield
      }) : () -> ()
    } else {
    }
    %slice3A_179 = vector.extract_strided_slice %get3A_136 {offsets = [6], sizes = [1], strides = [1]} : vector<16xi32> to vector<1xi32>
    %squeeze3A_180 = vector.extract %slice3A_179[0] : i32 from vector<1xi32>
    %ge3A_181 = arith.constant 0 : i32
    %ge3A_182 = arith.cmpi sge, %squeeze3A_180, %ge3A_181 : i32
    %convert_element_type3A_183 = arith.extui %ge3A_182 : i1 to i32
    %cond3A_184 = arith.constant 0 : i32
    %cond3A_185 = arith.cmpi ne, %convert_element_type3A_183, %cond3A_184 : i32
    scf.if %cond3A_185 {
      %run_scoped3A = arith.constant 6 : i32
      "tpu.region"() ({
        %run_scoped3A_263 = tpu.sem_alloc : memref<!tpu.dma_semaphore, #tpu.memory_space<semaphore_mem>>
        %dma_start3A_264 = arith.constant 0 : i32
        %dma_start3A_265 = tpu.memref_slice %arg10[%run_scoped3A, %dma_start3A_264] : memref<16x3072xf32, #tpu.memory_space<vmem>> -> memref<1x3072xf32, #tpu.memory_space<vmem>>
        %dma_start3A_266 = tpu.memref_squeeze %dma_start3A_265 : memref<1x3072xf32, #tpu.memory_space<vmem>> -> memref<3072xf32, #tpu.memory_space<vmem>>
        %dma_start3A_267 = arith.constant 0 : i32
        %dma_start3A_268 = tpu.memref_slice %arg3[%squeeze3A_180, %dma_start3A_267] : memref<4096x3072xf32, #tpu.memory_space<hbm>> -> memref<1x3072xf32, #tpu.memory_space<hbm>>
        %dma_start3A_269 = tpu.memref_squeeze %dma_start3A_268 : memref<1x3072xf32, #tpu.memory_space<hbm>> -> memref<3072xf32, #tpu.memory_space<hbm>>
        %dma_start3A_270 = arith.constant 0 : i32
        %dma_start3A_271 = tpu.memref_slice %arg10[%run_scoped3A, %dma_start3A_270] : memref<16x3072xf32, #tpu.memory_space<vmem>> -> memref<1x3072xf32, #tpu.memory_space<vmem>>
        %dma_start3A_272 = tpu.memref_squeeze %dma_start3A_271 : memref<1x3072xf32, #tpu.memory_space<vmem>> -> memref<3072xf32, #tpu.memory_space<vmem>>
        %dma_start3A_273 = arith.constant 0 : i32
        %dma_start3A_274 = tpu.memref_slice %arg3[%squeeze3A_180, %dma_start3A_273] : memref<4096x3072xf32, #tpu.memory_space<hbm>> -> memref<1x3072xf32, #tpu.memory_space<hbm>>
        %dma_start3A_275 = tpu.memref_squeeze %dma_start3A_274 : memref<1x3072xf32, #tpu.memory_space<hbm>> -> memref<3072xf32, #tpu.memory_space<hbm>>
        tpu.enqueue_dma source(%dma_start3A_275 : memref<3072xf32, #tpu.memory_space<hbm>>) target(%dma_start3A_272 : memref<3072xf32, #tpu.memory_space<vmem>>) target_semaphore(%run_scoped3A_263 : memref<!tpu.dma_semaphore, #tpu.memory_space<semaphore_mem>>)
        %dma_wait3A_276 = arith.constant 0 : i32
        %dma_wait3A_277 = tpu.memref_slice %arg10[%run_scoped3A, %dma_wait3A_276] : memref<16x3072xf32, #tpu.memory_space<vmem>> -> memref<1x3072xf32, #tpu.memory_space<vmem>>
        %dma_wait3A_278 = tpu.memref_squeeze %dma_wait3A_277 : memref<1x3072xf32, #tpu.memory_space<vmem>> -> memref<3072xf32, #tpu.memory_space<vmem>>
        %dma_wait3A_279 = arith.constant 0 : i32
        %dma_wait3A_280 = tpu.memref_slice %arg3[%squeeze3A_180, %dma_wait3A_279] : memref<4096x3072xf32, #tpu.memory_space<hbm>> -> memref<1x3072xf32, #tpu.memory_space<hbm>>
        %dma_wait3A_281 = tpu.memref_squeeze %dma_wait3A_280 : memref<1x3072xf32, #tpu.memory_space<hbm>> -> memref<3072xf32, #tpu.memory_space<hbm>>
        %dma_wait3A_282 = arith.constant 0 : i32
        %dma_wait3A_283 = tpu.memref_slice %arg10[%run_scoped3A, %dma_wait3A_282] : memref<16x3072xf32, #tpu.memory_space<vmem>> -> memref<1x3072xf32, #tpu.memory_space<vmem>>
        %dma_wait3A_284 = tpu.memref_squeeze %dma_wait3A_283 : memref<1x3072xf32, #tpu.memory_space<vmem>> -> memref<3072xf32, #tpu.memory_space<vmem>>
        %dma_wait3A_285 = arith.constant 0 : i32
        %dma_wait3A_286 = tpu.memref_slice %arg3[%squeeze3A_180, %dma_wait3A_285] : memref<4096x3072xf32, #tpu.memory_space<hbm>> -> memref<1x3072xf32, #tpu.memory_space<hbm>>
        %dma_wait3A_287 = tpu.memref_squeeze %dma_wait3A_286 : memref<1x3072xf32, #tpu.memory_space<hbm>> -> memref<3072xf32, #tpu.memory_space<hbm>>
        tpu.wait_dma2 semaphore(%run_scoped3A_263 : memref<!tpu.dma_semaphore, #tpu.memory_space<semaphore_mem>>) src(%dma_wait3A_287 : memref<3072xf32, #tpu.memory_space<hbm>>) dst(%dma_wait3A_284 : memref<3072xf32, #tpu.memory_space<vmem>>)
        tpu.yield
      }) : () -> ()
    } else {
    }
    %slice3A_186 = vector.extract_strided_slice %get3A_136 {offsets = [7], sizes = [1], strides = [1]} : vector<16xi32> to vector<1xi32>
    %squeeze3A_187 = vector.extract %slice3A_186[0] : i32 from vector<1xi32>
    %ge3A_188 = arith.constant 0 : i32
    %ge3A_189 = arith.cmpi sge, %squeeze3A_187, %ge3A_188 : i32
    %convert_element_type3A_190 = arith.extui %ge3A_189 : i1 to i32
    %cond3A_191 = arith.constant 0 : i32
    %cond3A_192 = arith.cmpi ne, %convert_element_type3A_190, %cond3A_191 : i32
    scf.if %cond3A_192 {
      %run_scoped3A = arith.constant 7 : i32
      "tpu.region"() ({
        %run_scoped3A_263 = tpu.sem_alloc : memref<!tpu.dma_semaphore, #tpu.memory_space<semaphore_mem>>
        %dma_start3A_264 = arith.constant 0 : i32
        %dma_start3A_265 = tpu.memref_slice %arg10[%run_scoped3A, %dma_start3A_264] : memref<16x3072xf32, #tpu.memory_space<vmem>> -> memref<1x3072xf32, #tpu.memory_space<vmem>>
        %dma_start3A_266 = tpu.memref_squeeze %dma_start3A_265 : memref<1x3072xf32, #tpu.memory_space<vmem>> -> memref<3072xf32, #tpu.memory_space<vmem>>
        %dma_start3A_267 = arith.constant 0 : i32
        %dma_start3A_268 = tpu.memref_slice %arg3[%squeeze3A_187, %dma_start3A_267] : memref<4096x3072xf32, #tpu.memory_space<hbm>> -> memref<1x3072xf32, #tpu.memory_space<hbm>>
        %dma_start3A_269 = tpu.memref_squeeze %dma_start3A_268 : memref<1x3072xf32, #tpu.memory_space<hbm>> -> memref<3072xf32, #tpu.memory_space<hbm>>
        %dma_start3A_270 = arith.constant 0 : i32
        %dma_start3A_271 = tpu.memref_slice %arg10[%run_scoped3A, %dma_start3A_270] : memref<16x3072xf32, #tpu.memory_space<vmem>> -> memref<1x3072xf32, #tpu.memory_space<vmem>>
        %dma_start3A_272 = tpu.memref_squeeze %dma_start3A_271 : memref<1x3072xf32, #tpu.memory_space<vmem>> -> memref<3072xf32, #tpu.memory_space<vmem>>
        %dma_start3A_273 = arith.constant 0 : i32
        %dma_start3A_274 = tpu.memref_slice %arg3[%squeeze3A_187, %dma_start3A_273] : memref<4096x3072xf32, #tpu.memory_space<hbm>> -> memref<1x3072xf32, #tpu.memory_space<hbm>>
        %dma_start3A_275 = tpu.memref_squeeze %dma_start3A_274 : memref<1x3072xf32, #tpu.memory_space<hbm>> -> memref<3072xf32, #tpu.memory_space<hbm>>
        tpu.enqueue_dma source(%dma_start3A_275 : memref<3072xf32, #tpu.memory_space<hbm>>) target(%dma_start3A_272 : memref<3072xf32, #tpu.memory_space<vmem>>) target_semaphore(%run_scoped3A_263 : memref<!tpu.dma_semaphore, #tpu.memory_space<semaphore_mem>>)
        %dma_wait3A_276 = arith.constant 0 : i32
        %dma_wait3A_277 = tpu.memref_slice %arg10[%run_scoped3A, %dma_wait3A_276] : memref<16x3072xf32, #tpu.memory_space<vmem>> -> memref<1x3072xf32, #tpu.memory_space<vmem>>
        %dma_wait3A_278 = tpu.memref_squeeze %dma_wait3A_277 : memref<1x3072xf32, #tpu.memory_space<vmem>> -> memref<3072xf32, #tpu.memory_space<vmem>>
        %dma_wait3A_279 = arith.constant 0 : i32
        %dma_wait3A_280 = tpu.memref_slice %arg3[%squeeze3A_187, %dma_wait3A_279] : memref<4096x3072xf32, #tpu.memory_space<hbm>> -> memref<1x3072xf32, #tpu.memory_space<hbm>>
        %dma_wait3A_281 = tpu.memref_squeeze %dma_wait3A_280 : memref<1x3072xf32, #tpu.memory_space<hbm>> -> memref<3072xf32, #tpu.memory_space<hbm>>
        %dma_wait3A_282 = arith.constant 0 : i32
        %dma_wait3A_283 = tpu.memref_slice %arg10[%run_scoped3A, %dma_wait3A_282] : memref<16x3072xf32, #tpu.memory_space<vmem>> -> memref<1x3072xf32, #tpu.memory_space<vmem>>
        %dma_wait3A_284 = tpu.memref_squeeze %dma_wait3A_283 : memref<1x3072xf32, #tpu.memory_space<vmem>> -> memref<3072xf32, #tpu.memory_space<vmem>>
        %dma_wait3A_285 = arith.constant 0 : i32
        %dma_wait3A_286 = tpu.memref_slice %arg3[%squeeze3A_187, %dma_wait3A_285] : memref<4096x3072xf32, #tpu.memory_space<hbm>> -> memref<1x3072xf32, #tpu.memory_space<hbm>>
        %dma_wait3A_287 = tpu.memref_squeeze %dma_wait3A_286 : memref<1x3072xf32, #tpu.memory_space<hbm>> -> memref<3072xf32, #tpu.memory_space<hbm>>
        tpu.wait_dma2 semaphore(%run_scoped3A_263 : memref<!tpu.dma_semaphore, #tpu.memory_space<semaphore_mem>>) src(%dma_wait3A_287 : memref<3072xf32, #tpu.memory_space<hbm>>) dst(%dma_wait3A_284 : memref<3072xf32, #tpu.memory_space<vmem>>)
        tpu.yield
      }) : () -> ()
    } else {
    }
    %slice3A_193 = vector.extract_strided_slice %get3A_136 {offsets = [8], sizes = [1], strides = [1]} : vector<16xi32> to vector<1xi32>
    %squeeze3A_194 = vector.extract %slice3A_193[0] : i32 from vector<1xi32>
    %ge3A_195 = arith.constant 0 : i32
    %ge3A_196 = arith.cmpi sge, %squeeze3A_194, %ge3A_195 : i32
    %convert_element_type3A_197 = arith.extui %ge3A_196 : i1 to i32
    %cond3A_198 = arith.constant 0 : i32
    %cond3A_199 = arith.cmpi ne, %convert_element_type3A_197, %cond3A_198 : i32
    scf.if %cond3A_199 {
      %run_scoped3A = arith.constant 8 : i32
      "tpu.region"() ({
        %run_scoped3A_263 = tpu.sem_alloc : memref<!tpu.dma_semaphore, #tpu.memory_space<semaphore_mem>>
        %dma_start3A_264 = arith.constant 0 : i32
        %dma_start3A_265 = tpu.memref_slice %arg10[%run_scoped3A, %dma_start3A_264] : memref<16x3072xf32, #tpu.memory_space<vmem>> -> memref<1x3072xf32, #tpu.memory_space<vmem>>
        %dma_start3A_266 = tpu.memref_squeeze %dma_start3A_265 : memref<1x3072xf32, #tpu.memory_space<vmem>> -> memref<3072xf32, #tpu.memory_space<vmem>>
        %dma_start3A_267 = arith.constant 0 : i32
        %dma_start3A_268 = tpu.memref_slice %arg3[%squeeze3A_194, %dma_start3A_267] : memref<4096x3072xf32, #tpu.memory_space<hbm>> -> memref<1x3072xf32, #tpu.memory_space<hbm>>
        %dma_start3A_269 = tpu.memref_squeeze %dma_start3A_268 : memref<1x3072xf32, #tpu.memory_space<hbm>> -> memref<3072xf32, #tpu.memory_space<hbm>>
        %dma_start3A_270 = arith.constant 0 : i32
        %dma_start3A_271 = tpu.memref_slice %arg10[%run_scoped3A, %dma_start3A_270] : memref<16x3072xf32, #tpu.memory_space<vmem>> -> memref<1x3072xf32, #tpu.memory_space<vmem>>
        %dma_start3A_272 = tpu.memref_squeeze %dma_start3A_271 : memref<1x3072xf32, #tpu.memory_space<vmem>> -> memref<3072xf32, #tpu.memory_space<vmem>>
        %dma_start3A_273 = arith.constant 0 : i32
        %dma_start3A_274 = tpu.memref_slice %arg3[%squeeze3A_194, %dma_start3A_273] : memref<4096x3072xf32, #tpu.memory_space<hbm>> -> memref<1x3072xf32, #tpu.memory_space<hbm>>
        %dma_start3A_275 = tpu.memref_squeeze %dma_start3A_274 : memref<1x3072xf32, #tpu.memory_space<hbm>> -> memref<3072xf32, #tpu.memory_space<hbm>>
        tpu.enqueue_dma source(%dma_start3A_275 : memref<3072xf32, #tpu.memory_space<hbm>>) target(%dma_start3A_272 : memref<3072xf32, #tpu.memory_space<vmem>>) target_semaphore(%run_scoped3A_263 : memref<!tpu.dma_semaphore, #tpu.memory_space<semaphore_mem>>)
        %dma_wait3A_276 = arith.constant 0 : i32
        %dma_wait3A_277 = tpu.memref_slice %arg10[%run_scoped3A, %dma_wait3A_276] : memref<16x3072xf32, #tpu.memory_space<vmem>> -> memref<1x3072xf32, #tpu.memory_space<vmem>>
        %dma_wait3A_278 = tpu.memref_squeeze %dma_wait3A_277 : memref<1x3072xf32, #tpu.memory_space<vmem>> -> memref<3072xf32, #tpu.memory_space<vmem>>
        %dma_wait3A_279 = arith.constant 0 : i32
        %dma_wait3A_280 = tpu.memref_slice %arg3[%squeeze3A_194, %dma_wait3A_279] : memref<4096x3072xf32, #tpu.memory_space<hbm>> -> memref<1x3072xf32, #tpu.memory_space<hbm>>
        %dma_wait3A_281 = tpu.memref_squeeze %dma_wait3A_280 : memref<1x3072xf32, #tpu.memory_space<hbm>> -> memref<3072xf32, #tpu.memory_space<hbm>>
        %dma_wait3A_282 = arith.constant 0 : i32
        %dma_wait3A_283 = tpu.memref_slice %arg10[%run_scoped3A, %dma_wait3A_282] : memref<16x3072xf32, #tpu.memory_space<vmem>> -> memref<1x3072xf32, #tpu.memory_space<vmem>>
        %dma_wait3A_284 = tpu.memref_squeeze %dma_wait3A_283 : memref<1x3072xf32, #tpu.memory_space<vmem>> -> memref<3072xf32, #tpu.memory_space<vmem>>
        %dma_wait3A_285 = arith.constant 0 : i32
        %dma_wait3A_286 = tpu.memref_slice %arg3[%squeeze3A_194, %dma_wait3A_285] : memref<4096x3072xf32, #tpu.memory_space<hbm>> -> memref<1x3072xf32, #tpu.memory_space<hbm>>
        %dma_wait3A_287 = tpu.memref_squeeze %dma_wait3A_286 : memref<1x3072xf32, #tpu.memory_space<hbm>> -> memref<3072xf32, #tpu.memory_space<hbm>>
        tpu.wait_dma2 semaphore(%run_scoped3A_263 : memref<!tpu.dma_semaphore, #tpu.memory_space<semaphore_mem>>) src(%dma_wait3A_287 : memref<3072xf32, #tpu.memory_space<hbm>>) dst(%dma_wait3A_284 : memref<3072xf32, #tpu.memory_space<vmem>>)
        tpu.yield
      }) : () -> ()
    } else {
    }
    %slice3A_200 = vector.extract_strided_slice %get3A_136 {offsets = [9], sizes = [1], strides = [1]} : vector<16xi32> to vector<1xi32>
    %squeeze3A_201 = vector.extract %slice3A_200[0] : i32 from vector<1xi32>
    %ge3A_202 = arith.constant 0 : i32
    %ge3A_203 = arith.cmpi sge, %squeeze3A_201, %ge3A_202 : i32
    %convert_element_type3A_204 = arith.extui %ge3A_203 : i1 to i32
    %cond3A_205 = arith.constant 0 : i32
    %cond3A_206 = arith.cmpi ne, %convert_element_type3A_204, %cond3A_205 : i32
    scf.if %cond3A_206 {
      %run_scoped3A = arith.constant 9 : i32
      "tpu.region"() ({
        %run_scoped3A_263 = tpu.sem_alloc : memref<!tpu.dma_semaphore, #tpu.memory_space<semaphore_mem>>
        %dma_start3A_264 = arith.constant 0 : i32
        %dma_start3A_265 = tpu.memref_slice %arg10[%run_scoped3A, %dma_start3A_264] : memref<16x3072xf32, #tpu.memory_space<vmem>> -> memref<1x3072xf32, #tpu.memory_space<vmem>>
        %dma_start3A_266 = tpu.memref_squeeze %dma_start3A_265 : memref<1x3072xf32, #tpu.memory_space<vmem>> -> memref<3072xf32, #tpu.memory_space<vmem>>
        %dma_start3A_267 = arith.constant 0 : i32
        %dma_start3A_268 = tpu.memref_slice %arg3[%squeeze3A_201, %dma_start3A_267] : memref<4096x3072xf32, #tpu.memory_space<hbm>> -> memref<1x3072xf32, #tpu.memory_space<hbm>>
        %dma_start3A_269 = tpu.memref_squeeze %dma_start3A_268 : memref<1x3072xf32, #tpu.memory_space<hbm>> -> memref<3072xf32, #tpu.memory_space<hbm>>
        %dma_start3A_270 = arith.constant 0 : i32
        %dma_start3A_271 = tpu.memref_slice %arg10[%run_scoped3A, %dma_start3A_270] : memref<16x3072xf32, #tpu.memory_space<vmem>> -> memref<1x3072xf32, #tpu.memory_space<vmem>>
        %dma_start3A_272 = tpu.memref_squeeze %dma_start3A_271 : memref<1x3072xf32, #tpu.memory_space<vmem>> -> memref<3072xf32, #tpu.memory_space<vmem>>
        %dma_start3A_273 = arith.constant 0 : i32
        %dma_start3A_274 = tpu.memref_slice %arg3[%squeeze3A_201, %dma_start3A_273] : memref<4096x3072xf32, #tpu.memory_space<hbm>> -> memref<1x3072xf32, #tpu.memory_space<hbm>>
        %dma_start3A_275 = tpu.memref_squeeze %dma_start3A_274 : memref<1x3072xf32, #tpu.memory_space<hbm>> -> memref<3072xf32, #tpu.memory_space<hbm>>
        tpu.enqueue_dma source(%dma_start3A_275 : memref<3072xf32, #tpu.memory_space<hbm>>) target(%dma_start3A_272 : memref<3072xf32, #tpu.memory_space<vmem>>) target_semaphore(%run_scoped3A_263 : memref<!tpu.dma_semaphore, #tpu.memory_space<semaphore_mem>>)
        %dma_wait3A_276 = arith.constant 0 : i32
        %dma_wait3A_277 = tpu.memref_slice %arg10[%run_scoped3A, %dma_wait3A_276] : memref<16x3072xf32, #tpu.memory_space<vmem>> -> memref<1x3072xf32, #tpu.memory_space<vmem>>
        %dma_wait3A_278 = tpu.memref_squeeze %dma_wait3A_277 : memref<1x3072xf32, #tpu.memory_space<vmem>> -> memref<3072xf32, #tpu.memory_space<vmem>>
        %dma_wait3A_279 = arith.constant 0 : i32
        %dma_wait3A_280 = tpu.memref_slice %arg3[%squeeze3A_201, %dma_wait3A_279] : memref<4096x3072xf32, #tpu.memory_space<hbm>> -> memref<1x3072xf32, #tpu.memory_space<hbm>>
        %dma_wait3A_281 = tpu.memref_squeeze %dma_wait3A_280 : memref<1x3072xf32, #tpu.memory_space<hbm>> -> memref<3072xf32, #tpu.memory_space<hbm>>
        %dma_wait3A_282 = arith.constant 0 : i32
        %dma_wait3A_283 = tpu.memref_slice %arg10[%run_scoped3A, %dma_wait3A_282] : memref<16x3072xf32, #tpu.memory_space<vmem>> -> memref<1x3072xf32, #tpu.memory_space<vmem>>
        %dma_wait3A_284 = tpu.memref_squeeze %dma_wait3A_283 : memref<1x3072xf32, #tpu.memory_space<vmem>> -> memref<3072xf32, #tpu.memory_space<vmem>>
        %dma_wait3A_285 = arith.constant 0 : i32
        %dma_wait3A_286 = tpu.memref_slice %arg3[%squeeze3A_201, %dma_wait3A_285] : memref<4096x3072xf32, #tpu.memory_space<hbm>> -> memref<1x3072xf32, #tpu.memory_space<hbm>>
        %dma_wait3A_287 = tpu.memref_squeeze %dma_wait3A_286 : memref<1x3072xf32, #tpu.memory_space<hbm>> -> memref<3072xf32, #tpu.memory_space<hbm>>
        tpu.wait_dma2 semaphore(%run_scoped3A_263 : memref<!tpu.dma_semaphore, #tpu.memory_space<semaphore_mem>>) src(%dma_wait3A_287 : memref<3072xf32, #tpu.memory_space<hbm>>) dst(%dma_wait3A_284 : memref<3072xf32, #tpu.memory_space<vmem>>)
        tpu.yield
      }) : () -> ()
    } else {
    }
    %slice3A_207 = vector.extract_strided_slice %get3A_136 {offsets = [10], sizes = [1], strides = [1]} : vector<16xi32> to vector<1xi32>
    %squeeze3A_208 = vector.extract %slice3A_207[0] : i32 from vector<1xi32>
    %ge3A_209 = arith.constant 0 : i32
    %ge3A_210 = arith.cmpi sge, %squeeze3A_208, %ge3A_209 : i32
    %convert_element_type3A_211 = arith.extui %ge3A_210 : i1 to i32
    %cond3A_212 = arith.constant 0 : i32
    %cond3A_213 = arith.cmpi ne, %convert_element_type3A_211, %cond3A_212 : i32
    scf.if %cond3A_213 {
      %run_scoped3A = arith.constant 10 : i32
      "tpu.region"() ({
        %run_scoped3A_263 = tpu.sem_alloc : memref<!tpu.dma_semaphore, #tpu.memory_space<semaphore_mem>>
        %dma_start3A_264 = arith.constant 0 : i32
        %dma_start3A_265 = tpu.memref_slice %arg10[%run_scoped3A, %dma_start3A_264] : memref<16x3072xf32, #tpu.memory_space<vmem>> -> memref<1x3072xf32, #tpu.memory_space<vmem>>
        %dma_start3A_266 = tpu.memref_squeeze %dma_start3A_265 : memref<1x3072xf32, #tpu.memory_space<vmem>> -> memref<3072xf32, #tpu.memory_space<vmem>>
        %dma_start3A_267 = arith.constant 0 : i32
        %dma_start3A_268 = tpu.memref_slice %arg3[%squeeze3A_208, %dma_start3A_267] : memref<4096x3072xf32, #tpu.memory_space<hbm>> -> memref<1x3072xf32, #tpu.memory_space<hbm>>
        %dma_start3A_269 = tpu.memref_squeeze %dma_start3A_268 : memref<1x3072xf32, #tpu.memory_space<hbm>> -> memref<3072xf32, #tpu.memory_space<hbm>>
        %dma_start3A_270 = arith.constant 0 : i32
        %dma_start3A_271 = tpu.memref_slice %arg10[%run_scoped3A, %dma_start3A_270] : memref<16x3072xf32, #tpu.memory_space<vmem>> -> memref<1x3072xf32, #tpu.memory_space<vmem>>
        %dma_start3A_272 = tpu.memref_squeeze %dma_start3A_271 : memref<1x3072xf32, #tpu.memory_space<vmem>> -> memref<3072xf32, #tpu.memory_space<vmem>>
        %dma_start3A_273 = arith.constant 0 : i32
        %dma_start3A_274 = tpu.memref_slice %arg3[%squeeze3A_208, %dma_start3A_273] : memref<4096x3072xf32, #tpu.memory_space<hbm>> -> memref<1x3072xf32, #tpu.memory_space<hbm>>
        %dma_start3A_275 = tpu.memref_squeeze %dma_start3A_274 : memref<1x3072xf32, #tpu.memory_space<hbm>> -> memref<3072xf32, #tpu.memory_space<hbm>>
        tpu.enqueue_dma source(%dma_start3A_275 : memref<3072xf32, #tpu.memory_space<hbm>>) target(%dma_start3A_272 : memref<3072xf32, #tpu.memory_space<vmem>>) target_semaphore(%run_scoped3A_263 : memref<!tpu.dma_semaphore, #tpu.memory_space<semaphore_mem>>)
        %dma_wait3A_276 = arith.constant 0 : i32
        %dma_wait3A_277 = tpu.memref_slice %arg10[%run_scoped3A, %dma_wait3A_276] : memref<16x3072xf32, #tpu.memory_space<vmem>> -> memref<1x3072xf32, #tpu.memory_space<vmem>>
        %dma_wait3A_278 = tpu.memref_squeeze %dma_wait3A_277 : memref<1x3072xf32, #tpu.memory_space<vmem>> -> memref<3072xf32, #tpu.memory_space<vmem>>
        %dma_wait3A_279 = arith.constant 0 : i32
        %dma_wait3A_280 = tpu.memref_slice %arg3[%squeeze3A_208, %dma_wait3A_279] : memref<4096x3072xf32, #tpu.memory_space<hbm>> -> memref<1x3072xf32, #tpu.memory_space<hbm>>
        %dma_wait3A_281 = tpu.memref_squeeze %dma_wait3A_280 : memref<1x3072xf32, #tpu.memory_space<hbm>> -> memref<3072xf32, #tpu.memory_space<hbm>>
        %dma_wait3A_282 = arith.constant 0 : i32
        %dma_wait3A_283 = tpu.memref_slice %arg10[%run_scoped3A, %dma_wait3A_282] : memref<16x3072xf32, #tpu.memory_space<vmem>> -> memref<1x3072xf32, #tpu.memory_space<vmem>>
        %dma_wait3A_284 = tpu.memref_squeeze %dma_wait3A_283 : memref<1x3072xf32, #tpu.memory_space<vmem>> -> memref<3072xf32, #tpu.memory_space<vmem>>
        %dma_wait3A_285 = arith.constant 0 : i32
        %dma_wait3A_286 = tpu.memref_slice %arg3[%squeeze3A_208, %dma_wait3A_285] : memref<4096x3072xf32, #tpu.memory_space<hbm>> -> memref<1x3072xf32, #tpu.memory_space<hbm>>
        %dma_wait3A_287 = tpu.memref_squeeze %dma_wait3A_286 : memref<1x3072xf32, #tpu.memory_space<hbm>> -> memref<3072xf32, #tpu.memory_space<hbm>>
        tpu.wait_dma2 semaphore(%run_scoped3A_263 : memref<!tpu.dma_semaphore, #tpu.memory_space<semaphore_mem>>) src(%dma_wait3A_287 : memref<3072xf32, #tpu.memory_space<hbm>>) dst(%dma_wait3A_284 : memref<3072xf32, #tpu.memory_space<vmem>>)
        tpu.yield
      }) : () -> ()
    } else {
    }
    %slice3A_214 = vector.extract_strided_slice %get3A_136 {offsets = [11], sizes = [1], strides = [1]} : vector<16xi32> to vector<1xi32>
    %squeeze3A_215 = vector.extract %slice3A_214[0] : i32 from vector<1xi32>
    %ge3A_216 = arith.constant 0 : i32
    %ge3A_217 = arith.cmpi sge, %squeeze3A_215, %ge3A_216 : i32
    %convert_element_type3A_218 = arith.extui %ge3A_217 : i1 to i32
    %cond3A_219 = arith.constant 0 : i32
    %cond3A_220 = arith.cmpi ne, %convert_element_type3A_218, %cond3A_219 : i32
    scf.if %cond3A_220 {
      %run_scoped3A = arith.constant 11 : i32
      "tpu.region"() ({
        %run_scoped3A_263 = tpu.sem_alloc : memref<!tpu.dma_semaphore, #tpu.memory_space<semaphore_mem>>
        %dma_start3A_264 = arith.constant 0 : i32
        %dma_start3A_265 = tpu.memref_slice %arg10[%run_scoped3A, %dma_start3A_264] : memref<16x3072xf32, #tpu.memory_space<vmem>> -> memref<1x3072xf32, #tpu.memory_space<vmem>>
        %dma_start3A_266 = tpu.memref_squeeze %dma_start3A_265 : memref<1x3072xf32, #tpu.memory_space<vmem>> -> memref<3072xf32, #tpu.memory_space<vmem>>
        %dma_start3A_267 = arith.constant 0 : i32
        %dma_start3A_268 = tpu.memref_slice %arg3[%squeeze3A_215, %dma_start3A_267] : memref<4096x3072xf32, #tpu.memory_space<hbm>> -> memref<1x3072xf32, #tpu.memory_space<hbm>>
        %dma_start3A_269 = tpu.memref_squeeze %dma_start3A_268 : memref<1x3072xf32, #tpu.memory_space<hbm>> -> memref<3072xf32, #tpu.memory_space<hbm>>
        %dma_start3A_270 = arith.constant 0 : i32
        %dma_start3A_271 = tpu.memref_slice %arg10[%run_scoped3A, %dma_start3A_270] : memref<16x3072xf32, #tpu.memory_space<vmem>> -> memref<1x3072xf32, #tpu.memory_space<vmem>>
        %dma_start3A_272 = tpu.memref_squeeze %dma_start3A_271 : memref<1x3072xf32, #tpu.memory_space<vmem>> -> memref<3072xf32, #tpu.memory_space<vmem>>
        %dma_start3A_273 = arith.constant 0 : i32
        %dma_start3A_274 = tpu.memref_slice %arg3[%squeeze3A_215, %dma_start3A_273] : memref<4096x3072xf32, #tpu.memory_space<hbm>> -> memref<1x3072xf32, #tpu.memory_space<hbm>>
        %dma_start3A_275 = tpu.memref_squeeze %dma_start3A_274 : memref<1x3072xf32, #tpu.memory_space<hbm>> -> memref<3072xf32, #tpu.memory_space<hbm>>
        tpu.enqueue_dma source(%dma_start3A_275 : memref<3072xf32, #tpu.memory_space<hbm>>) target(%dma_start3A_272 : memref<3072xf32, #tpu.memory_space<vmem>>) target_semaphore(%run_scoped3A_263 : memref<!tpu.dma_semaphore, #tpu.memory_space<semaphore_mem>>)
        %dma_wait3A_276 = arith.constant 0 : i32
        %dma_wait3A_277 = tpu.memref_slice %arg10[%run_scoped3A, %dma_wait3A_276] : memref<16x3072xf32, #tpu.memory_space<vmem>> -> memref<1x3072xf32, #tpu.memory_space<vmem>>
        %dma_wait3A_278 = tpu.memref_squeeze %dma_wait3A_277 : memref<1x3072xf32, #tpu.memory_space<vmem>> -> memref<3072xf32, #tpu.memory_space<vmem>>
        %dma_wait3A_279 = arith.constant 0 : i32
        %dma_wait3A_280 = tpu.memref_slice %arg3[%squeeze3A_215, %dma_wait3A_279] : memref<4096x3072xf32, #tpu.memory_space<hbm>> -> memref<1x3072xf32, #tpu.memory_space<hbm>>
        %dma_wait3A_281 = tpu.memref_squeeze %dma_wait3A_280 : memref<1x3072xf32, #tpu.memory_space<hbm>> -> memref<3072xf32, #tpu.memory_space<hbm>>
        %dma_wait3A_282 = arith.constant 0 : i32
        %dma_wait3A_283 = tpu.memref_slice %arg10[%run_scoped3A, %dma_wait3A_282] : memref<16x3072xf32, #tpu.memory_space<vmem>> -> memref<1x3072xf32, #tpu.memory_space<vmem>>
        %dma_wait3A_284 = tpu.memref_squeeze %dma_wait3A_283 : memref<1x3072xf32, #tpu.memory_space<vmem>> -> memref<3072xf32, #tpu.memory_space<vmem>>
        %dma_wait3A_285 = arith.constant 0 : i32
        %dma_wait3A_286 = tpu.memref_slice %arg3[%squeeze3A_215, %dma_wait3A_285] : memref<4096x3072xf32, #tpu.memory_space<hbm>> -> memref<1x3072xf32, #tpu.memory_space<hbm>>
        %dma_wait3A_287 = tpu.memref_squeeze %dma_wait3A_286 : memref<1x3072xf32, #tpu.memory_space<hbm>> -> memref<3072xf32, #tpu.memory_space<hbm>>
        tpu.wait_dma2 semaphore(%run_scoped3A_263 : memref<!tpu.dma_semaphore, #tpu.memory_space<semaphore_mem>>) src(%dma_wait3A_287 : memref<3072xf32, #tpu.memory_space<hbm>>) dst(%dma_wait3A_284 : memref<3072xf32, #tpu.memory_space<vmem>>)
        tpu.yield
      }) : () -> ()
    } else {
    }
    %slice3A_221 = vector.extract_strided_slice %get3A_136 {offsets = [12], sizes = [1], strides = [1]} : vector<16xi32> to vector<1xi32>
    %squeeze3A_222 = vector.extract %slice3A_221[0] : i32 from vector<1xi32>
    %ge3A_223 = arith.constant 0 : i32
    %ge3A_224 = arith.cmpi sge, %squeeze3A_222, %ge3A_223 : i32
    %convert_element_type3A_225 = arith.extui %ge3A_224 : i1 to i32
    %cond3A_226 = arith.constant 0 : i32
    %cond3A_227 = arith.cmpi ne, %convert_element_type3A_225, %cond3A_226 : i32
    scf.if %cond3A_227 {
      %run_scoped3A = arith.constant 12 : i32
      "tpu.region"() ({
        %run_scoped3A_263 = tpu.sem_alloc : memref<!tpu.dma_semaphore, #tpu.memory_space<semaphore_mem>>
        %dma_start3A_264 = arith.constant 0 : i32
        %dma_start3A_265 = tpu.memref_slice %arg10[%run_scoped3A, %dma_start3A_264] : memref<16x3072xf32, #tpu.memory_space<vmem>> -> memref<1x3072xf32, #tpu.memory_space<vmem>>
        %dma_start3A_266 = tpu.memref_squeeze %dma_start3A_265 : memref<1x3072xf32, #tpu.memory_space<vmem>> -> memref<3072xf32, #tpu.memory_space<vmem>>
        %dma_start3A_267 = arith.constant 0 : i32
        %dma_start3A_268 = tpu.memref_slice %arg3[%squeeze3A_222, %dma_start3A_267] : memref<4096x3072xf32, #tpu.memory_space<hbm>> -> memref<1x3072xf32, #tpu.memory_space<hbm>>
        %dma_start3A_269 = tpu.memref_squeeze %dma_start3A_268 : memref<1x3072xf32, #tpu.memory_space<hbm>> -> memref<3072xf32, #tpu.memory_space<hbm>>
        %dma_start3A_270 = arith.constant 0 : i32
        %dma_start3A_271 = tpu.memref_slice %arg10[%run_scoped3A, %dma_start3A_270] : memref<16x3072xf32, #tpu.memory_space<vmem>> -> memref<1x3072xf32, #tpu.memory_space<vmem>>
        %dma_start3A_272 = tpu.memref_squeeze %dma_start3A_271 : memref<1x3072xf32, #tpu.memory_space<vmem>> -> memref<3072xf32, #tpu.memory_space<vmem>>
        %dma_start3A_273 = arith.constant 0 : i32
        %dma_start3A_274 = tpu.memref_slice %arg3[%squeeze3A_222, %dma_start3A_273] : memref<4096x3072xf32, #tpu.memory_space<hbm>> -> memref<1x3072xf32, #tpu.memory_space<hbm>>
        %dma_start3A_275 = tpu.memref_squeeze %dma_start3A_274 : memref<1x3072xf32, #tpu.memory_space<hbm>> -> memref<3072xf32, #tpu.memory_space<hbm>>
        tpu.enqueue_dma source(%dma_start3A_275 : memref<3072xf32, #tpu.memory_space<hbm>>) target(%dma_start3A_272 : memref<3072xf32, #tpu.memory_space<vmem>>) target_semaphore(%run_scoped3A_263 : memref<!tpu.dma_semaphore, #tpu.memory_space<semaphore_mem>>)
        %dma_wait3A_276 = arith.constant 0 : i32
        %dma_wait3A_277 = tpu.memref_slice %arg10[%run_scoped3A, %dma_wait3A_276] : memref<16x3072xf32, #tpu.memory_space<vmem>> -> memref<1x3072xf32, #tpu.memory_space<vmem>>
        %dma_wait3A_278 = tpu.memref_squeeze %dma_wait3A_277 : memref<1x3072xf32, #tpu.memory_space<vmem>> -> memref<3072xf32, #tpu.memory_space<vmem>>
        %dma_wait3A_279 = arith.constant 0 : i32
        %dma_wait3A_280 = tpu.memref_slice %arg3[%squeeze3A_222, %dma_wait3A_279] : memref<4096x3072xf32, #tpu.memory_space<hbm>> -> memref<1x3072xf32, #tpu.memory_space<hbm>>
        %dma_wait3A_281 = tpu.memref_squeeze %dma_wait3A_280 : memref<1x3072xf32, #tpu.memory_space<hbm>> -> memref<3072xf32, #tpu.memory_space<hbm>>
        %dma_wait3A_282 = arith.constant 0 : i32
        %dma_wait3A_283 = tpu.memref_slice %arg10[%run_scoped3A, %dma_wait3A_282] : memref<16x3072xf32, #tpu.memory_space<vmem>> -> memref<1x3072xf32, #tpu.memory_space<vmem>>
        %dma_wait3A_284 = tpu.memref_squeeze %dma_wait3A_283 : memref<1x3072xf32, #tpu.memory_space<vmem>> -> memref<3072xf32, #tpu.memory_space<vmem>>
        %dma_wait3A_285 = arith.constant 0 : i32
        %dma_wait3A_286 = tpu.memref_slice %arg3[%squeeze3A_222, %dma_wait3A_285] : memref<4096x3072xf32, #tpu.memory_space<hbm>> -> memref<1x3072xf32, #tpu.memory_space<hbm>>
        %dma_wait3A_287 = tpu.memref_squeeze %dma_wait3A_286 : memref<1x3072xf32, #tpu.memory_space<hbm>> -> memref<3072xf32, #tpu.memory_space<hbm>>
        tpu.wait_dma2 semaphore(%run_scoped3A_263 : memref<!tpu.dma_semaphore, #tpu.memory_space<semaphore_mem>>) src(%dma_wait3A_287 : memref<3072xf32, #tpu.memory_space<hbm>>) dst(%dma_wait3A_284 : memref<3072xf32, #tpu.memory_space<vmem>>)
        tpu.yield
      }) : () -> ()
    } else {
    }
    %slice3A_228 = vector.extract_strided_slice %get3A_136 {offsets = [13], sizes = [1], strides = [1]} : vector<16xi32> to vector<1xi32>
    %squeeze3A_229 = vector.extract %slice3A_228[0] : i32 from vector<1xi32>
    %ge3A_230 = arith.constant 0 : i32
    %ge3A_231 = arith.cmpi sge, %squeeze3A_229, %ge3A_230 : i32
    %convert_element_type3A_232 = arith.extui %ge3A_231 : i1 to i32
    %cond3A_233 = arith.constant 0 : i32
    %cond3A_234 = arith.cmpi ne, %convert_element_type3A_232, %cond3A_233 : i32
    scf.if %cond3A_234 {
      %run_scoped3A = arith.constant 13 : i32
      "tpu.region"() ({
        %run_scoped3A_263 = tpu.sem_alloc : memref<!tpu.dma_semaphore, #tpu.memory_space<semaphore_mem>>
        %dma_start3A_264 = arith.constant 0 : i32
        %dma_start3A_265 = tpu.memref_slice %arg10[%run_scoped3A, %dma_start3A_264] : memref<16x3072xf32, #tpu.memory_space<vmem>> -> memref<1x3072xf32, #tpu.memory_space<vmem>>
        %dma_start3A_266 = tpu.memref_squeeze %dma_start3A_265 : memref<1x3072xf32, #tpu.memory_space<vmem>> -> memref<3072xf32, #tpu.memory_space<vmem>>
        %dma_start3A_267 = arith.constant 0 : i32
        %dma_start3A_268 = tpu.memref_slice %arg3[%squeeze3A_229, %dma_start3A_267] : memref<4096x3072xf32, #tpu.memory_space<hbm>> -> memref<1x3072xf32, #tpu.memory_space<hbm>>
        %dma_start3A_269 = tpu.memref_squeeze %dma_start3A_268 : memref<1x3072xf32, #tpu.memory_space<hbm>> -> memref<3072xf32, #tpu.memory_space<hbm>>
        %dma_start3A_270 = arith.constant 0 : i32
        %dma_start3A_271 = tpu.memref_slice %arg10[%run_scoped3A, %dma_start3A_270] : memref<16x3072xf32, #tpu.memory_space<vmem>> -> memref<1x3072xf32, #tpu.memory_space<vmem>>
        %dma_start3A_272 = tpu.memref_squeeze %dma_start3A_271 : memref<1x3072xf32, #tpu.memory_space<vmem>> -> memref<3072xf32, #tpu.memory_space<vmem>>
        %dma_start3A_273 = arith.constant 0 : i32
        %dma_start3A_274 = tpu.memref_slice %arg3[%squeeze3A_229, %dma_start3A_273] : memref<4096x3072xf32, #tpu.memory_space<hbm>> -> memref<1x3072xf32, #tpu.memory_space<hbm>>
        %dma_start3A_275 = tpu.memref_squeeze %dma_start3A_274 : memref<1x3072xf32, #tpu.memory_space<hbm>> -> memref<3072xf32, #tpu.memory_space<hbm>>
        tpu.enqueue_dma source(%dma_start3A_275 : memref<3072xf32, #tpu.memory_space<hbm>>) target(%dma_start3A_272 : memref<3072xf32, #tpu.memory_space<vmem>>) target_semaphore(%run_scoped3A_263 : memref<!tpu.dma_semaphore, #tpu.memory_space<semaphore_mem>>)
        %dma_wait3A_276 = arith.constant 0 : i32
        %dma_wait3A_277 = tpu.memref_slice %arg10[%run_scoped3A, %dma_wait3A_276] : memref<16x3072xf32, #tpu.memory_space<vmem>> -> memref<1x3072xf32, #tpu.memory_space<vmem>>
        %dma_wait3A_278 = tpu.memref_squeeze %dma_wait3A_277 : memref<1x3072xf32, #tpu.memory_space<vmem>> -> memref<3072xf32, #tpu.memory_space<vmem>>
        %dma_wait3A_279 = arith.constant 0 : i32
        %dma_wait3A_280 = tpu.memref_slice %arg3[%squeeze3A_229, %dma_wait3A_279] : memref<4096x3072xf32, #tpu.memory_space<hbm>> -> memref<1x3072xf32, #tpu.memory_space<hbm>>
        %dma_wait3A_281 = tpu.memref_squeeze %dma_wait3A_280 : memref<1x3072xf32, #tpu.memory_space<hbm>> -> memref<3072xf32, #tpu.memory_space<hbm>>
        %dma_wait3A_282 = arith.constant 0 : i32
        %dma_wait3A_283 = tpu.memref_slice %arg10[%run_scoped3A, %dma_wait3A_282] : memref<16x3072xf32, #tpu.memory_space<vmem>> -> memref<1x3072xf32, #tpu.memory_space<vmem>>
        %dma_wait3A_284 = tpu.memref_squeeze %dma_wait3A_283 : memref<1x3072xf32, #tpu.memory_space<vmem>> -> memref<3072xf32, #tpu.memory_space<vmem>>
        %dma_wait3A_285 = arith.constant 0 : i32
        %dma_wait3A_286 = tpu.memref_slice %arg3[%squeeze3A_229, %dma_wait3A_285] : memref<4096x3072xf32, #tpu.memory_space<hbm>> -> memref<1x3072xf32, #tpu.memory_space<hbm>>
        %dma_wait3A_287 = tpu.memref_squeeze %dma_wait3A_286 : memref<1x3072xf32, #tpu.memory_space<hbm>> -> memref<3072xf32, #tpu.memory_space<hbm>>
        tpu.wait_dma2 semaphore(%run_scoped3A_263 : memref<!tpu.dma_semaphore, #tpu.memory_space<semaphore_mem>>) src(%dma_wait3A_287 : memref<3072xf32, #tpu.memory_space<hbm>>) dst(%dma_wait3A_284 : memref<3072xf32, #tpu.memory_space<vmem>>)
        tpu.yield
      }) : () -> ()
    } else {
    }
    %slice3A_235 = vector.extract_strided_slice %get3A_136 {offsets = [14], sizes = [1], strides = [1]} : vector<16xi32> to vector<1xi32>
    %squeeze3A_236 = vector.extract %slice3A_235[0] : i32 from vector<1xi32>
    %ge3A_237 = arith.constant 0 : i32
    %ge3A_238 = arith.cmpi sge, %squeeze3A_236, %ge3A_237 : i32
    %convert_element_type3A_239 = arith.extui %ge3A_238 : i1 to i32
    %cond3A_240 = arith.constant 0 : i32
    %cond3A_241 = arith.cmpi ne, %convert_element_type3A_239, %cond3A_240 : i32
    scf.if %cond3A_241 {
      %run_scoped3A = arith.constant 14 : i32
      "tpu.region"() ({
        %run_scoped3A_263 = tpu.sem_alloc : memref<!tpu.dma_semaphore, #tpu.memory_space<semaphore_mem>>
        %dma_start3A_264 = arith.constant 0 : i32
        %dma_start3A_265 = tpu.memref_slice %arg10[%run_scoped3A, %dma_start3A_264] : memref<16x3072xf32, #tpu.memory_space<vmem>> -> memref<1x3072xf32, #tpu.memory_space<vmem>>
        %dma_start3A_266 = tpu.memref_squeeze %dma_start3A_265 : memref<1x3072xf32, #tpu.memory_space<vmem>> -> memref<3072xf32, #tpu.memory_space<vmem>>
        %dma_start3A_267 = arith.constant 0 : i32
        %dma_start3A_268 = tpu.memref_slice %arg3[%squeeze3A_236, %dma_start3A_267] : memref<4096x3072xf32, #tpu.memory_space<hbm>> -> memref<1x3072xf32, #tpu.memory_space<hbm>>
        %dma_start3A_269 = tpu.memref_squeeze %dma_start3A_268 : memref<1x3072xf32, #tpu.memory_space<hbm>> -> memref<3072xf32, #tpu.memory_space<hbm>>
        %dma_start3A_270 = arith.constant 0 : i32
        %dma_start3A_271 = tpu.memref_slice %arg10[%run_scoped3A, %dma_start3A_270] : memref<16x3072xf32, #tpu.memory_space<vmem>> -> memref<1x3072xf32, #tpu.memory_space<vmem>>
        %dma_start3A_272 = tpu.memref_squeeze %dma_start3A_271 : memref<1x3072xf32, #tpu.memory_space<vmem>> -> memref<3072xf32, #tpu.memory_space<vmem>>
        %dma_start3A_273 = arith.constant 0 : i32
        %dma_start3A_274 = tpu.memref_slice %arg3[%squeeze3A_236, %dma_start3A_273] : memref<4096x3072xf32, #tpu.memory_space<hbm>> -> memref<1x3072xf32, #tpu.memory_space<hbm>>
        %dma_start3A_275 = tpu.memref_squeeze %dma_start3A_274 : memref<1x3072xf32, #tpu.memory_space<hbm>> -> memref<3072xf32, #tpu.memory_space<hbm>>
        tpu.enqueue_dma source(%dma_start3A_275 : memref<3072xf32, #tpu.memory_space<hbm>>) target(%dma_start3A_272 : memref<3072xf32, #tpu.memory_space<vmem>>) target_semaphore(%run_scoped3A_263 : memref<!tpu.dma_semaphore, #tpu.memory_space<semaphore_mem>>)
        %dma_wait3A_276 = arith.constant 0 : i32
        %dma_wait3A_277 = tpu.memref_slice %arg10[%run_scoped3A, %dma_wait3A_276] : memref<16x3072xf32, #tpu.memory_space<vmem>> -> memref<1x3072xf32, #tpu.memory_space<vmem>>
        %dma_wait3A_278 = tpu.memref_squeeze %dma_wait3A_277 : memref<1x3072xf32, #tpu.memory_space<vmem>> -> memref<3072xf32, #tpu.memory_space<vmem>>
        %dma_wait3A_279 = arith.constant 0 : i32
        %dma_wait3A_280 = tpu.memref_slice %arg3[%squeeze3A_236, %dma_wait3A_279] : memref<4096x3072xf32, #tpu.memory_space<hbm>> -> memref<1x3072xf32, #tpu.memory_space<hbm>>
        %dma_wait3A_281 = tpu.memref_squeeze %dma_wait3A_280 : memref<1x3072xf32, #tpu.memory_space<hbm>> -> memref<3072xf32, #tpu.memory_space<hbm>>
        %dma_wait3A_282 = arith.constant 0 : i32
        %dma_wait3A_283 = tpu.memref_slice %arg10[%run_scoped3A, %dma_wait3A_282] : memref<16x3072xf32, #tpu.memory_space<vmem>> -> memref<1x3072xf32, #tpu.memory_space<vmem>>
        %dma_wait3A_284 = tpu.memref_squeeze %dma_wait3A_283 : memref<1x3072xf32, #tpu.memory_space<vmem>> -> memref<3072xf32, #tpu.memory_space<vmem>>
        %dma_wait3A_285 = arith.constant 0 : i32
        %dma_wait3A_286 = tpu.memref_slice %arg3[%squeeze3A_236, %dma_wait3A_285] : memref<4096x3072xf32, #tpu.memory_space<hbm>> -> memref<1x3072xf32, #tpu.memory_space<hbm>>
        %dma_wait3A_287 = tpu.memref_squeeze %dma_wait3A_286 : memref<1x3072xf32, #tpu.memory_space<hbm>> -> memref<3072xf32, #tpu.memory_space<hbm>>
        tpu.wait_dma2 semaphore(%run_scoped3A_263 : memref<!tpu.dma_semaphore, #tpu.memory_space<semaphore_mem>>) src(%dma_wait3A_287 : memref<3072xf32, #tpu.memory_space<hbm>>) dst(%dma_wait3A_284 : memref<3072xf32, #tpu.memory_space<vmem>>)
        tpu.yield
      }) : () -> ()
    } else {
    }
    %slice3A_242 = vector.extract_strided_slice %get3A_136 {offsets = [15], sizes = [1], strides = [1]} : vector<16xi32> to vector<1xi32>
    %squeeze3A_243 = vector.extract %slice3A_242[0] : i32 from vector<1xi32>
    %ge3A_244 = arith.constant 0 : i32
    %ge3A_245 = arith.cmpi sge, %squeeze3A_243, %ge3A_244 : i32
    %convert_element_type3A_246 = arith.extui %ge3A_245 : i1 to i32
    %cond3A_247 = arith.constant 0 : i32
    %cond3A_248 = arith.cmpi ne, %convert_element_type3A_246, %cond3A_247 : i32
    scf.if %cond3A_248 {
      %run_scoped3A = arith.constant 15 : i32
      "tpu.region"() ({
        %run_scoped3A_263 = tpu.sem_alloc : memref<!tpu.dma_semaphore, #tpu.memory_space<semaphore_mem>>
        %dma_start3A_264 = arith.constant 0 : i32
        %dma_start3A_265 = tpu.memref_slice %arg10[%run_scoped3A, %dma_start3A_264] : memref<16x3072xf32, #tpu.memory_space<vmem>> -> memref<1x3072xf32, #tpu.memory_space<vmem>>
        %dma_start3A_266 = tpu.memref_squeeze %dma_start3A_265 : memref<1x3072xf32, #tpu.memory_space<vmem>> -> memref<3072xf32, #tpu.memory_space<vmem>>
        %dma_start3A_267 = arith.constant 0 : i32
        %dma_start3A_268 = tpu.memref_slice %arg3[%squeeze3A_243, %dma_start3A_267] : memref<4096x3072xf32, #tpu.memory_space<hbm>> -> memref<1x3072xf32, #tpu.memory_space<hbm>>
        %dma_start3A_269 = tpu.memref_squeeze %dma_start3A_268 : memref<1x3072xf32, #tpu.memory_space<hbm>> -> memref<3072xf32, #tpu.memory_space<hbm>>
        %dma_start3A_270 = arith.constant 0 : i32
        %dma_start3A_271 = tpu.memref_slice %arg10[%run_scoped3A, %dma_start3A_270] : memref<16x3072xf32, #tpu.memory_space<vmem>> -> memref<1x3072xf32, #tpu.memory_space<vmem>>
        %dma_start3A_272 = tpu.memref_squeeze %dma_start3A_271 : memref<1x3072xf32, #tpu.memory_space<vmem>> -> memref<3072xf32, #tpu.memory_space<vmem>>
        %dma_start3A_273 = arith.constant 0 : i32
        %dma_start3A_274 = tpu.memref_slice %arg3[%squeeze3A_243, %dma_start3A_273] : memref<4096x3072xf32, #tpu.memory_space<hbm>> -> memref<1x3072xf32, #tpu.memory_space<hbm>>
        %dma_start3A_275 = tpu.memref_squeeze %dma_start3A_274 : memref<1x3072xf32, #tpu.memory_space<hbm>> -> memref<3072xf32, #tpu.memory_space<hbm>>
        tpu.enqueue_dma source(%dma_start3A_275 : memref<3072xf32, #tpu.memory_space<hbm>>) target(%dma_start3A_272 : memref<3072xf32, #tpu.memory_space<vmem>>) target_semaphore(%run_scoped3A_263 : memref<!tpu.dma_semaphore, #tpu.memory_space<semaphore_mem>>)
        %dma_wait3A_276 = arith.constant 0 : i32
        %dma_wait3A_277 = tpu.memref_slice %arg10[%run_scoped3A, %dma_wait3A_276] : memref<16x3072xf32, #tpu.memory_space<vmem>> -> memref<1x3072xf32, #tpu.memory_space<vmem>>
        %dma_wait3A_278 = tpu.memref_squeeze %dma_wait3A_277 : memref<1x3072xf32, #tpu.memory_space<vmem>> -> memref<3072xf32, #tpu.memory_space<vmem>>
        %dma_wait3A_279 = arith.constant 0 : i32
        %dma_wait3A_280 = tpu.memref_slice %arg3[%squeeze3A_243, %dma_wait3A_279] : memref<4096x3072xf32, #tpu.memory_space<hbm>> -> memref<1x3072xf32, #tpu.memory_space<hbm>>
        %dma_wait3A_281 = tpu.memref_squeeze %dma_wait3A_280 : memref<1x3072xf32, #tpu.memory_space<hbm>> -> memref<3072xf32, #tpu.memory_space<hbm>>
        %dma_wait3A_282 = arith.constant 0 : i32
        %dma_wait3A_283 = tpu.memref_slice %arg10[%run_scoped3A, %dma_wait3A_282] : memref<16x3072xf32, #tpu.memory_space<vmem>> -> memref<1x3072xf32, #tpu.memory_space<vmem>>
        %dma_wait3A_284 = tpu.memref_squeeze %dma_wait3A_283 : memref<1x3072xf32, #tpu.memory_space<vmem>> -> memref<3072xf32, #tpu.memory_space<vmem>>
        %dma_wait3A_285 = arith.constant 0 : i32
        %dma_wait3A_286 = tpu.memref_slice %arg3[%squeeze3A_243, %dma_wait3A_285] : memref<4096x3072xf32, #tpu.memory_space<hbm>> -> memref<1x3072xf32, #tpu.memory_space<hbm>>
        %dma_wait3A_287 = tpu.memref_squeeze %dma_wait3A_286 : memref<1x3072xf32, #tpu.memory_space<hbm>> -> memref<3072xf32, #tpu.memory_space<hbm>>
        tpu.wait_dma2 semaphore(%run_scoped3A_263 : memref<!tpu.dma_semaphore, #tpu.memory_space<semaphore_mem>>) src(%dma_wait3A_287 : memref<3072xf32, #tpu.memory_space<hbm>>) dst(%dma_wait3A_284 : memref<3072xf32, #tpu.memory_space<vmem>>)
        tpu.yield
      }) : () -> ()
    } else {
    }
    %add3A_249 = arith.constant 16 : i32
    %add3A_250 = arith.addi %mul3A_2, %add3A_249 : i32
    %dma_start3A_251 = arith.constant 0 : i32
    %dma_start3A_252 = tpu.memref_slice %arg6[%add3A_250, %dma_start3A_251] : memref<1024x3072xf32, #tpu.memory_space<hbm>> -> memref<16x3072xf32, #tpu.memory_space<hbm>>
    %dma_start3A_253 = arith.constant 0 : i32
    %dma_start3A_254 = tpu.memref_slice %arg6[%add3A_250, %dma_start3A_253] : memref<1024x3072xf32, #tpu.memory_space<hbm>> -> memref<16x3072xf32, #tpu.memory_space<hbm>>
    tpu.enqueue_dma source(%arg10 : memref<16x3072xf32, #tpu.memory_space<vmem>>) target(%dma_start3A_254 : memref<16x3072xf32, #tpu.memory_space<hbm>>) target_semaphore(%arg14 : memref<!tpu.dma_semaphore, #tpu.memory_space<semaphore_mem>>)
    %dma_wait3A_255 = arith.constant 0 : i32
    %dma_wait3A_256 = tpu.memref_slice %arg6[%add3A_126, %dma_wait3A_255] : memref<1024x3072xf32, #tpu.memory_space<hbm>> -> memref<16x3072xf32, #tpu.memory_space<hbm>>
    %dma_wait3A_257 = arith.constant 0 : i32
    %dma_wait3A_258 = tpu.memref_slice %arg6[%add3A_126, %dma_wait3A_257] : memref<1024x3072xf32, #tpu.memory_space<hbm>> -> memref<16x3072xf32, #tpu.memory_space<hbm>>
    tpu.wait_dma2 semaphore(%arg13 : memref<!tpu.dma_semaphore, #tpu.memory_space<semaphore_mem>>) src(%arg9 : memref<16x3072xf32, #tpu.memory_space<vmem>>) dst(%dma_wait3A_258 : memref<16x3072xf32, #tpu.memory_space<hbm>>)
    %dma_wait3A_259 = arith.constant 0 : i32
    %dma_wait3A_260 = tpu.memref_slice %arg6[%add3A_250, %dma_wait3A_259] : memref<1024x3072xf32, #tpu.memory_space<hbm>> -> memref<16x3072xf32, #tpu.memory_space<hbm>>
    %dma_wait3A_261 = arith.constant 0 : i32
    %dma_wait3A_262 = tpu.memref_slice %arg6[%add3A_250, %dma_wait3A_261] : memref<1024x3072xf32, #tpu.memory_space<hbm>> -> memref<16x3072xf32, #tpu.memory_space<hbm>>
    tpu.wait_dma2 semaphore(%arg14 : memref<!tpu.dma_semaphore, #tpu.memory_space<semaphore_mem>>) src(%arg10 : memref<16x3072xf32, #tpu.memory_space<vmem>>) dst(%dma_wait3A_262 : memref<16x3072xf32, #tpu.memory_space<hbm>>)
    return
  }
}

module attributes {stable_mosaic.version = 14 : i64} {
  func.func @_winner_body(%arg0: i32, %arg1: memref<4096x1xi32, #tpu.memory_space<vmem>>, %arg2: memref<1x1x128xi32, #tpu.memory_space<vmem>>, %arg3: memref<1x1x128xi32, #tpu.memory_space<vmem>>) attributes {dimension_semantics = [#tpu.dimension_semantics<arbitrary>], iteration_bounds = array<i64: 8>, scalar_prefetch = 0 : i64, scratch_operands = 0 : i64, tpu.core_type = #tpu.core_type<tc>, window_params = [{pipeline_mode = #tpu.pipeline_mode<synchronous>, transform_indices = @transform_0, window_bounds = array<i64: 4096, 1>}, {transform_indices = @transform_1, window_bounds = array<i64: 1, 1, 128>}, {transform_indices = @transform_2, window_bounds = array<i64: 1, 1, 128>}]} {
    %get3A = arith.constant 0 : index
    %get3A_0 = arith.constant 0 : index
    %get3A_1 = vector.load %arg1[%get3A, %get3A_0] : memref<4096x1xi32, #tpu.memory_space<vmem>>, vector<4096x1xi32>
    %get3A_2 = arith.constant 0 : index
    %get3A_3 = arith.constant 0 : index
    %get3A_4 = arith.constant 0 : index
    %get3A_5 = vector.load %arg2[%get3A_2, %get3A_3, %get3A_4] : memref<1x1x128xi32, #tpu.memory_space<vmem>>, vector<1x1x128xi32>
    %reshape3A = vector.shape_cast %get3A_5 : vector<1x1x128xi32> to vector<1x128xi32>
    %eq3A = vector.broadcast %get3A_1 : vector<4096x1xi32> to vector<4096x128xi32>
    %eq3A_6 = vector.broadcast %reshape3A : vector<1x128xi32> to vector<4096x128xi32>
    %eq3A_7 = arith.cmpi eq, %eq3A, %eq3A_6 : vector<4096x128xi32>
    %iota3A = tpu.iota {dimensions = array<i32: 0>} : vector<4096x128xi32>
    %jit3A = arith.constant -1 : i32
    %broadcast_in_dim3A = vector.broadcast %jit3A : i32 to vector<4096x128xi32>
    %select_n3A = arith.select %eq3A_7, %iota3A, %broadcast_in_dim3A : vector<4096x128xi1>, vector<4096x128xi32>
    %reduce_max3A = arith.constant dense<-2147483648> : vector<128xi32>
    %reduce_max3A_8 = vector.multi_reduction <maxsi>, %select_n3A, %reduce_max3A [0] : vector<4096x128xi32> to vector<128xi32>
    %broadcast_in_dim3A_9 = vector.shape_cast %reduce_max3A_8 : vector<128xi32> to vector<1x128xi32>
    %reshape3A_10 = vector.shape_cast %broadcast_in_dim3A_9 : vector<1x128xi32> to vector<1x1x128xi32>
    %swap3A = arith.constant 0 : index
    %swap3A_11 = arith.constant 0 : index
    %swap3A_12 = arith.constant 0 : index
    %swap3A_13 = vector.load %arg3[%swap3A, %swap3A_11, %swap3A_12] : memref<1x1x128xi32, #tpu.memory_space<vmem>>, vector<1x1x128xi32>
    tpu.vector_store %arg3[%swap3A, %swap3A_11, %swap3A_12], %reshape3A_10 {strides = array<i32>} : memref<1x1x128xi32, #tpu.memory_space<vmem>>, vector<1x1x128xi32>,
    return
  }
  func.func @transform_0(%arg0: i32) -> (i32, i32) {
    %c0_i32 = arith.constant 0 : i32
    %c0_i32_0 = arith.constant 0 : i32
    %c0_i32_1 = arith.constant 0 : i32
    return %c0_i32, %c0_i32_0 : i32, i32
  }
  func.func @transform_1(%arg0: i32) -> (i32, i32, i32) {
    %c0_i32 = arith.constant 0 : i32
    %c0_i32_0 = arith.constant 0 : i32
    %c0_i32_1 = arith.constant 0 : i32
    return %arg0, %c0_i32, %c0_i32_0 : i32, i32, i32
  }
  func.func @transform_2(%arg0: i32) -> (i32, i32, i32) {
    %c0_i32 = arith.constant 0 : i32
    %c0_i32_0 = arith.constant 0 : i32
    %c0_i32_1 = arith.constant 0 : i32
    return %arg0, %c0_i32, %c0_i32_0 : i32, i32, i32
  }
}

</mosaic_0001>

<sc_bundles>
// kernel: kernel.4.cloned.1.call-start
scs
__scs_entry_jumppad:
0x0: {  	(pc) =	sbr.rel $0x88, $3  }
0x1: {  	(tag) =	ssettag $0x0;
	lr =	simm.s32 $0x1  }
0x2: {  	[smem:$0x3F9D] =	sst lr;
	_ =	strace $0xD0000000  }
0x3: {  	_ = 	snop  }
0x4: {  	_ = 	snop  }
0x5: {  	_ = 	snop  }
0x6: {  	_ = 	snop  }
0x7: {  	_ = 	snop  }
__scs_overlays_trampoline_lowered:
0x8: {  	[smem:$0x3FAC] =	sst s0  }
0x9: {  	[smem:$0x3FAD] =	sst s1  }
0xa: {  	[smem:$0x3FAE] =	sst s2  }
0xb: {  	[smem:$0x3FAF] =	sst s3  }
0xc: {  	[smem:$0x3FB0] =	sst s4  }
0xd: {  	[smem:$0x3FB1] =	sst s5  }
0xe: {  	[smem:$0x3FB2] =	sst s6  }
0xf: {  	[smem:$0x3FB3] =	sst s7  }
0x10: {  	[smem:$0x3FB4] =	sst s8  }
0x11: {  	[smem:$0x3FB5] =	sst s9;
	s0 =	simm.s32 @!p0 $0x0  }
0x12: {  	s1 =	sld [smem:$0x3F9B];
	s0 =	simm.s32 @p0 $0x1  }
0x13: {  	[smem:$0x3FB6] =	sst s0;
	s0 =	simm.s32 @!p1 $0x0  }
0x14: {  	s2 =	sld [smem:$0x3F9A];
	s0 =	simm.s32 @p1 $0x1  }
0x15: {  	[smem:$0x3FB7] =	sst s0;
	s0 =	simm.s32 @!p2 $0x0  }
0x16: {  	s3 =	sld [smem:$0x3FDB];
	s0 =	simm.s32 @p2 $0x1  }
0x17: {  	s4 =	simm.s32 $0x1BF5;
	[smem:$0x3FB9] =	sst s0  }
0x18: {  	s0 =	sld [smem:$0x3F9C];
	_ =	swait.ge [sflag:s4], $0x0  }
0x19: {  	s7 =	sld [smem:$0x3F9D]  }
0x1a: {  	s8 =	sadd.s32 $0xFFFFE003, lr  }
0x1b: {  	s9 =	sadd.s32 $0xFFFFFEF7, lr;
	s5 =	simm.s32 $0xFFFFFFFF;
	p2 =	slt.u32 s8, $0xFFFFF086  }
0x1c: {  	p1 =	slt.u32 s9, $0xF7A;
	s5 =	simm.s32 @!p2 $0x0  }
0x1d: {  	s5 =	simm.s32 @p1 $0x1;
	p0 =	seq.s32 s7, s2  }
0x1e: {  	s7 =	smul.u32 @!p0 $0xF7A, s2;
	p2 =	seq.s32 @!p0 s5, $0x0  }
0x1f: {  	s9 =	smul.u32 $0xF7A, s1;
	s8 =	simm.s32 @!p0 $0x1BF5;
	p2 =	por !p2, p0  }
0x20: {  	[sflag:s8] =	ssyncset.s32 @!p0 $0xFFFFF086;
	s6 =	sadd.s32 @!p0 s3, s7;
	s7 =	simm.s32 @!p0 $0x108  }
0x21: {  	s3 =	sadd.s32 s3, s9;
	s6 =	sadd.s32 @!p0 $0x88, s6;
	s7 =	simm.s32 @p2 $0x1082  }
0x22: {  	[simem:s7], [sflag:s8] =	dma.local @!p0 [hbm:s6], $0xF7A  }
0x23: {  	s9 =	sor.u32 $0xD0000000, s2;
	s6 =	simm.s32 $0x108;
	_ =	swait.ge @!p0 [sflag:s8], $0x0  }
0x24: {  	s3 =	sadd.s32 $0x88, s3;
	s6 =	simm.s32 @!p1 $0x1082;
	[sflag:s4] =	ssyncset.s32 $0xFFFFF086  }
0x25: {  	[simem:s6], [sflag:s4] =	dma.local [hbm:s3], $0xF7A  }
0x26: {  	[smem:$0x3F9D] =	sst s1;
	(tag) =	ssettag s2;
	_ =	strace s9  }
0x27: {  	s1 =	sld [smem:$0x3FAD]  }
0x28: {  	s2 =	sld [smem:$0x3FAE]  }
0x29: {  	s4 =	sld [smem:$0x3FB0]  }
0x2a: {  	p0 =	seq.s32 s5, $0x0;
	s5 =	sld [smem:$0x3FB1]  }
0x2b: {  	s6 =	sld [smem:$0x3FB2]  }
0x2c: {  	s7 =	sld [smem:$0x3FB3]  }
0x2d: {  	s3 =	simm.s32 $0x108;
	s8 =	sld [smem:$0x3FB4]  }
0x2e: {  	s3 =	simm.s32 @!p0 $0x1082;
	s9 =	sld [smem:$0x3FB5]  }
0x2f: {  	lr =	sadd.s32 s0, s3;
	s0 =	sld [smem:$0x3FAC]  }
0x30: {  	s3 =	sld [smem:$0x3FAF]  }
0x31: {  	[smem:$0x3FB8] =	sst s10  }
0x32: {  	s10 =	sld [smem:$0x3FB6];
	_ =	sdelay $0x3  }
0x33: {  	p0 =	seq.s32 s10, $0x1;
	s10 =	sld [smem:$0x3FB8];
	_ =	sdelay $0x3  }
0x34: {  	[smem:$0x3FB8] =	sst s10  }
0x35: {  	s10 =	sld [smem:$0x3FB7];
	_ =	sdelay $0x3  }
0x36: {  	p1 =	seq.s32 s10, $0x1;
	s10 =	sld [smem:$0x3FB8];
	_ =	sdelay $0x3  }
0x37: {  	[smem:$0x3FB8] =	sst s10  }
0x38: {  	s10 =	sld [smem:$0x3FB9]  }
0x39: {  	_ = 	snop;
	(pc) =	sbr.ind lr, $3  }
0x3a: {  	_ = 	snop  }
0x3b: {  	_ = 	snop  }
0x3c: {  	p2 =	seq.s32 s10, $0x1;
	s10 =	sld [smem:$0x3FB8]  }
0x3d: {  	_ =	shalt  }
0x3e: {  	_ =	shalt  }
0x3f: {  	_ =	shalt  }
0x40: {  	_ =	shalt  }
0x41: {  	_ =	shalt  }
0x42: {  	_ =	shalt  }
0x43: {  	_ =	shalt  }
0x44: {  	_ =	shalt  }
0x45: {  	_ =	shalt  }
0x46: {  	_ =	shalt  }
0x47: {  	_ =	shalt  }
0x48: {  	_ =	shalt  }
0x49: {  	_ =	shalt  }
0x4a: {  	_ =	shalt  }
0x4b: {  	_ =	shalt  }
0x4c: {  	_ =	shalt  }
0x4d: {  	_ =	shalt  }
0x4e: {  	_ =	shalt  }
0x4f: {  	_ =	shalt  }
0x50: {  	_ =	shalt  }
0x51: {  	_ =	shalt  }
0x52: {  	_ =	shalt  }
0x53: {  	_ =	shalt  }
0x54: {  	_ =	shalt  }
0x55: {  	_ =	shalt  }
0x56: {  	_ =	shalt  }
0x57: {  	_ =	shalt  }
0x58: {  	_ =	shalt  }
0x59: {  	_ =	shalt  }
0x5a: {  	_ =	shalt  }
0x5b: {  	_ =	shalt  }
0x5c: {  	_ =	shalt  }
0x5d: {  	_ =	shalt  }
0x5e: {  	_ =	shalt  }
0x5f: {  	_ =	shalt  }
0x60: {  	_ =	shalt  }
0x61: {  	_ =	shalt  }
0x62: {  	_ =	shalt  }
0x63: {  	_ =	shalt  }
0x64: {  	_ =	shalt  }
0x65: {  	_ =	shalt  }
0x66: {  	_ =	shalt  }
0x67: {  	_ =	shalt  }
0x68: {  	_ =	shalt  }
0x69: {  	_ =	shalt  }
0x6a: {  	_ =	shalt  }
0x6b: {  	_ =	shalt  }
0x6c: {  	_ =	shalt  }
0x6d: {  	_ =	shalt  }
0x6e: {  	_ =	shalt  }
0x6f: {  	_ =	shalt  }
0x70: {  	_ =	shalt  }
0x71: {  	_ =	shalt  }
0x72: {  	_ =	shalt  }
0x73: {  	_ =	shalt  }
0x74: {  	_ =	shalt  }
0x75: {  	_ =	shalt  }
0x76: {  	_ =	shalt  }
0x77: {  	_ =	shalt  }
0x78: {  	_ =	shalt  }
0x79: {  	_ =	shalt  }
0x7a: {  	_ =	shalt  }
0x7b: {  	_ =	shalt  }
0x7c: {  	_ =	shalt  }
0x7d: {  	_ =	shalt  }
0x7e: {  	_ =	shalt  }
0x7f: {  	_ =	shalt  }
0x80: {  	_ =	shalt  }
0x81: {  	_ =	shalt  }
0x82: {  	_ =	shalt  }
0x83: {  	_ =	shalt  }
0x84: {  	_ =	shalt  }
0x85: {  	_ =	shalt  }
0x86: {  	_ =	shalt  }
0x87: {  	_ =	shalt  }
.Lfunc_end0:
.L_simem_size_0:
called_computation_lowered:
.L_overlay_start_0:
0x88: {  	s2 =	sld [smem:$0x3FD9]  }
0x89: {  	s3 =	sld [smem:$0x3FFE];
	_ =	sdelay $0x1  }
0x8a: {  	s1 =	srdreg.scid  }
0x8b: {  	s0 =	sand.u32 $0x1, s1  }
0x8c: {  	s17 =	sshll.u32 s0, $0xA;
	s2 =	sadd.s32 s3, s2  }
0x8d: {  	s2 =	sadd.s32 s2, s17  }
0x8e: {  	[smem:$0x3FC4] =	sst s2  }
0x8f: {  	_ = 	snop  }
0x90: {  	s2 =	sld [smem:$0x3FC6]  }
0x91: {  	s18 =	sld [smem:$0x3FD0];
	(tm) =	ssettm $0x1  }
0x92: {  	s4 =	sld [smem:$0x3FFB];
	_ =	sdelay $0x3  }
0x93: {  	_ =	strace s4  }
0x94: {  	s4 =	sld [smem:$0x3FFC];
	_ =	sdelay $0x3  }
0x95: {  	_ =	strace s4  }
0x96: {  	s4 =	sld [smem:$0x3FFD];
	_ =	sdelay $0x3  }
0x97: {  	_ =	strace s4  }
0x98: {  	_ =	strace $0x8FFFFFFF  }
0x99: {  	s19 =	sld [smem:$0x3FDB];
	_ =	sdelay $0x1  }
0x9a: {  	s5 =	simm.s32 $_scs_section_size  }
0x9b: {  	s6 =	simm.s32 $_size__tile_overlayer_lowered;
	s7 =	simm.s32 $_tile_overlayer_lowered  }
0x9c: {  	s22 =	simm.s32 $0x1BFF;
	s21 =	sshll.u32 s7, $0x1;
	s4 =	sadd.s32 s5, s19  }
0x9d: {  	s8 =	simm.s32 $0x0;
	s20 =	sshll.u32 s6, $0x1;
	s6 =	sadd.s32 s21, s4  }
0x9e: {  	[timem:s8], [sflag:s22] =	dma.local [hbm:s6], s20  }
0x9f: {  	_ =	swait.ge [sflag:s22], s20  }
0xa0: {  	s5 =	ssub.s32 $0x0, s20;
	[sflag:s22] =	ssyncset.done $0x0  }
0xa1: {  	[sflag:s22] =	ssyncadd.s32 s5;
	_ =	sdelay $0x1  }
0xa2: {  	s23 =	simm.s32 $0x1B8B  }
0xa3: {  	_ =	swait.ge [sflag:s23], $0x1  }
0xa4: {  	[sflag:s23] =	ssyncset.done $0x0  }
0xa5: {  	s25 =	simm.s32 $0x1B8E;
	s24 =	sld [smem:$0x3FFE];
	[sflag:s23] =	ssyncadd.s32 $0xFFFFFFFF  }
0xa6: {  	s26 =	simm.s32 $execute0_lowered;
	[smem:$0x3FD2] =	sst s25  }
0xa7: {  	s6 =	sshll.u32 s26, $0x1;
	_ =	strace $0x80000046;
	[dreg:$0x1] =	wrdreg $0xFFFFFFFF  }
0xa8: {  	s28 =	simm.s32 $_size_execute0_lowered;
	s4 =	sadd.s32 s4, s6;
	[dreg:$0x0] =	wrdreg $0x0  }
0xa9: {  	s6 =	sshll.u32 s28, $0x1;
	[dreg:$0x2] =	wrdreg s4  }
0xaa: {  	[dreg:$0x3] =	wrdreg s6  }
0xab: {  	[dreg:$0x4] =	wrdreg $0xC0  }
0xac: {  	_ =	task [dreg:s8], $0x5FFFF  }
0xad: {  	[dreg:$0x1] =	wrdreg $0xFFFFFFFF  }
0xae: {  	[dreg:$0x0] =	wrdreg $0x60  }
0xaf: {  	[dreg:$0x2] =	wrdreg s24  }
0xb0: {  	[dreg:$0x3] =	wrdreg s2  }
0xb1: {  	[dreg:$0x4] =	wrdreg s18  }
0xb2: {  	[dreg:$0x5] =	wrdreg $0x9  }
0xb3: {  	_ =	task.clear_ibuf [dreg:s8], $0x6FFFF;
	_ =	strace $0x90000046  }
0xb4: {  	s29 =	simm.s32 $0x9;
	_ =	strace $0x80000048  }
0xb5: {  	_ =	swait.ge [sflag:s29], $0x1  }
0xb6: {  	[sflag:s29] =	ssyncadd.s32 $0xFFFFFFFF  }
0xb7: {  	_ =	strace $0x90000048  }
0xb8: {  	_ =	sfence  }
0xb9: {  	s30 =	sld [smem:$0x0];
	_ =	sdelay $0x2  }
0xba: {  	s31 =	sshll.u32 s1, $0xD;
	s1 =	sshrl.u32 s1, $0x2  }
0xbb: {  	s3 =	sand.u32 $0x4000, s31;
	s1 =	sadd.s32 s1, s30  }
0xbc: {  	s0 =	sor.u32 s3, s0;
	s1 =	sshll.u32 s1, $0x11  }
0xbd: {  	s0 =	sor.u32 s1, s0  }
0xbe: {  	s0 =	sadd.s32 $0x8F2B, s0  }
0xbf: {  	[sflag:s0] =	ssyncadd.remote.s32 $0x1  }
0xc0: {  	_ =	sfence.sel $0xFFFF  }
0xc1: {  	[dreg:$0x0] =	wrdreg $0xFFFFFFFF;
	(pc) =	sbr.abs _section_cstart, $3  }
0xc2: {  	[dreg:$0x1] =	wrdreg $0xFFFFFFFF  }
0xc3: {  	_ =	task.clear_ibuf [dreg:s8], $0x2FFFF;
	_ =	strace $0x9FFFFFFF  }
0xc4: {  	(tm) =	ssettm $0x7FFFFFFF  }
0xc5: {  	_ =	shalt  }
tec
execute0_lowered:
.L_overlay_start_1:
0x0: {  	(tag) =	ssettag $0x1  }
0x1: {  	s0 =	rddreg [dreg:$0x0]  }
0x2: {  	s2 =	rddreg [dreg:$0x1]  }
0x3: {  	s11 =	rddreg [dreg:$0x2];
	s1 =	simm.s32 $0x0  }
0x4: {  	s3 =	srdreg.scid;
	s8 =	stileid.u32;
	s21 =	simm.s32 $0x5  }
0x5: {  	s28 =	simm.s32 $0xC100;
	s22 =	simm.s32 $0x1;
	s24 =	simm.s32 $0x2  }
0x6: {  	[smem:$0x7FF] =	sst s1;
	s5 =	sand.u32 $0x1, s3;
	s3 =	sadd.s32 $0x180800, s0  }
0x7: {  	s4 =	sadd.s32 $0x800, s0;
	s19 =	sadd.s32 $0x780800, s0;
	s9 =	sadd.s32 $0x180C00, s0  }
0x8: {  	s29 =	simm.s32 $0x0;
	s10 =	sadd.s32 $0x180D00, s0;
	s12 =	sadd.s32 $0x180E00, s0  }
0x9: {  	s25 =	sshll.u32 s8, $0x3;
	s13 =	sadd.s32 $0x180F00, s0;
	s14 =	sadd.s32 $0x181000, s0  }
0xa: {  	s16 =	sadd.s32 $0x181200, s0;
	s17 =	sadd.s32 $0x181300, s0;
	s26 =	sshll.u32 s5, $0x2  }
0xb: {  	_ =	strace $0x80000047;
	s6 =	ssub.s32 $0x2, s5;
	s15 =	sor.u32 s26, s25  }
0xc: {  	s5 =	sadd.s32 $0x180900, s0;
	s7 =	sshrl.u32 s6, $0x1;
	s30 =	smul.u32 $0x6000, s15  }
.Ltmp0:
0xd: {  	s25 =	simm.s32 $0x3;
	s26 =	simm.s32 $0x4;
	(pc) =	sbr.rel .LBB2_1-.Ltmp0, $4  }
0xe: {  	s20 =	ssub.s32 s6, s7;
	s6 =	sadd.s32 $0x180A00, s0;
	s7 =	sadd.s32 $0x180B00, s0  }
0xf: {  	v2 =	vlaneseq.u32;
	s8 =	sadd.s32 s2, s15;
	s18 =	smul.u32 $0xC00, s15;
	s2 =	sshrl.u32 s30, $0x3  }
0x10: {  	vm0 =	vmmov $0xffff;
	v1 =	vshrl.u32 v2, $0x3;
	s11 =	sadd.s32 s11, s15;
	s15 =	sadd.s32 $0x181100, s0;
	s31 =	sadd.s32 s19, s2  }
0x11: {  	v0 =	vand.u32 $0x7, v2;
	v2 =	vor.u32 $0x8, v2;
	v1 =	vmul.u32 $0x8, v1;
	s20 =	smax.u32 s20, $0x1;
	s18 =	sadd.s32 s19, s18;
	s19 =	sadd.s32 $0x1800, s31  }
.LBB2_129:
0x12: {  	[hbm4b:s19+s1] =	stream.linear.scatter [tilespmem:s28], [sflag:$0x4], $0xC000, $0x38;
	[tilespmem:$0x18100] =	vst v63  }
0x13: {  	s29 =	sadd.s32 $0x1, s29  }
0x14: {  	_ =	swait.ge [sflag:s25], $0xC000;
	p0 =	sne.s32 s29, s20  }
.Ltmp1:
0x15: {  	[sflag:s25] =	ssyncset.done $0x0;
	(pc) =	sbr.rel @!p0 .LBB2_130-.Ltmp1, $4  }
0x16: {  	[sflag:s25] =	ssyncadd.s32 $0xFFFF4000  }
0x17: {  	_ =	swait.ge [sflag:s26], $0xC000  }
0x18: {  	[sflag:s26] =	ssyncset.done $0x0  }
0x19: {  	[sflag:s26] =	ssyncadd.s32 $0xFFFF4000  }
.LBB2_1:
0x1a: {  	[tilespmem:s1], [sflag:$0x5] =	stream.linear.gather [hbm4b:s8+s1], $0x20, $0x38;
	[tilespmem:$0x18100] =	vst v63  }
0x1b: {  	_ =	swait.ge [sflag:s21], $0x20  }
0x1c: {  	[sflag:s21] =	ssyncset.done $0x0  }
0x1d: {  	s0 =	simm.s32 $0x80;
	[sflag:s21] =	ssyncadd.s32 $0xFFFFFFE0  }
0x1e: {  	[tilespmem:s0], [sflag:$0x5] =	stream.linear.gather [hbm4b:s11+s1], $0x20, $0x38;
	[tilespmem:$0x18100] =	vst v63  }
0x1f: {  	_ =	swait.ge [sflag:s21], $0x20  }
0x20: {  	[sflag:s21] =	ssyncset.done $0x0  }
0x21: {  	[sflag:s21] =	ssyncadd.s32 $0xFFFFFFE0  }
0x22: {  	v3 =	vld [tilespmem:$0x0];
	_ =	sdelay $0x4  }
0x23: {  	v4 =	vshrl.u32 v3, $0x3  }
0x24: {  	v4 =	vmul.u32 $0xC0, v4  }
0x25: {  	v3 =	vand.u32 $0x7, v3  }
0x26: {  	v3 =	vor.u32 v3, v4  }
0x27: {  	v4 =	vperm.xlane v3, v0;
	_ =	sdelay $0x1  }
0x28: {  	v4 =	vadd.s32 v1, v4;
	_ =	sdelay $0x3  }
0x29: {  	s23 =	simm.s32 $0x100  }
0x2a: {  	[tilespmem:s23], [sflag:$0x1] =	stream.indirect_vreg.gather [hbm4b:s3+s1], $0x80, v4, vm0, $0xb8;
	[tilespmem:$0x18100] =	vst v63  }
0x2b: {  	s30 =	simm.s32 $0x900  }
0x2c: {  	[tilespmem:s30], [sflag:$0x1] =	stream.indirect_vreg.gather [hbm4b:s5+s1], $0x80, v4, vm0, $0xb8;
	[tilespmem:$0x18100] =	vst v63  }
0x2d: {  	s31 =	simm.s32 $0x1100  }
0x2e: {  	[tilespmem:s31], [sflag:$0x1] =	stream.indirect_vreg.gather [hbm4b:s6+s1], $0x80, v4, vm0, $0xb8;
	[tilespmem:$0x18100] =	vst v63  }
0x2f: {  	s2 =	simm.s32 $0x1900  }
0x30: {  	[tilespmem:s2], [sflag:$0x1] =	stream.indirect_vreg.gather [hbm4b:s7+s1], $0x80, v4, vm0, $0xb8;
	[tilespmem:$0x18100] =	vst v63  }
0x31: {  	s23 =	simm.s32 $0x2100  }
0x32: {  	[tilespmem:s23], [sflag:$0x1] =	stream.indirect_vreg.gather [hbm4b:s9+s1], $0x80, v4, vm0, $0xb8;
	[tilespmem:$0x18100] =	vst v63  }
0x33: {  	s30 =	simm.s32 $0x2900  }
0x34: {  	[tilespmem:s30], [sflag:$0x1] =	stream.indirect_vreg.gather [hbm4b:s10+s1], $0x80, v4, vm0, $0xb8;
	[tilespmem:$0x18100] =	vst v63  }
0x35: {  	s31 =	simm.s32 $0x3100  }
0x36: {  	[tilespmem:s31], [sflag:$0x1] =	stream.indirect_vreg.gather [hbm4b:s12+s1], $0x80, v4, vm0, $0xb8;
	[tilespmem:$0x18100] =	vst v63  }
0x37: {  	s2 =	simm.s32 $0x3900  }
0x38: {  	[tilespmem:s2], [sflag:$0x1] =	stream.indirect_vreg.gather [hbm4b:s13+s1], $0x80, v4, vm0, $0xb8;
	[tilespmem:$0x18100] =	vst v63  }
0x39: {  	s23 =	simm.s32 $0x4100  }
0x3a: {  	[tilespmem:s23], [sflag:$0x1] =	stream.indirect_vreg.gather [hbm4b:s14+s1], $0x80, v4, vm0, $0xb8;
	[tilespmem:$0x18100] =	vst v63  }
0x3b: {  	v3 =	vperm.xlane v3, v2;
	s30 =	simm.s32 $0x4900  }
0x3c: {  	[tilespmem:s30], [sflag:$0x1] =	stream.indirect_vreg.gather [hbm4b:s15+s1], $0x80, v4, vm0, $0xb8;
	[tilespmem:$0x18100] =	vst v63  }
0x3d: {  	v3 =	vadd.s32 v1, v3;
	s31 =	simm.s32 $0x5100  }
0x3e: {  	[tilespmem:s31], [sflag:$0x1] =	stream.indirect_vreg.gather [hbm4b:s16+s1], $0x80, v4, vm0, $0xb8;
	[tilespmem:$0x18100] =	vst v63  }
0x3f: {  	s2 =	simm.s32 $0x5900  }
0x40: {  	[tilespmem:s2], [sflag:$0x1] =	stream.indirect_vreg.gather [hbm4b:s17+s1], $0x80, v4, vm0, $0xb8;
	[tilespmem:$0x18100] =	vst v63  }
0x41: {  	s23 =	simm.s32 $0x6100  }
0x42: {  	[tilespmem:s23], [sflag:$0x1] =	stream.indirect_vreg.gather [hbm4b:s3+s1], $0x80, v3, vm0, $0xb8;
	[tilespmem:$0x18100] =	vst v63  }
0x43: {  	s30 =	simm.s32 $0x6900  }
0x44: {  	[tilespmem:s30], [sflag:$0x1] =	stream.indirect_vreg.gather [hbm4b:s5+s1], $0x80, v3, vm0, $0xb8;
	[tilespmem:$0x18100] =	vst v63  }
0x45: {  	s31 =	simm.s32 $0x7100  }
0x46: {  	[tilespmem:s31], [sflag:$0x1] =	stream.indirect_vreg.gather [hbm4b:s6+s1], $0x80, v3, vm0, $0xb8;
	[tilespmem:$0x18100] =	vst v63  }
0x47: {  	s2 =	simm.s32 $0x7900  }
0x48: {  	[tilespmem:s2], [sflag:$0x1] =	stream.indirect_vreg.gather [hbm4b:s7+s1], $0x80, v3, vm0, $0xb8;
	[tilespmem:$0x18100] =	vst v63  }
0x49: {  	s23 =	simm.s32 $0x8100  }
0x4a: {  	[tilespmem:s23], [sflag:$0x1] =	stream.indirect_vreg.gather [hbm4b:s9+s1], $0x80, v3, vm0, $0xb8;
	[tilespmem:$0x18100] =	vst v63  }
0x4b: {  	s30 =	simm.s32 $0x8900  }
0x4c: {  	[tilespmem:s30], [sflag:$0x1] =	stream.indirect_vreg.gather [hbm4b:s10+s1], $0x80, v3, vm0, $0xb8;
	[tilespmem:$0x18100] =	vst v63  }
0x4d: {  	s31 =	simm.s32 $0x9100  }
0x4e: {  	[tilespmem:s31], [sflag:$0x1] =	stream.indirect_vreg.gather [hbm4b:s12+s1], $0x80, v3, vm0, $0xb8;
	[tilespmem:$0x18100] =	vst v63  }
0x4f: {  	s2 =	simm.s32 $0x9900  }
0x50: {  	[tilespmem:s2], [sflag:$0x1] =	stream.indirect_vreg.gather [hbm4b:s13+s1], $0x80, v3, vm0, $0xb8;
	[tilespmem:$0x18100] =	vst v63  }
0x51: {  	s23 =	simm.s32 $0xA100  }
0x52: {  	[tilespmem:s23], [sflag:$0x1] =	stream.indirect_vreg.gather [hbm4b:s14+s1], $0x80, v3, vm0, $0xb8;
	[tilespmem:$0x18100] =	vst v63  }
0x53: {  	s30 =	simm.s32 $0xA900  }
0x54: {  	[tilespmem:s30], [sflag:$0x1] =	stream.indirect_vreg.gather [hbm4b:s15+s1], $0x80, v3, vm0, $0xb8;
	[tilespmem:$0x18100] =	vst v63  }
0x55: {  	s31 =	simm.s32 $0xB100  }
0x56: {  	[tilespmem:s31], [sflag:$0x1] =	stream.indirect_vreg.gather [hbm4b:s16+s1], $0x80, v3, vm0, $0xb8;
	[tilespmem:$0x18100] =	vst v63  }
0x57: {  	s2 =	simm.s32 $0xB900  }
0x58: {  	[tilespmem:s2], [sflag:$0x1] =	stream.indirect_vreg.gather [hbm4b:s17+s1], $0x80, v3, vm0, $0xb8;
	[tilespmem:$0x18100] =	vst v63  }
0x59: {  	v3 =	vld [tilespmem:$0x10];
	_ =	sdelay $0x4  }
0x5a: {  	v4 =	vshrl.u32 v3, $0x3  }
0x5b: {  	v4 =	vmul.u32 $0xC0, v4  }
0x5c: {  	v3 =	vand.u32 $0x7, v3  }
0x5d: {  	v3 =	vor.u32 v3, v4  }
0x5e: {  	v4 =	vperm.xlane v3, v0;
	_ =	sdelay $0x1  }
0x5f: {  	v4 =	vadd.s32 v1, v4;
	_ =	sdelay $0x4  }
0x60: {  	[tilespmem:s28], [sflag:$0x2] =	stream.indirect_vreg.gather [hbm4b:s3+s1], $0x80, v4, vm0, $0xb8;
	[tilespmem:$0x18100] =	vst v63  }
0x61: {  	s23 =	simm.s32 $0xC900  }
0x62: {  	[tilespmem:s23], [sflag:$0x2] =	stream.indirect_vreg.gather [hbm4b:s5+s1], $0x80, v4, vm0, $0xb8;
	[tilespmem:$0x18100] =	vst v63  }
0x63: {  	s30 =	simm.s32 $0xD100  }
0x64: {  	[tilespmem:s30], [sflag:$0x2] =	stream.indirect_vreg.gather [hbm4b:s6+s1], $0x80, v4, vm0, $0xb8;
	[tilespmem:$0x18100] =	vst v63  }
0x65: {  	s31 =	simm.s32 $0xD900  }
0x66: {  	[tilespmem:s31], [sflag:$0x2] =	stream.indirect_vreg.gather [hbm4b:s7+s1], $0x80, v4, vm0, $0xb8;
	[tilespmem:$0x18100] =	vst v63  }
0x67: {  	s2 =	simm.s32 $0xE100  }
0x68: {  	[tilespmem:s2], [sflag:$0x2] =	stream.indirect_vreg.gather [hbm4b:s9+s1], $0x80, v4, vm0, $0xb8;
	[tilespmem:$0x18100] =	vst v63  }
0x69: {  	s23 =	simm.s32 $0xE900  }
0x6a: {  	[tilespmem:s23], [sflag:$0x2] =	stream.indirect_vreg.gather [hbm4b:s10+s1], $0x80, v4, vm0, $0xb8;
	[tilespmem:$0x18100] =	vst v63  }
0x6b: {  	s30 =	simm.s32 $0xF100  }
0x6c: {  	[tilespmem:s30], [sflag:$0x2] =	stream.indirect_vreg.gather [hbm4b:s12+s1], $0x80, v4, vm0, $0xb8;
	[tilespmem:$0x18100] =	vst v63  }
0x6d: {  	s31 =	simm.s32 $0xF900  }
0x6e: {  	[tilespmem:s31], [sflag:$0x2] =	stream.indirect_vreg.gather [hbm4b:s13+s1], $0x80, v4, vm0, $0xb8;
	[tilespmem:$0x18100] =	vst v63  }
0x6f: {  	s2 =	simm.s32 $0x10100  }
0x70: {  	[tilespmem:s2], [sflag:$0x2] =	stream.indirect_vreg.gather [hbm4b:s14+s1], $0x80, v4, vm0, $0xb8;
	[tilespmem:$0x18100] =	vst v63  }
0x71: {  	v3 =	vperm.xlane v3, v2;
	s23 =	simm.s32 $0x10900  }
0x72: {  	[tilespmem:s23], [sflag:$0x2] =	stream.indirect_vreg.gather [hbm4b:s15+s1], $0x80, v4, vm0, $0xb8;
	[tilespmem:$0x18100] =	vst v63  }
0x73: {  	v3 =	vadd.s32 v1, v3;
	s30 =	simm.s32 $0x11100  }
0x74: {  	[tilespmem:s30], [sflag:$0x2] =	stream.indirect_vreg.gather [hbm4b:s16+s1], $0x80, v4, vm0, $0xb8;
	[tilespmem:$0x18100] =	vst v63  }
0x75: {  	s31 =	simm.s32 $0x11900  }
0x76: {  	[tilespmem:s31], [sflag:$0x2] =	stream.indirect_vreg.gather [hbm4b:s17+s1], $0x80, v4, vm0, $0xb8;
	[tilespmem:$0x18100] =	vst v63  }
0x77: {  	s2 =	simm.s32 $0x12100  }
0x78: {  	[tilespmem:s2], [sflag:$0x2] =	stream.indirect_vreg.gather [hbm4b:s3+s1], $0x80, v3, vm0, $0xb8;
	[tilespmem:$0x18100] =	vst v63  }
0x79: {  	s23 =	simm.s32 $0x12900  }
0x7a: {  	[tilespmem:s23], [sflag:$0x2] =	stream.indirect_vreg.gather [hbm4b:s5+s1], $0x80, v3, vm0, $0xb8;
	[tilespmem:$0x18100] =	vst v63  }
0x7b: {  	s30 =	simm.s32 $0x13100  }
0x7c: {  	[tilespmem:s30], [sflag:$0x2] =	stream.indirect_vreg.gather [hbm4b:s6+s1], $0x80, v3, vm0, $0xb8;
	[tilespmem:$0x18100] =	vst v63  }
0x7d: {  	s31 =	simm.s32 $0x13900  }
0x7e: {  	[tilespmem:s31], [sflag:$0x2] =	stream.indirect_vreg.gather [hbm4b:s7+s1], $0x80, v3, vm0, $0xb8;
	[tilespmem:$0x18100] =	vst v63  }
0x7f: {  	s2 =	simm.s32 $0x14100  }
0x80: {  	[tilespmem:s2], [sflag:$0x2] =	stream.indirect_vreg.gather [hbm4b:s9+s1], $0x80, v3, vm0, $0xb8;
	[tilespmem:$0x18100] =	vst v63  }
0x81: {  	s23 =	simm.s32 $0x14900  }
0x82: {  	[tilespmem:s23], [sflag:$0x2] =	stream.indirect_vreg.gather [hbm4b:s10+s1], $0x80, v3, vm0, $0xb8;
	[tilespmem:$0x18100] =	vst v63  }
0x83: {  	s30 =	simm.s32 $0x15100  }
0x84: {  	[tilespmem:s30], [sflag:$0x2] =	stream.indirect_vreg.gather [hbm4b:s12+s1], $0x80, v3, vm0, $0xb8;
	[tilespmem:$0x18100] =	vst v63  }
0x85: {  	s31 =	simm.s32 $0x15900  }
0x86: {  	[tilespmem:s31], [sflag:$0x2] =	stream.indirect_vreg.gather [hbm4b:s13+s1], $0x80, v3, vm0, $0xb8;
	[tilespmem:$0x18100] =	vst v63  }
0x87: {  	s2 =	simm.s32 $0x16100  }
0x88: {  	[tilespmem:s2], [sflag:$0x2] =	stream.indirect_vreg.gather [hbm4b:s14+s1], $0x80, v3, vm0, $0xb8;
	[tilespmem:$0x18100] =	vst v63  }
0x89: {  	s23 =	simm.s32 $0x16900  }
0x8a: {  	[tilespmem:s23], [sflag:$0x2] =	stream.indirect_vreg.gather [hbm4b:s15+s1], $0x80, v3, vm0, $0xb8;
	[tilespmem:$0x18100] =	vst v63  }
0x8b: {  	s30 =	simm.s32 $0x17100  }
0x8c: {  	[tilespmem:s30], [sflag:$0x2] =	stream.indirect_vreg.gather [hbm4b:s16+s1], $0x80, v3, vm0, $0xb8;
	[tilespmem:$0x18100] =	vst v63  }
0x8d: {  	s31 =	simm.s32 $0x17900  }
0x8e: {  	[tilespmem:s31], [sflag:$0x2] =	stream.indirect_vreg.gather [hbm4b:s17+s1], $0x80, v3, vm0, $0xb8;
	[tilespmem:$0x18100] =	vst v63  }
0x8f: {  	_ =	swait.ge [sflag:s22], $0xC000  }
0x90: {  	[sflag:s22] =	ssyncset.done $0x0  }
0x91: {  	[sflag:s22] =	ssyncadd.s32 $0xFFFF4000  }
0x92: {  	v3 =	vld [tilespmem:$0x80];
	_ =	sdelay $0x4  }
0x93: {  	(v2sf) =	vpush v3, $0x0;
	_ =	sdelay $0xe  }
0x94: {  	s0 =	spop (v2sf)  }
0x95: {  	p0 =	slt.s32 s0, $0x0  }
.Ltmp2:
0x96: {  	_ = 	snop;
	(pc) =	sbr.rel @p0 .LBB2_5-.Ltmp2, $1  }
0x97: {  	_ =	sdelay $0x3  }
0x98: {  	s2 =	sshrl.u32 s0, $0x3  }
0x99: {  	s23 =	sshll.u32 s0, $0x7;
	s2 =	smul.u32 $0x6000, s2  }
0x9a: {  	s0 =	sand.u32 $0x380, s23  }
0x9b: {  	s0 =	sor.u32 s0, s2  }
0x9c: {  	s0 =	sshrl.u32 s0, $0x3  }
0x9d: {  	s31 =	simm.s32 $0x100;
	s30 =	sadd.s32 s4, s0  }
0x9e: {  	s2 =	simm.s32 $0x500;
	s0 =	simm.s32 $0x80;
	s23 =	sadd.s32 $0x0, s30  }
.LBB2_3:
0x9f: {  	[tilespmem:s31], [sflag:$0x5] =	stream.linear.gather [hbm4b:s23+s1], $0x80, $0x38;
	[tilespmem:$0x18100] =	vst v63  }
0xa0: {  	s23 =	smov.u32 s0;
	s31 =	smov.u32 s2;
	p0 =	sne.s32 s0, $0xB80  }
.Ltmp3:
0xa1: {  	s0 =	sadd.s32 $0x80, s0;
	(pc) =	sbr.rel @p0 .LBB2_3-.Ltmp3, $2  }
0xa2: {  	_ =	sdelay $0x2  }
0xa3: {  	s2 =	sadd.s32 $0x400, s2;
	s23 =	sadd.s32 s23, s30  }
0xa4: {  	[tilespmem:s31], [sflag:$0x5] =	stream.linear.gather [hbm4b:s23+s1], $0x80, $0x38;
	[tilespmem:$0x18100] =	vst v63  }
0xa5: {  	_ =	swait.ge [sflag:s21], $0xC00  }
0xa6: {  	[sflag:s21] =	ssyncset.done $0x0  }
0xa7: {  	[sflag:s21] =	ssyncadd.s32 $0xFFFFF400  }
.LBB2_5:
0xa8: {  	(v2sf) =	vpush v3, $0x1;
	_ =	sdelay $0xe  }
0xa9: {  	s0 =	spop (v2sf)  }
0xaa: {  	p0 =	slt.s32 s0, $0x0  }
.Ltmp4:
0xab: {  	_ = 	snop;
	(pc) =	sbr.rel @p0 .LBB2_9-.Ltmp4, $1  }
0xac: {  	_ =	sdelay $0x3  }
0xad: {  	s2 =	sshrl.u32 s0, $0x3  }
0xae: {  	s23 =	sshll.u32 s0, $0x7;
	s2 =	smul.u32 $0x6000, s2  }
0xaf: {  	s0 =	sand.u32 $0x380, s23  }
0xb0: {  	s0 =	sor.u32 s0, s2  }
0xb1: {  	s0 =	sshrl.u32 s0, $0x3  }
0xb2: {  	s31 =	simm.s32 $0x180;
	s30 =	sadd.s32 s4, s0  }
0xb3: {  	s2 =	simm.s32 $0x580;
	s0 =	simm.s32 $0x80;
	s23 =	sadd.s32 $0x0, s30  }
.LBB2_7:
0xb4: {  	[tilespmem:s31], [sflag:$0x5] =	stream.linear.gather [hbm4b:s23+s1], $0x80, $0x38;
	[tilespmem:$0x18100] =	vst v63  }
0xb5: {  	s23 =	smov.u32 s0;
	s31 =	smov.u32 s2;
	p0 =	sne.s32 s0, $0xB80  }
.Ltmp5:
0xb6: {  	s0 =	sadd.s32 $0x80, s0;
	(pc) =	sbr.rel @p0 .LBB2_7-.Ltmp5, $2  }
0xb7: {  	_ =	sdelay $0x2  }
0xb8: {  	s2 =	sadd.s32 $0x400, s2;
	s23 =	sadd.s32 s23, s30  }
0xb9: {  	[tilespmem:s31], [sflag:$0x5] =	stream.linear.gather [hbm4b:s23+s1], $0x80, $0x38;
	[tilespmem:$0x18100] =	vst v63  }
0xba: {  	_ =	swait.ge [sflag:s21], $0xC00  }
0xbb: {  	[sflag:s21] =	ssyncset.done $0x0  }
0xbc: {  	[sflag:s21] =	ssyncadd.s32 $0xFFFFF400  }
.LBB2_9:
0xbd: {  	(v2sf) =	vpush v3, $0x2;
	_ =	sdelay $0xe  }
0xbe: {  	s0 =	spop (v2sf)  }
0xbf: {  	p0 =	slt.s32 s0, $0x0  }
.Ltmp6:
0xc0: {  	_ = 	snop;
	(pc) =	sbr.rel @p0 .LBB2_13-.Ltmp6, $1  }
0xc1: {  	_ =	sdelay $0x3  }
0xc2: {  	s2 =	sshrl.u32 s0, $0x3  }
0xc3: {  	s23 =	sshll.u32 s0, $0x7;
	s2 =	smul.u32 $0x6000, s2  }
0xc4: {  	s0 =	sand.u32 $0x380, s23  }
0xc5: {  	s0 =	sor.u32 s0, s2  }
0xc6: {  	s0 =	sshrl.u32 s0, $0x3  }
0xc7: {  	s31 =	simm.s32 $0x200;
	s30 =	sadd.s32 s4, s0  }
0xc8: {  	s2 =	simm.s32 $0x600;
	s0 =	simm.s32 $0x80;
	s23 =	sadd.s32 $0x0, s30  }
.LBB2_11:
0xc9: {  	[tilespmem:s31], [sflag:$0x5] =	stream.linear.gather [hbm4b:s23+s1], $0x80, $0x38;
	[tilespmem:$0x18100] =	vst v63  }
0xca: {  	s23 =	smov.u32 s0;
	s31 =	smov.u32 s2;
	p0 =	sne.s32 s0, $0xB80  }
.Ltmp7:
0xcb: {  	s0 =	sadd.s32 $0x80, s0;
	(pc) =	sbr.rel @p0 .LBB2_11-.Ltmp7, $2  }
0xcc: {  	_ =	sdelay $0x2  }
0xcd: {  	s2 =	sadd.s32 $0x400, s2;
	s23 =	sadd.s32 s23, s30  }
0xce: {  	[tilespmem:s31], [sflag:$0x5] =	stream.linear.gather [hbm4b:s23+s1], $0x80, $0x38;
	[tilespmem:$0x18100] =	vst v63  }
0xcf: {  	_ =	swait.ge [sflag:s21], $0xC00  }
0xd0: {  	[sflag:s21] =	ssyncset.done $0x0  }
0xd1: {  	[sflag:s21] =	ssyncadd.s32 $0xFFFFF400  }
.LBB2_13:
0xd2: {  	(v2sf) =	vpush v3, $0x3;
	_ =	sdelay $0xe  }
0xd3: {  	s0 =	spop (v2sf)  }
0xd4: {  	p0 =	slt.s32 s0, $0x0  }
.Ltmp8:
0xd5: {  	_ = 	snop;
	(pc) =	sbr.rel @p0 .LBB2_17-.Ltmp8, $1  }
0xd6: {  	_ =	sdelay $0x3  }
0xd7: {  	s2 =	sshrl.u32 s0, $0x3  }
0xd8: {  	s23 =	sshll.u32 s0, $0x7;
	s2 =	smul.u32 $0x6000, s2  }
0xd9: {  	s0 =	sand.u32 $0x380, s23  }
0xda: {  	s0 =	sor.u32 s0, s2  }
0xdb: {  	s0 =	sshrl.u32 s0, $0x3  }
0xdc: {  	s31 =	simm.s32 $0x280;
	s30 =	sadd.s32 s4, s0  }
0xdd: {  	s2 =	simm.s32 $0x680;
	s0 =	simm.s32 $0x80;
	s23 =	sadd.s32 $0x0, s30  }
.LBB2_15:
0xde: {  	[tilespmem:s31], [sflag:$0x5] =	stream.linear.gather [hbm4b:s23+s1], $0x80, $0x38;
	[tilespmem:$0x18100] =	vst v63  }
0xdf: {  	s23 =	smov.u32 s0;
	s31 =	smov.u32 s2;
	p0 =	sne.s32 s0, $0xB80  }
.Ltmp9:
0xe0: {  	s0 =	sadd.s32 $0x80, s0;
	(pc) =	sbr.rel @p0 .LBB2_15-.Ltmp9, $2  }
0xe1: {  	_ =	sdelay $0x2  }
0xe2: {  	s2 =	sadd.s32 $0x400, s2;
	s23 =	sadd.s32 s23, s30  }
0xe3: {  	[tilespmem:s31], [sflag:$0x5] =	stream.linear.gather [hbm4b:s23+s1], $0x80, $0x38;
	[tilespmem:$0x18100] =	vst v63  }
0xe4: {  	_ =	swait.ge [sflag:s21], $0xC00  }
0xe5: {  	[sflag:s21] =	ssyncset.done $0x0  }
0xe6: {  	[sflag:s21] =	ssyncadd.s32 $0xFFFFF400  }
.LBB2_17:
0xe7: {  	(v2sf) =	vpush v3, $0x4;
	_ =	sdelay $0xe  }
0xe8: {  	s0 =	spop (v2sf)  }
0xe9: {  	p0 =	slt.s32 s0, $0x0  }
.Ltmp10:
0xea: {  	_ = 	snop;
	(pc) =	sbr.rel @p0 .LBB2_21-.Ltmp10, $1  }
0xeb: {  	_ =	sdelay $0x3  }
0xec: {  	s2 =	sshrl.u32 s0, $0x3  }
0xed: {  	s23 =	sshll.u32 s0, $0x7;
	s2 =	smul.u32 $0x6000, s2  }
0xee: {  	s0 =	sand.u32 $0x380, s23  }
0xef: {  	s0 =	sor.u32 s0, s2  }
0xf0: {  	s0 =	sshrl.u32 s0, $0x3  }
0xf1: {  	s31 =	simm.s32 $0x300;
	s30 =	sadd.s32 s4, s0  }
0xf2: {  	s2 =	simm.s32 $0x700;
	s0 =	simm.s32 $0x80;
	s23 =	sadd.s32 $0x0, s30  }
.LBB2_19:
0xf3: {  	[tilespmem:s31], [sflag:$0x5] =	stream.linear.gather [hbm4b:s23+s1], $0x80, $0x38;
	[tilespmem:$0x18100] =	vst v63  }
0xf4: {  	s23 =	smov.u32 s0;
	s31 =	smov.u32 s2;
	p0 =	sne.s32 s0, $0xB80  }
.Ltmp11:
0xf5: {  	s0 =	sadd.s32 $0x80, s0;
	(pc) =	sbr.rel @p0 .LBB2_19-.Ltmp11, $2  }
0xf6: {  	_ =	sdelay $0x2  }
0xf7: {  	s2 =	sadd.s32 $0x400, s2;
	s23 =	sadd.s32 s23, s30  }
0xf8: {  	[tilespmem:s31], [sflag:$0x5] =	stream.linear.gather [hbm4b:s23+s1], $0x80, $0x38;
	[tilespmem:$0x18100] =	vst v63  }
0xf9: {  	_ =	swait.ge [sflag:s21], $0xC00  }
0xfa: {  	[sflag:s21] =	ssyncset.done $0x0  }
0xfb: {  	[sflag:s21] =	ssyncadd.s32 $0xFFFFF400  }
.LBB2_21:
0xfc: {  	(v2sf) =	vpush v3, $0x5;
	_ =	sdelay $0xe  }
0xfd: {  	s0 =	spop (v2sf)  }
0xfe: {  	p0 =	slt.s32 s0, $0x0  }
.Ltmp12:
0xff: {  	_ = 	snop;
	(pc) =	sbr.rel @p0 .LBB2_25-.Ltmp12, $1  }
0x100: {  	_ =	sdelay $0x3  }
0x101: {  	s2 =	sshrl.u32 s0, $0x3  }
0x102: {  	s23 =	sshll.u32 s0, $0x7;
	s2 =	smul.u32 $0x6000, s2  }
0x103: {  	s0 =	sand.u32 $0x380, s23  }
0x104: {  	s0 =	sor.u32 s0, s2  }
0x105: {  	s0 =	sshrl.u32 s0, $0x3  }
0x106: {  	s31 =	simm.s32 $0x380;
	s30 =	sadd.s32 s4, s0  }
0x107: {  	s2 =	simm.s32 $0x780;
	s0 =	simm.s32 $0x80;
	s23 =	sadd.s32 $0x0, s30  }
.LBB2_23:
0x108: {  	[tilespmem:s31], [sflag:$0x5] =	stream.linear.gather [hbm4b:s23+s1], $0x80, $0x38;
	[tilespmem:$0x18100] =	vst v63  }
0x109: {  	s23 =	smov.u32 s0;
	s31 =	smov.u32 s2;
	p0 =	sne.s32 s0, $0xB80  }
.Ltmp13:
0x10a: {  	s0 =	sadd.s32 $0x80, s0;
	(pc) =	sbr.rel @p0 .LBB2_23-.Ltmp13, $2  }
0x10b: {  	_ =	sdelay $0x2  }
0x10c: {  	s2 =	sadd.s32 $0x400, s2;
	s23 =	sadd.s32 s23, s30  }
0x10d: {  	[tilespmem:s31], [sflag:$0x5] =	stream.linear.gather [hbm4b:s23+s1], $0x80, $0x38;
	[tilespmem:$0x18100] =	vst v63  }
0x10e: {  	_ =	swait.ge [sflag:s21], $0xC00  }
0x10f: {  	[sflag:s21] =	ssyncset.done $0x0  }
0x110: {  	[sflag:s21] =	ssyncadd.s32 $0xFFFFF400  }
.LBB2_25:
0x111: {  	(v2sf) =	vpush v3, $0x6;
	_ =	sdelay $0xe  }
0x112: {  	s0 =	spop (v2sf)  }
0x113: {  	p0 =	slt.s32 s0, $0x0  }
.Ltmp14:
0x114: {  	_ = 	snop;
	(pc) =	sbr.rel @p0 .LBB2_29-.Ltmp14, $1  }
0x115: {  	_ =	sdelay $0x3  }
0x116: {  	s2 =	sshrl.u32 s0, $0x3  }
0x117: {  	s23 =	sshll.u32 s0, $0x7;
	s2 =	smul.u32 $0x6000, s2  }
0x118: {  	s0 =	sand.u32 $0x380, s23  }
0x119: {  	s0 =	sor.u32 s0, s2  }
0x11a: {  	s0 =	sshrl.u32 s0, $0x3  }
0x11b: {  	s31 =	simm.s32 $0x400;
	s30 =	sadd.s32 s4, s0  }
0x11c: {  	s2 =	simm.s32 $0x800;
	s0 =	simm.s32 $0x80;
	s23 =	sadd.s32 $0x0, s30  }
.LBB2_27:
0x11d: {  	[tilespmem:s31], [sflag:$0x5] =	stream.linear.gather [hbm4b:s23+s1], $0x80, $0x38;
	[tilespmem:$0x18100] =	vst v63  }
0x11e: {  	s23 =	smov.u32 s0;
	s31 =	smov.u32 s2;
	p0 =	sne.s32 s0, $0xB80  }
.Ltmp15:
0x11f: {  	s0 =	sadd.s32 $0x80, s0;
	(pc) =	sbr.rel @p0 .LBB2_27-.Ltmp15, $2  }
0x120: {  	_ =	sdelay $0x2  }
0x121: {  	s2 =	sadd.s32 $0x400, s2;
	s23 =	sadd.s32 s23, s30  }
0x122: {  	[tilespmem:s31], [sflag:$0x5] =	stream.linear.gather [hbm4b:s23+s1], $0x80, $0x38;
	[tilespmem:$0x18100] =	vst v63  }
0x123: {  	_ =	swait.ge [sflag:s21], $0xC00  }
0x124: {  	[sflag:s21] =	ssyncset.done $0x0  }
0x125: {  	[sflag:s21] =	ssyncadd.s32 $0xFFFFF400  }
.LBB2_29:
0x126: {  	(v2sf) =	vpush v3, $0x7;
	_ =	sdelay $0xe  }
0x127: {  	s0 =	spop (v2sf)  }
0x128: {  	p0 =	slt.s32 s0, $0x0  }
.Ltmp16:
0x129: {  	_ = 	snop;
	(pc) =	sbr.rel @p0 .LBB2_33-.Ltmp16, $1  }
0x12a: {  	_ =	sdelay $0x3  }
0x12b: {  	s2 =	sshrl.u32 s0, $0x3  }
0x12c: {  	s23 =	sshll.u32 s0, $0x7;
	s2 =	smul.u32 $0x6000, s2  }
0x12d: {  	s0 =	sand.u32 $0x380, s23  }
0x12e: {  	s0 =	sor.u32 s0, s2  }
0x12f: {  	s0 =	sshrl.u32 s0, $0x3  }
0x130: {  	s31 =	simm.s32 $0x480;
	s30 =	sadd.s32 s4, s0  }
0x131: {  	s2 =	simm.s32 $0x880;
	s0 =	simm.s32 $0x80;
	s23 =	sadd.s32 $0x0, s30  }
.LBB2_31:
0x132: {  	[tilespmem:s31], [sflag:$0x5] =	stream.linear.gather [hbm4b:s23+s1], $0x80, $0x38;
	[tilespmem:$0x18100] =	vst v63  }
0x133: {  	s23 =	smov.u32 s0;
	s31 =	smov.u32 s2;
	p0 =	sne.s32 s0, $0xB80  }
.Ltmp17:
0x134: {  	s0 =	sadd.s32 $0x80, s0;
	(pc) =	sbr.rel @p0 .LBB2_31-.Ltmp17, $2  }
0x135: {  	_ =	sdelay $0x2  }
0x136: {  	s2 =	sadd.s32 $0x400, s2;
	s23 =	sadd.s32 s23, s30  }
0x137: {  	[tilespmem:s31], [sflag:$0x5] =	stream.linear.gather [hbm4b:s23+s1], $0x80, $0x38;
	[tilespmem:$0x18100] =	vst v63  }
0x138: {  	_ =	swait.ge [sflag:s21], $0xC00  }
0x139: {  	[sflag:s21] =	ssyncset.done $0x0  }
0x13a: {  	[sflag:s21] =	ssyncadd.s32 $0xFFFFF400  }
.LBB2_33:
0x13b: {  	(v2sf) =	vpush v3, $0x8;
	_ =	sdelay $0xe  }
0x13c: {  	s0 =	spop (v2sf)  }
0x13d: {  	p0 =	slt.s32 s0, $0x0  }
.Ltmp18:
0x13e: {  	_ = 	snop;
	(pc) =	sbr.rel @p0 .LBB2_37-.Ltmp18, $1  }
0x13f: {  	_ =	sdelay $0x3  }
0x140: {  	s2 =	sshrl.u32 s0, $0x3  }
0x141: {  	s23 =	sshll.u32 s0, $0x7;
	s2 =	smul.u32 $0x6000, s2  }
0x142: {  	s0 =	sand.u32 $0x380, s23  }
0x143: {  	s0 =	sor.u32 s0, s2  }
0x144: {  	s0 =	sshrl.u32 s0, $0x3  }
0x145: {  	s31 =	simm.s32 $0x6100;
	s30 =	sadd.s32 s4, s0  }
0x146: {  	s2 =	simm.s32 $0x6500;
	s0 =	simm.s32 $0x80;
	s23 =	sadd.s32 $0x0, s30  }
.LBB2_35:
0x147: {  	[tilespmem:s31], [sflag:$0x5] =	stream.linear.gather [hbm4b:s23+s1], $0x80, $0x38;
	[tilespmem:$0x18100] =	vst v63  }
0x148: {  	s23 =	smov.u32 s0;
	s31 =	smov.u32 s2;
	p0 =	sne.s32 s0, $0xB80  }
.Ltmp19:
0x149: {  	s0 =	sadd.s32 $0x80, s0;
	(pc) =	sbr.rel @p0 .LBB2_35-.Ltmp19, $2  }
0x14a: {  	_ =	sdelay $0x2  }
0x14b: {  	s2 =	sadd.s32 $0x400, s2;
	s23 =	sadd.s32 s23, s30  }
0x14c: {  	[tilespmem:s31], [sflag:$0x5] =	stream.linear.gather [hbm4b:s23+s1], $0x80, $0x38;
	[tilespmem:$0x18100] =	vst v63  }
0x14d: {  	_ =	swait.ge [sflag:s21], $0xC00  }
0x14e: {  	[sflag:s21] =	ssyncset.done $0x0  }
0x14f: {  	[sflag:s21] =	ssyncadd.s32 $0xFFFFF400  }
.LBB2_37:
0x150: {  	(v2sf) =	vpush v3, $0x9;
	_ =	sdelay $0xe  }
0x151: {  	s0 =	spop (v2sf)  }
0x152: {  	p0 =	slt.s32 s0, $0x0  }
.Ltmp20:
0x153: {  	_ = 	snop;
	(pc) =	sbr.rel @p0 .LBB2_41-.Ltmp20, $1  }
0x154: {  	_ =	sdelay $0x3  }
0x155: {  	s2 =	sshrl.u32 s0, $0x3  }
0x156: {  	s23 =	sshll.u32 s0, $0x7;
	s2 =	smul.u32 $0x6000, s2  }
0x157: {  	s0 =	sand.u32 $0x380, s23  }
0x158: {  	s0 =	sor.u32 s0, s2  }
0x159: {  	s0 =	sshrl.u32 s0, $0x3  }
0x15a: {  	s31 =	simm.s32 $0x6180;
	s30 =	sadd.s32 s4, s0  }
0x15b: {  	s2 =	simm.s32 $0x6580;
	s0 =	simm.s32 $0x80;
	s23 =	sadd.s32 $0x0, s30  }
.LBB2_39:
0x15c: {  	[tilespmem:s31], [sflag:$0x5] =	stream.linear.gather [hbm4b:s23+s1], $0x80, $0x38;
	[tilespmem:$0x18100] =	vst v63  }
0x15d: {  	s23 =	smov.u32 s0;
	s31 =	smov.u32 s2;
	p0 =	sne.s32 s0, $0xB80  }
.Ltmp21:
0x15e: {  	s0 =	sadd.s32 $0x80, s0;
	(pc) =	sbr.rel @p0 .LBB2_39-.Ltmp21, $2  }
0x15f: {  	_ =	sdelay $0x2  }
0x160: {  	s2 =	sadd.s32 $0x400, s2;
	s23 =	sadd.s32 s23, s30  }
0x161: {  	[tilespmem:s31], [sflag:$0x5] =	stream.linear.gather [hbm4b:s23+s1], $0x80, $0x38;
	[tilespmem:$0x18100] =	vst v63  }
0x162: {  	_ =	swait.ge [sflag:s21], $0xC00  }
0x163: {  	[sflag:s21] =	ssyncset.done $0x0  }
0x164: {  	[sflag:s21] =	ssyncadd.s32 $0xFFFFF400  }
.LBB2_41:
0x165: {  	(v2sf) =	vpush v3, $0xA;
	_ =	sdelay $0xe  }
0x166: {  	s0 =	spop (v2sf)  }
0x167: {  	p0 =	slt.s32 s0, $0x0  }
.Ltmp22:
0x168: {  	_ = 	snop;
	(pc) =	sbr.rel @p0 .LBB2_45-.Ltmp22, $1  }
0x169: {  	_ =	sdelay $0x3  }
0x16a: {  	s2 =	sshrl.u32 s0, $0x3  }
0x16b: {  	s23 =	sshll.u32 s0, $0x7;
	s2 =	smul.u32 $0x6000, s2  }
0x16c: {  	s0 =	sand.u32 $0x380, s23  }
0x16d: {  	s0 =	sor.u32 s0, s2  }
0x16e: {  	s0 =	sshrl.u32 s0, $0x3  }
0x16f: {  	s31 =	simm.s32 $0x6200;
	s30 =	sadd.s32 s4, s0  }
0x170: {  	s2 =	simm.s32 $0x6600;
	s0 =	simm.s32 $0x80;
	s23 =	sadd.s32 $0x0, s30  }
.LBB2_43:
0x171: {  	[tilespmem:s31], [sflag:$0x5] =	stream.linear.gather [hbm4b:s23+s1], $0x80, $0x38;
	[tilespmem:$0x18100] =	vst v63  }
0x172: {  	s23 =	smov.u32 s0;
	s31 =	smov.u32 s2;
	p0 =	sne.s32 s0, $0xB80  }
.Ltmp23:
0x173: {  	s0 =	sadd.s32 $0x80, s0;
	(pc) =	sbr.rel @p0 .LBB2_43-.Ltmp23, $2  }
0x174: {  	_ =	sdelay $0x2  }
0x175: {  	s2 =	sadd.s32 $0x400, s2;
	s23 =	sadd.s32 s23, s30  }
0x176: {  	[tilespmem:s31], [sflag:$0x5] =	stream.linear.gather [hbm4b:s23+s1], $0x80, $0x38;
	[tilespmem:$0x18100] =	vst v63  }
0x177: {  	_ =	swait.ge [sflag:s21], $0xC00  }
0x178: {  	[sflag:s21] =	ssyncset.done $0x0  }
0x179: {  	[sflag:s21] =	ssyncadd.s32 $0xFFFFF400  }
.LBB2_45:
0x17a: {  	(v2sf) =	vpush v3, $0xB;
	_ =	sdelay $0xe  }
0x17b: {  	s0 =	spop (v2sf)  }
0x17c: {  	p0 =	slt.s32 s0, $0x0  }
.Ltmp24:
0x17d: {  	_ = 	snop;
	(pc) =	sbr.rel @p0 .LBB2_49-.Ltmp24, $1  }
0x17e: {  	_ =	sdelay $0x3  }
0x17f: {  	s2 =	sshrl.u32 s0, $0x3  }
0x180: {  	s23 =	sshll.u32 s0, $0x7;
	s2 =	smul.u32 $0x6000, s2  }
0x181: {  	s0 =	sand.u32 $0x380, s23  }
0x182: {  	s0 =	sor.u32 s0, s2  }
0x183: {  	s0 =	sshrl.u32 s0, $0x3  }
0x184: {  	s31 =	simm.s32 $0x6280;
	s30 =	sadd.s32 s4, s0  }
0x185: {  	s2 =	simm.s32 $0x6680;
	s0 =	simm.s32 $0x80;
	s23 =	sadd.s32 $0x0, s30  }
.LBB2_47:
0x186: {  	[tilespmem:s31], [sflag:$0x5] =	stream.linear.gather [hbm4b:s23+s1], $0x80, $0x38;
	[tilespmem:$0x18100] =	vst v63  }
0x187: {  	s23 =	smov.u32 s0;
	s31 =	smov.u32 s2;
	p0 =	sne.s32 s0, $0xB80  }
.Ltmp25:
0x188: {  	s0 =	sadd.s32 $0x80, s0;
	(pc) =	sbr.rel @p0 .LBB2_47-.Ltmp25, $2  }
0x189: {  	_ =	sdelay $0x2  }
0x18a: {  	s2 =	sadd.s32 $0x400, s2;
	s23 =	sadd.s32 s23, s30  }
0x18b: {  	[tilespmem:s31], [sflag:$0x5] =	stream.linear.gather [hbm4b:s23+s1], $0x80, $0x38;
	[tilespmem:$0x18100] =	vst v63  }
0x18c: {  	_ =	swait.ge [sflag:s21], $0xC00  }
0x18d: {  	[sflag:s21] =	ssyncset.done $0x0  }
0x18e: {  	[sflag:s21] =	ssyncadd.s32 $0xFFFFF400  }
.LBB2_49:
0x18f: {  	(v2sf) =	vpush v3, $0xC;
	_ =	sdelay $0xe  }
0x190: {  	s0 =	spop (v2sf)  }
0x191: {  	p0 =	slt.s32 s0, $0x0  }
.Ltmp26:
0x192: {  	_ = 	snop;
	(pc) =	sbr.rel @p0 .LBB2_53-.Ltmp26, $1  }
0x193: {  	_ =	sdelay $0x3  }
0x194: {  	s2 =	sshrl.u32 s0, $0x3  }
0x195: {  	s23 =	sshll.u32 s0, $0x7;
	s2 =	smul.u32 $0x6000, s2  }
0x196: {  	s0 =	sand.u32 $0x380, s23  }
0x197: {  	s0 =	sor.u32 s0, s2  }
0x198: {  	s0 =	sshrl.u32 s0, $0x3  }
0x199: {  	s31 =	simm.s32 $0x6300;
	s30 =	sadd.s32 s4, s0  }
0x19a: {  	s2 =	simm.s32 $0x6700;
	s0 =	simm.s32 $0x80;
	s23 =	sadd.s32 $0x0, s30  }
.LBB2_51:
0x19b: {  	[tilespmem:s31], [sflag:$0x5] =	stream.linear.gather [hbm4b:s23+s1], $0x80, $0x38;
	[tilespmem:$0x18100] =	vst v63  }
0x19c: {  	s23 =	smov.u32 s0;
	s31 =	smov.u32 s2;
	p0 =	sne.s32 s0, $0xB80  }
.Ltmp27:
0x19d: {  	s0 =	sadd.s32 $0x80, s0;
	(pc) =	sbr.rel @p0 .LBB2_51-.Ltmp27, $2  }
0x19e: {  	_ =	sdelay $0x2  }
0x19f: {  	s2 =	sadd.s32 $0x400, s2;
	s23 =	sadd.s32 s23, s30  }
0x1a0: {  	[tilespmem:s31], [sflag:$0x5] =	stream.linear.gather [hbm4b:s23+s1], $0x80, $0x38;
	[tilespmem:$0x18100] =	vst v63  }
0x1a1: {  	_ =	swait.ge [sflag:s21], $0xC00  }
0x1a2: {  	[sflag:s21] =	ssyncset.done $0x0  }
0x1a3: {  	[sflag:s21] =	ssyncadd.s32 $0xFFFFF400  }
.LBB2_53:
0x1a4: {  	(v2sf) =	vpush v3, $0xD;
	_ =	sdelay $0xe  }
0x1a5: {  	s0 =	spop (v2sf)  }
0x1a6: {  	p0 =	slt.s32 s0, $0x0  }
.Ltmp28:
0x1a7: {  	_ = 	snop;
	(pc) =	sbr.rel @p0 .LBB2_57-.Ltmp28, $1  }
0x1a8: {  	_ =	sdelay $0x3  }
0x1a9: {  	s2 =	sshrl.u32 s0, $0x3  }
0x1aa: {  	s23 =	sshll.u32 s0, $0x7;
	s2 =	smul.u32 $0x6000, s2  }
0x1ab: {  	s0 =	sand.u32 $0x380, s23  }
0x1ac: {  	s0 =	sor.u32 s0, s2  }
0x1ad: {  	s0 =	sshrl.u32 s0, $0x3  }
0x1ae: {  	s31 =	simm.s32 $0x6380;
	s30 =	sadd.s32 s4, s0  }
0x1af: {  	s2 =	simm.s32 $0x6780;
	s0 =	simm.s32 $0x80;
	s23 =	sadd.s32 $0x0, s30  }
.LBB2_55:
0x1b0: {  	[tilespmem:s31], [sflag:$0x5] =	stream.linear.gather [hbm4b:s23+s1], $0x80, $0x38;
	[tilespmem:$0x18100] =	vst v63  }
0x1b1: {  	s23 =	smov.u32 s0;
	s31 =	smov.u32 s2;
	p0 =	sne.s32 s0, $0xB80  }
.Ltmp29:
0x1b2: {  	s0 =	sadd.s32 $0x80, s0;
	(pc) =	sbr.rel @p0 .LBB2_55-.Ltmp29, $2  }
0x1b3: {  	_ =	sdelay $0x2  }
0x1b4: {  	s2 =	sadd.s32 $0x400, s2;
	s23 =	sadd.s32 s23, s30  }
0x1b5: {  	[tilespmem:s31], [sflag:$0x5] =	stream.linear.gather [hbm4b:s23+s1], $0x80, $0x38;
	[tilespmem:$0x18100] =	vst v63  }
0x1b6: {  	_ =	swait.ge [sflag:s21], $0xC00  }
0x1b7: {  	[sflag:s21] =	ssyncset.done $0x0  }
0x1b8: {  	[sflag:s21] =	ssyncadd.s32 $0xFFFFF400  }
.LBB2_57:
0x1b9: {  	(v2sf) =	vpush v3, $0xE;
	_ =	sdelay $0xe  }
0x1ba: {  	s0 =	spop (v2sf)  }
0x1bb: {  	p0 =	slt.s32 s0, $0x0  }
.Ltmp30:
0x1bc: {  	_ = 	snop;
	(pc) =	sbr.rel @p0 .LBB2_61-.Ltmp30, $1  }
0x1bd: {  	_ =	sdelay $0x3  }
0x1be: {  	s2 =	sshrl.u32 s0, $0x3  }
0x1bf: {  	s23 =	sshll.u32 s0, $0x7;
	s2 =	smul.u32 $0x6000, s2  }
0x1c0: {  	s0 =	sand.u32 $0x380, s23  }
0x1c1: {  	s0 =	sor.u32 s0, s2  }
0x1c2: {  	s0 =	sshrl.u32 s0, $0x3  }
0x1c3: {  	s31 =	simm.s32 $0x6400;
	s30 =	sadd.s32 s4, s0  }
0x1c4: {  	s2 =	simm.s32 $0x6800;
	s0 =	simm.s32 $0x80;
	s23 =	sadd.s32 $0x0, s30  }
.LBB2_59:
0x1c5: {  	[tilespmem:s31], [sflag:$0x5] =	stream.linear.gather [hbm4b:s23+s1], $0x80, $0x38;
	[tilespmem:$0x18100] =	vst v63  }
0x1c6: {  	s23 =	smov.u32 s0;
	s31 =	smov.u32 s2;
	p0 =	sne.s32 s0, $0xB80  }
.Ltmp31:
0x1c7: {  	s0 =	sadd.s32 $0x80, s0;
	(pc) =	sbr.rel @p0 .LBB2_59-.Ltmp31, $2  }
0x1c8: {  	_ =	sdelay $0x2  }
0x1c9: {  	s2 =	sadd.s32 $0x400, s2;
	s23 =	sadd.s32 s23, s30  }
0x1ca: {  	[tilespmem:s31], [sflag:$0x5] =	stream.linear.gather [hbm4b:s23+s1], $0x80, $0x38;
	[tilespmem:$0x18100] =	vst v63  }
0x1cb: {  	_ =	swait.ge [sflag:s21], $0xC00  }
0x1cc: {  	[sflag:s21] =	ssyncset.done $0x0  }
0x1cd: {  	[sflag:s21] =	ssyncadd.s32 $0xFFFFF400  }
.LBB2_61:
0x1ce: {  	(v2sf) =	vpush v3, $0xF;
	_ =	sdelay $0xe  }
0x1cf: {  	s0 =	spop (v2sf)  }
0x1d0: {  	p0 =	slt.s32 s0, $0x0  }
.Ltmp32:
0x1d1: {  	_ = 	snop;
	(pc) =	sbr.rel @p0 .LBB2_65-.Ltmp32, $1  }
0x1d2: {  	_ =	sdelay $0x3  }
0x1d3: {  	s2 =	sshrl.u32 s0, $0x3  }
0x1d4: {  	s23 =	sshll.u32 s0, $0x7;
	s2 =	smul.u32 $0x6000, s2  }
0x1d5: {  	s0 =	sand.u32 $0x380, s23  }
0x1d6: {  	s0 =	sor.u32 s0, s2  }
0x1d7: {  	s0 =	sshrl.u32 s0, $0x3  }
0x1d8: {  	s31 =	simm.s32 $0x6480;
	s30 =	sadd.s32 s4, s0  }
0x1d9: {  	s2 =	simm.s32 $0x6880;
	s0 =	simm.s32 $0x80;
	s23 =	sadd.s32 $0x0, s30  }
.LBB2_63:
0x1da: {  	[tilespmem:s31], [sflag:$0x5] =	stream.linear.gather [hbm4b:s23+s1], $0x80, $0x38;
	[tilespmem:$0x18100] =	vst v63  }
0x1db: {  	s23 =	smov.u32 s0;
	s31 =	smov.u32 s2;
	p0 =	sne.s32 s0, $0xB80  }
.Ltmp33:
0x1dc: {  	s0 =	sadd.s32 $0x80, s0;
	(pc) =	sbr.rel @p0 .LBB2_63-.Ltmp33, $2  }
0x1dd: {  	_ =	sdelay $0x2  }
0x1de: {  	s2 =	sadd.s32 $0x400, s2;
	s23 =	sadd.s32 s23, s30  }
0x1df: {  	[tilespmem:s31], [sflag:$0x5] =	stream.linear.gather [hbm4b:s23+s1], $0x80, $0x38;
	[tilespmem:$0x18100] =	vst v63  }
0x1e0: {  	_ =	swait.ge [sflag:s21], $0xC00  }
0x1e1: {  	[sflag:s21] =	ssyncset.done $0x0  }
0x1e2: {  	[sflag:s21] =	ssyncadd.s32 $0xFFFFF400  }
.LBB2_65:
0x1e3: {  	s0 =	simm.s32 $0x100  }
0x1e4: {  	[hbm4b:s18+s1] =	stream.linear.scatter [tilespmem:s0], [sflag:$0x3], $0xC000, $0x38;
	[tilespmem:$0x18100] =	vst v63  }
0x1e5: {  	_ =	swait.ge [sflag:s24], $0xC000  }
0x1e6: {  	[sflag:s24] =	ssyncset.done $0x0  }
0x1e7: {  	[sflag:s24] =	ssyncadd.s32 $0xFFFF4000  }
0x1e8: {  	v3 =	vld [tilespmem:$0x90];
	_ =	sdelay $0x4  }
0x1e9: {  	(v2sf) =	vpush v3, $0x0;
	_ =	sdelay $0xe  }
0x1ea: {  	s0 =	spop (v2sf)  }
0x1eb: {  	p0 =	slt.s32 s0, $0x0  }
.Ltmp34:
0x1ec: {  	_ = 	snop;
	(pc) =	sbr.rel @p0 .LBB2_69-.Ltmp34, $1  }
0x1ed: {  	_ =	sdelay $0x3  }
0x1ee: {  	s2 =	sshrl.u32 s0, $0x3  }
0x1ef: {  	s23 =	sshll.u32 s0, $0x7;
	s2 =	smul.u32 $0x6000, s2  }
0x1f0: {  	s0 =	sand.u32 $0x380, s23  }
0x1f1: {  	s0 =	sor.u32 s0, s2  }
0x1f2: {  	s0 =	sshrl.u32 s0, $0x3  }
0x1f3: {  	s31 =	simm.s32 $0xC100;
	s30 =	sadd.s32 s4, s0  }
0x1f4: {  	s2 =	simm.s32 $0xC500;
	s0 =	simm.s32 $0x80;
	s23 =	sadd.s32 $0x0, s30  }
.LBB2_67:
0x1f5: {  	[tilespmem:s31], [sflag:$0x5] =	stream.linear.gather [hbm4b:s23+s1], $0x80, $0x38;
	[tilespmem:$0x18100] =	vst v63  }
0x1f6: {  	s23 =	smov.u32 s0;
	s31 =	smov.u32 s2;
	p0 =	sne.s32 s0, $0xB80  }
.Ltmp35:
0x1f7: {  	s0 =	sadd.s32 $0x80, s0;
	(pc) =	sbr.rel @p0 .LBB2_67-.Ltmp35, $2  }
0x1f8: {  	_ =	sdelay $0x2  }
0x1f9: {  	s2 =	sadd.s32 $0x400, s2;
	s23 =	sadd.s32 s23, s30  }
0x1fa: {  	[tilespmem:s31], [sflag:$0x5] =	stream.linear.gather [hbm4b:s23+s1], $0x80, $0x38;
	[tilespmem:$0x18100] =	vst v63  }
0x1fb: {  	_ =	swait.ge [sflag:s21], $0xC00  }
0x1fc: {  	[sflag:s21] =	ssyncset.done $0x0  }
0x1fd: {  	[sflag:s21] =	ssyncadd.s32 $0xFFFFF400  }
.LBB2_69:
0x1fe: {  	(v2sf) =	vpush v3, $0x1;
	_ =	sdelay $0xe  }
0x1ff: {  	s0 =	spop (v2sf)  }
0x200: {  	p0 =	slt.s32 s0, $0x0  }
.Ltmp36:
0x201: {  	_ = 	snop;
	(pc) =	sbr.rel @p0 .LBB2_73-.Ltmp36, $1  }
0x202: {  	_ =	sdelay $0x3  }
0x203: {  	s2 =	sshrl.u32 s0, $0x3  }
0x204: {  	s23 =	sshll.u32 s0, $0x7;
	s2 =	smul.u32 $0x6000, s2  }
0x205: {  	s0 =	sand.u32 $0x380, s23  }
0x206: {  	s0 =	sor.u32 s0, s2  }
0x207: {  	s0 =	sshrl.u32 s0, $0x3  }
0x208: {  	s31 =	simm.s32 $0xC180;
	s30 =	sadd.s32 s4, s0  }
0x209: {  	s2 =	simm.s32 $0xC580;
	s0 =	simm.s32 $0x80;
	s23 =	sadd.s32 $0x0, s30  }
.LBB2_71:
0x20a: {  	[tilespmem:s31], [sflag:$0x5] =	stream.linear.gather [hbm4b:s23+s1], $0x80, $0x38;
	[tilespmem:$0x18100] =	vst v63  }
0x20b: {  	s23 =	smov.u32 s0;
	s31 =	smov.u32 s2;
	p0 =	sne.s32 s0, $0xB80  }
.Ltmp37:
0x20c: {  	s0 =	sadd.s32 $0x80, s0;
	(pc) =	sbr.rel @p0 .LBB2_71-.Ltmp37, $2  }
0x20d: {  	_ =	sdelay $0x2  }
0x20e: {  	s2 =	sadd.s32 $0x400, s2;
	s23 =	sadd.s32 s23, s30  }
0x20f: {  	[tilespmem:s31], [sflag:$0x5] =	stream.linear.gather [hbm4b:s23+s1], $0x80, $0x38;
	[tilespmem:$0x18100] =	vst v63  }
0x210: {  	_ =	swait.ge [sflag:s21], $0xC00  }
0x211: {  	[sflag:s21] =	ssyncset.done $0x0  }
0x212: {  	[sflag:s21] =	ssyncadd.s32 $0xFFFFF400  }
.LBB2_73:
0x213: {  	(v2sf) =	vpush v3, $0x2;
	_ =	sdelay $0xe  }
0x214: {  	s0 =	spop (v2sf)  }
0x215: {  	p0 =	slt.s32 s0, $0x0  }
.Ltmp38:
0x216: {  	_ = 	snop;
	(pc) =	sbr.rel @p0 .LBB2_77-.Ltmp38, $1  }
0x217: {  	_ =	sdelay $0x3  }
0x218: {  	s2 =	sshrl.u32 s0, $0x3  }
0x219: {  	s23 =	sshll.u32 s0, $0x7;
	s2 =	smul.u32 $0x6000, s2  }
0x21a: {  	s0 =	sand.u32 $0x380, s23  }
0x21b: {  	s0 =	sor.u32 s0, s2  }
0x21c: {  	s0 =	sshrl.u32 s0, $0x3  }
0x21d: {  	s31 =	simm.s32 $0xC200;
	s30 =	sadd.s32 s4, s0  }
0x21e: {  	s2 =	simm.s32 $0xC600;
	s0 =	simm.s32 $0x80;
	s23 =	sadd.s32 $0x0, s30  }
.LBB2_75:
0x21f: {  	[tilespmem:s31], [sflag:$0x5] =	stream.linear.gather [hbm4b:s23+s1], $0x80, $0x38;
	[tilespmem:$0x18100] =	vst v63  }
0x220: {  	s23 =	smov.u32 s0;
	s31 =	smov.u32 s2;
	p0 =	sne.s32 s0, $0xB80  }
.Ltmp39:
0x221: {  	s0 =	sadd.s32 $0x80, s0;
	(pc) =	sbr.rel @p0 .LBB2_75-.Ltmp39, $2  }
0x222: {  	_ =	sdelay $0x2  }
0x223: {  	s2 =	sadd.s32 $0x400, s2;
	s23 =	sadd.s32 s23, s30  }
0x224: {  	[tilespmem:s31], [sflag:$0x5] =	stream.linear.gather [hbm4b:s23+s1], $0x80, $0x38;
	[tilespmem:$0x18100] =	vst v63  }
0x225: {  	_ =	swait.ge [sflag:s21], $0xC00  }
0x226: {  	[sflag:s21] =	ssyncset.done $0x0  }
0x227: {  	[sflag:s21] =	ssyncadd.s32 $0xFFFFF400  }
.LBB2_77:
0x228: {  	(v2sf) =	vpush v3, $0x3;
	_ =	sdelay $0xe  }
0x229: {  	s0 =	spop (v2sf)  }
0x22a: {  	p0 =	slt.s32 s0, $0x0  }
.Ltmp40:
0x22b: {  	_ = 	snop;
	(pc) =	sbr.rel @p0 .LBB2_81-.Ltmp40, $1  }
0x22c: {  	_ =	sdelay $0x3  }
0x22d: {  	s2 =	sshrl.u32 s0, $0x3  }
0x22e: {  	s23 =	sshll.u32 s0, $0x7;
	s2 =	smul.u32 $0x6000, s2  }
0x22f: {  	s0 =	sand.u32 $0x380, s23  }
0x230: {  	s0 =	sor.u32 s0, s2  }
0x231: {  	s0 =	sshrl.u32 s0, $0x3  }
0x232: {  	s31 =	simm.s32 $0xC280;
	s30 =	sadd.s32 s4, s0  }
0x233: {  	s2 =	simm.s32 $0xC680;
	s0 =	simm.s32 $0x80;
	s23 =	sadd.s32 $0x0, s30  }
.LBB2_79:
0x234: {  	[tilespmem:s31], [sflag:$0x5] =	stream.linear.gather [hbm4b:s23+s1], $0x80, $0x38;
	[tilespmem:$0x18100] =	vst v63  }
0x235: {  	s23 =	smov.u32 s0;
	s31 =	smov.u32 s2;
	p0 =	sne.s32 s0, $0xB80  }
.Ltmp41:
0x236: {  	s0 =	sadd.s32 $0x80, s0;
	(pc) =	sbr.rel @p0 .LBB2_79-.Ltmp41, $2  }
0x237: {  	_ =	sdelay $0x2  }
0x238: {  	s2 =	sadd.s32 $0x400, s2;
	s23 =	sadd.s32 s23, s30  }
0x239: {  	[tilespmem:s31], [sflag:$0x5] =	stream.linear.gather [hbm4b:s23+s1], $0x80, $0x38;
	[tilespmem:$0x18100] =	vst v63  }
0x23a: {  	_ =	swait.ge [sflag:s21], $0xC00  }
0x23b: {  	[sflag:s21] =	ssyncset.done $0x0  }
0x23c: {  	[sflag:s21] =	ssyncadd.s32 $0xFFFFF400  }
.LBB2_81:
0x23d: {  	(v2sf) =	vpush v3, $0x4;
	_ =	sdelay $0xe  }
0x23e: {  	s0 =	spop (v2sf)  }
0x23f: {  	p0 =	slt.s32 s0, $0x0  }
.Ltmp42:
0x240: {  	_ = 	snop;
	(pc) =	sbr.rel @p0 .LBB2_85-.Ltmp42, $1  }
0x241: {  	_ =	sdelay $0x3  }
0x242: {  	s2 =	sshrl.u32 s0, $0x3  }
0x243: {  	s23 =	sshll.u32 s0, $0x7;
	s2 =	smul.u32 $0x6000, s2  }
0x244: {  	s0 =	sand.u32 $0x380, s23  }
0x245: {  	s0 =	sor.u32 s0, s2  }
0x246: {  	s0 =	sshrl.u32 s0, $0x3  }
0x247: {  	s31 =	simm.s32 $0xC300;
	s30 =	sadd.s32 s4, s0  }
0x248: {  	s2 =	simm.s32 $0xC700;
	s0 =	simm.s32 $0x80;
	s23 =	sadd.s32 $0x0, s30  }
.LBB2_83:
0x249: {  	[tilespmem:s31], [sflag:$0x5] =	stream.linear.gather [hbm4b:s23+s1], $0x80, $0x38;
	[tilespmem:$0x18100] =	vst v63  }
0x24a: {  	s23 =	smov.u32 s0;
	s31 =	smov.u32 s2;
	p0 =	sne.s32 s0, $0xB80  }
.Ltmp43:
0x24b: {  	s0 =	sadd.s32 $0x80, s0;
	(pc) =	sbr.rel @p0 .LBB2_83-.Ltmp43, $2  }
0x24c: {  	_ =	sdelay $0x2  }
0x24d: {  	s2 =	sadd.s32 $0x400, s2;
	s23 =	sadd.s32 s23, s30  }
0x24e: {  	[tilespmem:s31], [sflag:$0x5] =	stream.linear.gather [hbm4b:s23+s1], $0x80, $0x38;
	[tilespmem:$0x18100] =	vst v63  }
0x24f: {  	_ =	swait.ge [sflag:s21], $0xC00  }
0x250: {  	[sflag:s21] =	ssyncset.done $0x0  }
0x251: {  	[sflag:s21] =	ssyncadd.s32 $0xFFFFF400  }
.LBB2_85:
0x252: {  	(v2sf) =	vpush v3, $0x5;
	_ =	sdelay $0xe  }
0x253: {  	s0 =	spop (v2sf)  }
0x254: {  	p0 =	slt.s32 s0, $0x0  }
.Ltmp44:
0x255: {  	_ = 	snop;
	(pc) =	sbr.rel @p0 .LBB2_89-.Ltmp44, $1  }
0x256: {  	_ =	sdelay $0x3  }
0x257: {  	s2 =	sshrl.u32 s0, $0x3  }
0x258: {  	s23 =	sshll.u32 s0, $0x7;
	s2 =	smul.u32 $0x6000, s2  }
0x259: {  	s0 =	sand.u32 $0x380, s23  }
0x25a: {  	s0 =	sor.u32 s0, s2  }
0x25b: {  	s0 =	sshrl.u32 s0, $0x3  }
0x25c: {  	s31 =	simm.s32 $0xC380;
	s30 =	sadd.s32 s4, s0  }
0x25d: {  	s2 =	simm.s32 $0xC780;
	s0 =	simm.s32 $0x80;
	s23 =	sadd.s32 $0x0, s30  }
.LBB2_87:
0x25e: {  	[tilespmem:s31], [sflag:$0x5] =	stream.linear.gather [hbm4b:s23+s1], $0x80, $0x38;
	[tilespmem:$0x18100] =	vst v63  }
0x25f: {  	s23 =	smov.u32 s0;
	s31 =	smov.u32 s2;
	p0 =	sne.s32 s0, $0xB80  }
.Ltmp45:
0x260: {  	s0 =	sadd.s32 $0x80, s0;
	(pc) =	sbr.rel @p0 .LBB2_87-.Ltmp45, $2  }
0x261: {  	_ =	sdelay $0x2  }
0x262: {  	s2 =	sadd.s32 $0x400, s2;
	s23 =	sadd.s32 s23, s30  }
0x263: {  	[tilespmem:s31], [sflag:$0x5] =	stream.linear.gather [hbm4b:s23+s1], $0x80, $0x38;
	[tilespmem:$0x18100] =	vst v63  }
0x264: {  	_ =	swait.ge [sflag:s21], $0xC00  }
0x265: {  	[sflag:s21] =	ssyncset.done $0x0  }
0x266: {  	[sflag:s21] =	ssyncadd.s32 $0xFFFFF400  }
.LBB2_89:
0x267: {  	(v2sf) =	vpush v3, $0x6;
	_ =	sdelay $0xe  }
0x268: {  	s0 =	spop (v2sf)  }
0x269: {  	p0 =	slt.s32 s0, $0x0  }
.Ltmp46:
0x26a: {  	_ = 	snop;
	(pc) =	sbr.rel @p0 .LBB2_93-.Ltmp46, $1  }
0x26b: {  	_ =	sdelay $0x3  }
0x26c: {  	s2 =	sshrl.u32 s0, $0x3  }
0x26d: {  	s23 =	sshll.u32 s0, $0x7;
	s2 =	smul.u32 $0x6000, s2  }
0x26e: {  	s0 =	sand.u32 $0x380, s23  }
0x26f: {  	s0 =	sor.u32 s0, s2  }
0x270: {  	s0 =	sshrl.u32 s0, $0x3  }
0x271: {  	s31 =	simm.s32 $0xC400;
	s30 =	sadd.s32 s4, s0  }
0x272: {  	s2 =	simm.s32 $0xC800;
	s0 =	simm.s32 $0x80;
	s23 =	sadd.s32 $0x0, s30  }
.LBB2_91:
0x273: {  	[tilespmem:s31], [sflag:$0x5] =	stream.linear.gather [hbm4b:s23+s1], $0x80, $0x38;
	[tilespmem:$0x18100] =	vst v63  }
0x274: {  	s23 =	smov.u32 s0;
	s31 =	smov.u32 s2;
	p0 =	sne.s32 s0, $0xB80  }
.Ltmp47:
0x275: {  	s0 =	sadd.s32 $0x80, s0;
	(pc) =	sbr.rel @p0 .LBB2_91-.Ltmp47, $2  }
0x276: {  	_ =	sdelay $0x2  }
0x277: {  	s2 =	sadd.s32 $0x400, s2;
	s23 =	sadd.s32 s23, s30  }
0x278: {  	[tilespmem:s31], [sflag:$0x5] =	stream.linear.gather [hbm4b:s23+s1], $0x80, $0x38;
	[tilespmem:$0x18100] =	vst v63  }
0x279: {  	_ =	swait.ge [sflag:s21], $0xC00  }
0x27a: {  	[sflag:s21] =	ssyncset.done $0x0  }
0x27b: {  	[sflag:s21] =	ssyncadd.s32 $0xFFFFF400  }
.LBB2_93:
0x27c: {  	(v2sf) =	vpush v3, $0x7;
	_ =	sdelay $0xe  }
0x27d: {  	s0 =	spop (v2sf)  }
0x27e: {  	p0 =	slt.s32 s0, $0x0  }
.Ltmp48:
0x27f: {  	_ = 	snop;
	(pc) =	sbr.rel @p0 .LBB2_97-.Ltmp48, $1  }
0x280: {  	_ =	sdelay $0x3  }
0x281: {  	s2 =	sshrl.u32 s0, $0x3  }
0x282: {  	s23 =	sshll.u32 s0, $0x7;
	s2 =	smul.u32 $0x6000, s2  }
0x283: {  	s0 =	sand.u32 $0x380, s23  }
0x284: {  	s0 =	sor.u32 s0, s2  }
0x285: {  	s0 =	sshrl.u32 s0, $0x3  }
0x286: {  	s31 =	simm.s32 $0xC480;
	s30 =	sadd.s32 s4, s0  }
0x287: {  	s2 =	simm.s32 $0xC880;
	s0 =	simm.s32 $0x80;
	s23 =	sadd.s32 $0x0, s30  }
.LBB2_95:
0x288: {  	[tilespmem:s31], [sflag:$0x5] =	stream.linear.gather [hbm4b:s23+s1], $0x80, $0x38;
	[tilespmem:$0x18100] =	vst v63  }
0x289: {  	s23 =	smov.u32 s0;
	s31 =	smov.u32 s2;
	p0 =	sne.s32 s0, $0xB80  }
.Ltmp49:
0x28a: {  	s0 =	sadd.s32 $0x80, s0;
	(pc) =	sbr.rel @p0 .LBB2_95-.Ltmp49, $2  }
0x28b: {  	_ =	sdelay $0x2  }
0x28c: {  	s2 =	sadd.s32 $0x400, s2;
	s23 =	sadd.s32 s23, s30  }
0x28d: {  	[tilespmem:s31], [sflag:$0x5] =	stream.linear.gather [hbm4b:s23+s1], $0x80, $0x38;
	[tilespmem:$0x18100] =	vst v63  }
0x28e: {  	_ =	swait.ge [sflag:s21], $0xC00  }
0x28f: {  	[sflag:s21] =	ssyncset.done $0x0  }
0x290: {  	[sflag:s21] =	ssyncadd.s32 $0xFFFFF400  }
.LBB2_97:
0x291: {  	(v2sf) =	vpush v3, $0x8;
	_ =	sdelay $0xe  }
0x292: {  	s0 =	spop (v2sf)  }
0x293: {  	p0 =	slt.s32 s0, $0x0  }
.Ltmp50:
0x294: {  	_ = 	snop;
	(pc) =	sbr.rel @p0 .LBB2_101-.Ltmp50, $1  }
0x295: {  	_ =	sdelay $0x3  }
0x296: {  	s2 =	sshrl.u32 s0, $0x3  }
0x297: {  	s23 =	sshll.u32 s0, $0x7;
	s2 =	smul.u32 $0x6000, s2  }
0x298: {  	s0 =	sand.u32 $0x380, s23  }
0x299: {  	s0 =	sor.u32 s0, s2  }
0x29a: {  	s0 =	sshrl.u32 s0, $0x3  }
0x29b: {  	s31 =	simm.s32 $0x12100;
	s30 =	sadd.s32 s4, s0  }
0x29c: {  	s2 =	simm.s32 $0x12500;
	s0 =	simm.s32 $0x80;
	s23 =	sadd.s32 $0x0, s30  }
.LBB2_99:
0x29d: {  	[tilespmem:s31], [sflag:$0x5] =	stream.linear.gather [hbm4b:s23+s1], $0x80, $0x38;
	[tilespmem:$0x18100] =	vst v63  }
0x29e: {  	s23 =	smov.u32 s0;
	s31 =	smov.u32 s2;
	p0 =	sne.s32 s0, $0xB80  }
.Ltmp51:
0x29f: {  	s0 =	sadd.s32 $0x80, s0;
	(pc) =	sbr.rel @p0 .LBB2_99-.Ltmp51, $2  }
0x2a0: {  	_ =	sdelay $0x2  }
0x2a1: {  	s2 =	sadd.s32 $0x400, s2;
	s23 =	sadd.s32 s23, s30  }
0x2a2: {  	[tilespmem:s31], [sflag:$0x5] =	stream.linear.gather [hbm4b:s23+s1], $0x80, $0x38;
	[tilespmem:$0x18100] =	vst v63  }
0x2a3: {  	_ =	swait.ge [sflag:s21], $0xC00  }
0x2a4: {  	[sflag:s21] =	ssyncset.done $0x0  }
0x2a5: {  	[sflag:s21] =	ssyncadd.s32 $0xFFFFF400  }
.LBB2_101:
0x2a6: {  	(v2sf) =	vpush v3, $0x9;
	_ =	sdelay $0xe  }
0x2a7: {  	s0 =	spop (v2sf)  }
0x2a8: {  	p0 =	slt.s32 s0, $0x0  }
.Ltmp52:
0x2a9: {  	_ = 	snop;
	(pc) =	sbr.rel @p0 .LBB2_105-.Ltmp52, $1  }
0x2aa: {  	_ =	sdelay $0x3  }
0x2ab: {  	s2 =	sshrl.u32 s0, $0x3  }
0x2ac: {  	s23 =	sshll.u32 s0, $0x7;
	s2 =	smul.u32 $0x6000, s2  }
0x2ad: {  	s0 =	sand.u32 $0x380, s23  }
0x2ae: {  	s0 =	sor.u32 s0, s2  }
0x2af: {  	s0 =	sshrl.u32 s0, $0x3  }
0x2b0: {  	s31 =	simm.s32 $0x12180;
	s30 =	sadd.s32 s4, s0  }
0x2b1: {  	s2 =	simm.s32 $0x12580;
	s0 =	simm.s32 $0x80;
	s23 =	sadd.s32 $0x0, s30  }
.LBB2_103:
0x2b2: {  	[tilespmem:s31], [sflag:$0x5] =	stream.linear.gather [hbm4b:s23+s1], $0x80, $0x38;
	[tilespmem:$0x18100] =	vst v63  }
0x2b3: {  	s23 =	smov.u32 s0;
	s31 =	smov.u32 s2;
	p0 =	sne.s32 s0, $0xB80  }
.Ltmp53:
0x2b4: {  	s0 =	sadd.s32 $0x80, s0;
	(pc) =	sbr.rel @p0 .LBB2_103-.Ltmp53, $2  }
0x2b5: {  	_ =	sdelay $0x2  }
0x2b6: {  	s2 =	sadd.s32 $0x400, s2;
	s23 =	sadd.s32 s23, s30  }
0x2b7: {  	[tilespmem:s31], [sflag:$0x5] =	stream.linear.gather [hbm4b:s23+s1], $0x80, $0x38;
	[tilespmem:$0x18100] =	vst v63  }
0x2b8: {  	_ =	swait.ge [sflag:s21], $0xC00  }
0x2b9: {  	[sflag:s21] =	ssyncset.done $0x0  }
0x2ba: {  	[sflag:s21] =	ssyncadd.s32 $0xFFFFF400  }
.LBB2_105:
0x2bb: {  	(v2sf) =	vpush v3, $0xA;
	_ =	sdelay $0xe  }
0x2bc: {  	s0 =	spop (v2sf)  }
0x2bd: {  	p0 =	slt.s32 s0, $0x0  }
.Ltmp54:
0x2be: {  	_ = 	snop;
	(pc) =	sbr.rel @p0 .LBB2_109-.Ltmp54, $1  }
0x2bf: {  	_ =	sdelay $0x3  }
0x2c0: {  	s2 =	sshrl.u32 s0, $0x3  }
0x2c1: {  	s23 =	sshll.u32 s0, $0x7;
	s2 =	smul.u32 $0x6000, s2  }
0x2c2: {  	s0 =	sand.u32 $0x380, s23  }
0x2c3: {  	s0 =	sor.u32 s0, s2  }
0x2c4: {  	s0 =	sshrl.u32 s0, $0x3  }
0x2c5: {  	s31 =	simm.s32 $0x12200;
	s30 =	sadd.s32 s4, s0  }
0x2c6: {  	s2 =	simm.s32 $0x12600;
	s0 =	simm.s32 $0x80;
	s23 =	sadd.s32 $0x0, s30  }
.LBB2_107:
0x2c7: {  	[tilespmem:s31], [sflag:$0x5] =	stream.linear.gather [hbm4b:s23+s1], $0x80, $0x38;
	[tilespmem:$0x18100] =	vst v63  }
0x2c8: {  	s23 =	smov.u32 s0;
	s31 =	smov.u32 s2;
	p0 =	sne.s32 s0, $0xB80  }
.Ltmp55:
0x2c9: {  	s0 =	sadd.s32 $0x80, s0;
	(pc) =	sbr.rel @p0 .LBB2_107-.Ltmp55, $2  }
0x2ca: {  	_ =	sdelay $0x2  }
0x2cb: {  	s2 =	sadd.s32 $0x400, s2;
	s23 =	sadd.s32 s23, s30  }
0x2cc: {  	[tilespmem:s31], [sflag:$0x5] =	stream.linear.gather [hbm4b:s23+s1], $0x80, $0x38;
	[tilespmem:$0x18100] =	vst v63  }
0x2cd: {  	_ =	swait.ge [sflag:s21], $0xC00  }
0x2ce: {  	[sflag:s21] =	ssyncset.done $0x0  }
0x2cf: {  	[sflag:s21] =	ssyncadd.s32 $0xFFFFF400  }
.LBB2_109:
0x2d0: {  	(v2sf) =	vpush v3, $0xB;
	_ =	sdelay $0xe  }
0x2d1: {  	s0 =	spop (v2sf)  }
0x2d2: {  	p0 =	slt.s32 s0, $0x0  }
.Ltmp56:
0x2d3: {  	_ = 	snop;
	(pc) =	sbr.rel @p0 .LBB2_113-.Ltmp56, $1  }
0x2d4: {  	_ =	sdelay $0x3  }
0x2d5: {  	s2 =	sshrl.u32 s0, $0x3  }
0x2d6: {  	s23 =	sshll.u32 s0, $0x7;
	s2 =	smul.u32 $0x6000, s2  }
0x2d7: {  	s0 =	sand.u32 $0x380, s23  }
0x2d8: {  	s0 =	sor.u32 s0, s2  }
0x2d9: {  	s0 =	sshrl.u32 s0, $0x3  }
0x2da: {  	s31 =	simm.s32 $0x12280;
	s30 =	sadd.s32 s4, s0  }
0x2db: {  	s2 =	simm.s32 $0x12680;
	s0 =	simm.s32 $0x80;
	s23 =	sadd.s32 $0x0, s30  }
.LBB2_111:
0x2dc: {  	[tilespmem:s31], [sflag:$0x5] =	stream.linear.gather [hbm4b:s23+s1], $0x80, $0x38;
	[tilespmem:$0x18100] =	vst v63  }
0x2dd: {  	s23 =	smov.u32 s0;
	s31 =	smov.u32 s2;
	p0 =	sne.s32 s0, $0xB80  }
.Ltmp57:
0x2de: {  	s0 =	sadd.s32 $0x80, s0;
	(pc) =	sbr.rel @p0 .LBB2_111-.Ltmp57, $2  }
0x2df: {  	_ =	sdelay $0x2  }
0x2e0: {  	s2 =	sadd.s32 $0x400, s2;
	s23 =	sadd.s32 s23, s30  }
0x2e1: {  	[tilespmem:s31], [sflag:$0x5] =	stream.linear.gather [hbm4b:s23+s1], $0x80, $0x38;
	[tilespmem:$0x18100] =	vst v63  }
0x2e2: {  	_ =	swait.ge [sflag:s21], $0xC00  }
0x2e3: {  	[sflag:s21] =	ssyncset.done $0x0  }
0x2e4: {  	[sflag:s21] =	ssyncadd.s32 $0xFFFFF400  }
.LBB2_113:
0x2e5: {  	(v2sf) =	vpush v3, $0xC;
	_ =	sdelay $0xe  }
0x2e6: {  	s0 =	spop (v2sf)  }
0x2e7: {  	p0 =	slt.s32 s0, $0x0  }
.Ltmp58:
0x2e8: {  	_ = 	snop;
	(pc) =	sbr.rel @p0 .LBB2_117-.Ltmp58, $1  }
0x2e9: {  	_ =	sdelay $0x3  }
0x2ea: {  	s2 =	sshrl.u32 s0, $0x3  }
0x2eb: {  	s23 =	sshll.u32 s0, $0x7;
	s2 =	smul.u32 $0x6000, s2  }
0x2ec: {  	s0 =	sand.u32 $0x380, s23  }
0x2ed: {  	s0 =	sor.u32 s0, s2  }
0x2ee: {  	s0 =	sshrl.u32 s0, $0x3  }
0x2ef: {  	s31 =	simm.s32 $0x12300;
	s30 =	sadd.s32 s4, s0  }
0x2f0: {  	s2 =	simm.s32 $0x12700;
	s0 =	simm.s32 $0x80;
	s23 =	sadd.s32 $0x0, s30  }
.LBB2_115:
0x2f1: {  	[tilespmem:s31], [sflag:$0x5] =	stream.linear.gather [hbm4b:s23+s1], $0x80, $0x38;
	[tilespmem:$0x18100] =	vst v63  }
0x2f2: {  	s23 =	smov.u32 s0;
	s31 =	smov.u32 s2;
	p0 =	sne.s32 s0, $0xB80  }
.Ltmp59:
0x2f3: {  	s0 =	sadd.s32 $0x80, s0;
	(pc) =	sbr.rel @p0 .LBB2_115-.Ltmp59, $2  }
0x2f4: {  	_ =	sdelay $0x2  }
0x2f5: {  	s2 =	sadd.s32 $0x400, s2;
	s23 =	sadd.s32 s23, s30  }
0x2f6: {  	[tilespmem:s31], [sflag:$0x5] =	stream.linear.gather [hbm4b:s23+s1], $0x80, $0x38;
	[tilespmem:$0x18100] =	vst v63  }
0x2f7: {  	_ =	swait.ge [sflag:s21], $0xC00  }
0x2f8: {  	[sflag:s21] =	ssyncset.done $0x0  }
0x2f9: {  	[sflag:s21] =	ssyncadd.s32 $0xFFFFF400  }
.LBB2_117:
0x2fa: {  	(v2sf) =	vpush v3, $0xD;
	_ =	sdelay $0xe  }
0x2fb: {  	s0 =	spop (v2sf)  }
0x2fc: {  	p0 =	slt.s32 s0, $0x0  }
.Ltmp60:
0x2fd: {  	_ = 	snop;
	(pc) =	sbr.rel @p0 .LBB2_121-.Ltmp60, $1  }
0x2fe: {  	_ =	sdelay $0x3  }
0x2ff: {  	s2 =	sshrl.u32 s0, $0x3  }
0x300: {  	s23 =	sshll.u32 s0, $0x7;
	s2 =	smul.u32 $0x6000, s2  }
0x301: {  	s0 =	sand.u32 $0x380, s23  }
0x302: {  	s0 =	sor.u32 s0, s2  }
0x303: {  	s0 =	sshrl.u32 s0, $0x3  }
0x304: {  	s31 =	simm.s32 $0x12380;
	s30 =	sadd.s32 s4, s0  }
0x305: {  	s2 =	simm.s32 $0x12780;
	s0 =	simm.s32 $0x80;
	s23 =	sadd.s32 $0x0, s30  }
.LBB2_119:
0x306: {  	[tilespmem:s31], [sflag:$0x5] =	stream.linear.gather [hbm4b:s23+s1], $0x80, $0x38;
	[tilespmem:$0x18100] =	vst v63  }
0x307: {  	s23 =	smov.u32 s0;
	s31 =	smov.u32 s2;
	p0 =	sne.s32 s0, $0xB80  }
.Ltmp61:
0x308: {  	s0 =	sadd.s32 $0x80, s0;
	(pc) =	sbr.rel @p0 .LBB2_119-.Ltmp61, $2  }
0x309: {  	_ =	sdelay $0x2  }
0x30a: {  	s2 =	sadd.s32 $0x400, s2;
	s23 =	sadd.s32 s23, s30  }
0x30b: {  	[tilespmem:s31], [sflag:$0x5] =	stream.linear.gather [hbm4b:s23+s1], $0x80, $0x38;
	[tilespmem:$0x18100] =	vst v63  }
0x30c: {  	_ =	swait.ge [sflag:s21], $0xC00  }
0x30d: {  	[sflag:s21] =	ssyncset.done $0x0  }
0x30e: {  	[sflag:s21] =	ssyncadd.s32 $0xFFFFF400  }
.LBB2_121:
0x30f: {  	(v2sf) =	vpush v3, $0xE;
	_ =	sdelay $0xe  }
0x310: {  	s0 =	spop (v2sf)  }
0x311: {  	p0 =	slt.s32 s0, $0x0  }
.Ltmp62:
0x312: {  	_ = 	snop;
	(pc) =	sbr.rel @p0 .LBB2_125-.Ltmp62, $1  }
0x313: {  	_ =	sdelay $0x3  }
0x314: {  	s2 =	sshrl.u32 s0, $0x3  }
0x315: {  	s23 =	sshll.u32 s0, $0x7;
	s2 =	smul.u32 $0x6000, s2  }
0x316: {  	s0 =	sand.u32 $0x380, s23  }
0x317: {  	s0 =	sor.u32 s0, s2  }
0x318: {  	s0 =	sshrl.u32 s0, $0x3  }
0x319: {  	s31 =	simm.s32 $0x12400;
	s30 =	sadd.s32 s4, s0  }
0x31a: {  	s2 =	simm.s32 $0x12800;
	s0 =	simm.s32 $0x80;
	s23 =	sadd.s32 $0x0, s30  }
.LBB2_123:
0x31b: {  	[tilespmem:s31], [sflag:$0x5] =	stream.linear.gather [hbm4b:s23+s1], $0x80, $0x38;
	[tilespmem:$0x18100] =	vst v63  }
0x31c: {  	s23 =	smov.u32 s0;
	s31 =	smov.u32 s2;
	p0 =	sne.s32 s0, $0xB80  }
.Ltmp63:
0x31d: {  	s0 =	sadd.s32 $0x80, s0;
	(pc) =	sbr.rel @p0 .LBB2_123-.Ltmp63, $2  }
0x31e: {  	_ =	sdelay $0x2  }
0x31f: {  	s2 =	sadd.s32 $0x400, s2;
	s23 =	sadd.s32 s23, s30  }
0x320: {  	[tilespmem:s31], [sflag:$0x5] =	stream.linear.gather [hbm4b:s23+s1], $0x80, $0x38;
	[tilespmem:$0x18100] =	vst v63  }
0x321: {  	_ =	swait.ge [sflag:s21], $0xC00  }
0x322: {  	[sflag:s21] =	ssyncset.done $0x0  }
0x323: {  	[sflag:s21] =	ssyncadd.s32 $0xFFFFF400  }
.LBB2_125:
0x324: {  	(v2sf) =	vpush v3, $0xF;
	_ =	sdelay $0xe  }
0x325: {  	s0 =	spop (v2sf)  }
0x326: {  	p0 =	slt.s32 s0, $0x0  }
.Ltmp64:
0x327: {  	_ = 	snop;
	(pc) =	sbr.rel @p0 .LBB2_129-.Ltmp64, $1  }
0x328: {  	_ =	sdelay $0x3  }
0x329: {  	s2 =	sshrl.u32 s0, $0x3  }
0x32a: {  	s23 =	sshll.u32 s0, $0x7;
	s2 =	smul.u32 $0x6000, s2  }
0x32b: {  	s0 =	sand.u32 $0x380, s23  }
0x32c: {  	s0 =	sor.u32 s0, s2  }
0x32d: {  	s0 =	sshrl.u32 s0, $0x3  }
0x32e: {  	s31 =	simm.s32 $0x12480;
	s30 =	sadd.s32 s4, s0  }
0x32f: {  	s2 =	simm.s32 $0x12880;
	s0 =	simm.s32 $0x80;
	s23 =	sadd.s32 $0x0, s30  }
.LBB2_127:
0x330: {  	[tilespmem:s31], [sflag:$0x5] =	stream.linear.gather [hbm4b:s23+s1], $0x80, $0x38;
	[tilespmem:$0x18100] =	vst v63  }
0x331: {  	s23 =	smov.u32 s0;
	s31 =	smov.u32 s2;
	p0 =	sne.s32 s0, $0xB80  }
.Ltmp65:
0x332: {  	s0 =	sadd.s32 $0x80, s0;
	(pc) =	sbr.rel @p0 .LBB2_127-.Ltmp65, $2  }
0x333: {  	_ =	sdelay $0x2  }
0x334: {  	s2 =	sadd.s32 $0x400, s2;
	s23 =	sadd.s32 s23, s30  }
.Ltmp66:
0x335: {  	(pc) =	sbr.rel .LBB2_129-.Ltmp66, $4  }
0x336: {  	[tilespmem:s31], [sflag:$0x5] =	stream.linear.gather [hbm4b:s23+s1], $0x80, $0x38;
	[tilespmem:$0x18100] =	vst v63  }
0x337: {  	_ =	swait.ge [sflag:s21], $0xC00  }
0x338: {  	[sflag:s21] =	ssyncset.done $0x0  }
0x339: {  	[sflag:s21] =	ssyncadd.s32 $0xFFFFF400  }
.LBB2_130:
0x33a: {  	_ =	sfence.sel $0x180000  }
0x33b: {  	[bflag:$0x0] =	sbarrier.arrive $0xFFFF  }
0x33c: {  	_ =	strace $0x90000047  }
0x33d: {  	s0 =	stileid.u32;
	[bflag:$0x2] =	sbarrier.arrive $0xFFFF  }
0x33e: {  	p0 =	sne.s32 s0, $0x0;
	s0 =	rddreg [dreg:$0x3]  }
0x33f: {  	s0 =	sadd.s32 @!p0 $0x100000, s0  }
0x340: {  	[sflag:s0] =	ssyncadd.tile.s32 @!p0 $0x1;
	_ =	shalt  }
.Lfunc_end2:
_tile_overlayer_lowered:
.L_overlay_start_2:
0x341: {  	(tag) =	ssettag $0x2  }
0x342: {  	s0 =	rddreg [dreg:$0x0];
	s2 =	stileid.u32  }
0x343: {  	s1 =	rddreg [dreg:$0x1];
	p0 =	sne.s32 s2, $0x0  }
0x344: {  	s3 =	rddreg [dreg:$0x2];
	[bflag:$0x3] =	sbarrier.arrive $0xFFFF;
	s2 =	simm.s32 @!p0 $0x1C05  }
0x345: {  	[timem:s3], [sflag:s2] =	dma.local @!p0 [hbm:s0], s1  }
0x346: {  	s0 =	simm.s32 @!p0 $0x5  }
0x347: {  	_ =	swait.ge @!p0 [sflag:s0], s1  }
0x348: {  	s1 =	ssub.s32 @!p0 $0x0, s1;
	[sflag:s0] =	ssyncset.done @!p0 $0x0  }
0x349: {  	[sflag:s0] =	ssyncadd.s32 @!p0 s1  }
0x34a: {  	[bflag:$0x3] =	sbarrier.arrive $0xFFFF  }
0x34b: {  	_ =	shalt  }

</sc_bundles>
